<compile_context>
chip_gen: v7x
topology: tpu7x:2x2x1
jax: 0.10.2.dev20260603
libtpu: 0.0.44.dev20260713+nightly
codegen_flags: <defaults>
</compile_context>

<pallas_src>
import functools

import jax
import jax.numpy as jnp
from jax import lax
from jax.experimental import pallas as pl
from jax.experimental.pallas import tpu as pltpu
from jax.experimental.pallas import tpu_sc as plsc

N = 10000
E = 320000
D_NODE = 128
D_EDGE = 16
H = 128
L = 3

CHUNK = 128
NUM_CHUNKS = E // CHUNK
NW = 32
MAX_TRIPS = (NUM_CHUNKS + NW - 1) // NW
ZR = 80
NZB = N // ZR
ZTRIPS = (NZB + 15) // 16


def _ln(v, g, b):
    m = jnp.mean(v, axis=-1, keepdims=True)
    var = jnp.mean((v - m) ** 2, axis=-1, keepdims=True)
    return (v - m) / jnp.sqrt(var + 1e-5) * g + b


def _node_embed_body(x_ref, w_ref, b_ref, g_ref, bb_ref, o_ref):
    h = jnp.dot(x_ref[...], w_ref[...], preferred_element_type=jnp.float32)
    h = _ln(h + b_ref[...], g_ref[...], bb_ref[...])
    o_ref[...] = jnp.maximum(h, 0.0)


def _node_embed(x, w, b, g, bb):
    return pl.pallas_call(
        _node_embed_body,
        out_shape=jax.ShapeDtypeStruct((N, H), jnp.float32),
    )(x, w, b.reshape(1, H), g.reshape(1, H), bb.reshape(1, H))


_EB = 6400


def _edge_embed_body(ea_ref, w_ref, b_ref, g_ref, bb_ref, o_ref):
    h = jnp.dot(ea_ref[...], w_ref[...], preferred_element_type=jnp.float32)
    h = _ln(h + b_ref[...], g_ref[...], bb_ref[...])
    o_ref[...] = jnp.maximum(h, 0.0)


def _edge_embed(edge_attr, w, b, g, bb):
    nblk = E // _EB
    return pl.pallas_call(
        _edge_embed_body,
        grid=(nblk,),
        in_specs=[
            pl.BlockSpec((_EB, D_EDGE), lambda i: (i, 0)),
            pl.BlockSpec((D_EDGE, H), lambda i: (0, 0)),
            pl.BlockSpec((1, H), lambda i: (0, 0)),
            pl.BlockSpec((1, H), lambda i: (0, 0)),
            pl.BlockSpec((1, H), lambda i: (0, 0)),
        ],
        out_specs=pl.BlockSpec((_EB, H), lambda i: (i, 0)),
        out_shape=jax.ShapeDtypeStruct((E, H), jnp.float32),
    )(edge_attr, w, b.reshape(1, H), g.reshape(1, H), bb.reshape(1, H))


def _sc_body(h_hbm, ee_hbm, src_hbm, dst_hbm, z_hbm, out_hbm,
             src_v, dst_v, rows_v, ee_v, aggr_sh, sem):
    cid = lax.axis_index("c")
    sid = lax.axis_index("s")
    wid = sid * 2 + cid

    pltpu.sync_copy(z_hbm, rows_v)

    def zbody(i, carry):
        b = sid + i * 16

        @pl.when(b < NZB)
        def _():
            row0 = pl.multiple_of(b * ZR, ZR)
            pltpu.sync_copy(rows_v.at[pl.ds(0, ZR)], aggr_sh.at[pl.ds(row0, ZR)])

        return carry

    lax.fori_loop(0, ZTRIPS, zbody, 0)
    plsc.subcore_barrier()

    def trip(i, _):
        c = wid + i * NW

        @pl.when(c < NUM_CHUNKS)
        def _():
            base = pl.multiple_of(c * CHUNK, CHUNK)
            pltpu.sync_copy(src_hbm.at[pl.ds(base, CHUNK)], src_v)
            pltpu.sync_copy(dst_hbm.at[pl.ds(base, CHUNK)], dst_v)
            pltpu.async_copy(h_hbm.at[src_v], rows_v, sem).wait()
            pltpu.sync_copy(ee_hbm.at[pl.ds(base, CHUNK)], ee_v)

            def addrow(r, carry):
                for j in range(H // 16):
                    sl = pl.ds(j * 16, 16)
                    rows_v[r, sl] = rows_v[r, sl] + ee_v[r, sl]
                return carry

            lax.fori_loop(0, CHUNK, addrow, 0)
            pltpu.sync_copy(rows_v, aggr_sh.at[dst_v], add=True)

        return 0

    lax.fori_loop(0, MAX_TRIPS, trip, 0)
    plsc.subcore_barrier()

    def dbody(i, carry):
        b = sid + i * 16

        @pl.when(b < NZB)
        def _():
            row0 = pl.multiple_of(b * ZR, ZR)
            pltpu.sync_copy(aggr_sh.at[pl.ds(row0, ZR)], rows_v.at[pl.ds(0, ZR)])
            pltpu.sync_copy(rows_v.at[pl.ds(0, ZR)],
                            out_hbm.at[cid, pl.ds(row0, ZR)])

        return carry

    lax.fori_loop(0, ZTRIPS, dbody, 0)


def _sc_aggregate(h, ee, src, dst, zeros_blk):
    mesh = plsc.VectorSubcoreMesh(core_axis_name="c", subcore_axis_name="s")
    f = functools.partial(
        pl.kernel,
        out_type=jax.ShapeDtypeStruct((2, N, H), jnp.float32),
        mesh=mesh,
        scratch_types=[
            pltpu.VMEM((CHUNK,), jnp.int32),
            pltpu.VMEM((CHUNK,), jnp.int32),
            pltpu.VMEM((CHUNK, H), jnp.float32),
            pltpu.VMEM((CHUNK, H), jnp.float32),
            pltpu.VMEM_SHARED((N, H), jnp.float32),
            pltpu.SemaphoreType.DMA,
        ],
    )(_sc_body)
    return f(h, ee, src, dst, zeros_blk)


def _loop_row_body(sl_ref, ew_ref, eb_ref, eg_ref, ebb_ref, o_ref):
    row = jnp.dot(sl_ref[...], ew_ref[...], preferred_element_type=jnp.float32)
    o_ref[...] = jnp.maximum(_ln(row + eb_ref[...], eg_ref[...], ebb_ref[...]),
                             0.0)


def _loop_row(sl_attr, ew, eb, eg, ebb):
    return pl.pallas_call(
        _loop_row_body,
        out_shape=jax.ShapeDtypeStruct((1, H), jnp.float32),
    )(sl_attr.reshape(1, D_EDGE), ew, eb.reshape(1, H), eg.reshape(1, H),
      ebb.reshape(1, H))


def _mlp_body(p_ref, h_ref, lr_ref, w1_ref, b1_ref, w2_ref, b2_ref,
              bg_ref, bb_ref, o_ref, *, last):
    aggr = p_ref[0] + p_ref[1] + h_ref[...] + lr_ref[...]
    t = jnp.dot(aggr, w1_ref[...], preferred_element_type=jnp.float32)
    t = jax.nn.gelu(t + b1_ref[...])
    o = jnp.dot(t, w2_ref[...], preferred_element_type=jnp.float32)
    o = o + b2_ref[...]
    mu = jnp.mean(o, axis=0, keepdims=True)
    var = jnp.mean((o - mu) ** 2, axis=0, keepdims=True)
    o = (o - mu) / jnp.sqrt(var + 1e-5) * bg_ref[...] + bb_ref[...]
    if not last:
        o = jnp.maximum(o, 0.0)
    o_ref[...] = o


def _mlp_bn(p, h, loop_row, w1, b1, w2, b2, bg, bb, last):
    return pl.pallas_call(
        functools.partial(_mlp_body, last=last),
        out_shape=jax.ShapeDtypeStruct((N, H), jnp.float32),
    )(p, h, loop_row, w1, b1.reshape(1, 2 * H),
      w2, b2.reshape(1, H), bg.reshape(1, H), bb.reshape(1, H))


def kernel(x, edge_index, edge_attr, node_W, node_b, node_ln_g, node_ln_b,
           self_loop_attr, edge_W, edge_b, edge_ln_g, edge_ln_b,
           mlp_W1, mlp_b1, mlp_W2, mlp_b2, bn_g, bn_b):
    src = edge_index[0]
    dst = edge_index[1]
    zeros_blk = jnp.zeros((CHUNK, H), jnp.float32)

    h = _node_embed(x, node_W, node_b, node_ln_g, node_ln_b)
    for l in range(L):
        ee = _edge_embed(edge_attr, edge_W[l], edge_b[l],
                         edge_ln_g[l], edge_ln_b[l])
        p = _sc_aggregate(h, ee, src, dst, zeros_blk)
        lr = _loop_row(self_loop_attr[l], edge_W[l], edge_b[l],
                       edge_ln_g[l], edge_ln_b[l])
        h = _mlp_bn(p, h, lr, mlp_W1[l], mlp_b1[l],
                    mlp_W2[l], mlp_b2[l], bn_g[l], bn_b[l], last=(l == L - 1))
    return h

# --- scband reference (transcript-rebuilt; emitter-appended) ---
"""Pipeline reference for scband-gin-53352083751497 (READ-ONLY COPY).

The authoritative reference and input builder live on the scoring server;
editing this copy changes nothing except your own understanding.
"""

import jax, jax.numpy as jnp
import numpy as np

N = 10000
E = 320000
D_NODE = 128
D_EDGE = 16
H = 128
L = 3


def _layernorm(v, g, b):
    m = jnp.mean(v, axis=-1, keepdims=True)
    var = jnp.var(v, axis=-1, keepdims=True)
    return (v - m) / jnp.sqrt(var + 1e-5) * g + b


def setup_inputs(seed: int = 0) -> dict:
    key = jax.random.key(seed)
    ks = jax.random.split(key, 24)
    inp = {}
    inp['x'] = jax.random.normal(ks[0], (N, D_NODE), dtype=jnp.float32)
    inp['edge_index'] = jax.random.randint(ks[1], (2, E), 0, N, dtype=jnp.int32)
    inp['edge_attr'] = jax.random.normal(ks[2], (E, D_EDGE), dtype=jnp.float32)
    # node embed: Linear(node_dim -> hidden) + LayerNorm
    inp['node_W'] = jax.random.normal(ks[3], (D_NODE, H), dtype=jnp.float32) * (2.0 / H) ** 0.5
    inp['node_b'] = jnp.zeros((H,), dtype=jnp.float32)
    inp['node_ln_g'] = jnp.ones((H,), dtype=jnp.float32)
    inp['node_ln_b'] = jnp.zeros((H,), dtype=jnp.float32)
    # per-layer GINConv params (stacked over layers)
    inp['self_loop_attr'] = jax.random.normal(ks[4], (L, D_EDGE), dtype=jnp.float32)
    inp['edge_W'] = jax.random.normal(ks[5], (L, D_EDGE, H), dtype=jnp.float32) * (2.0 / H) ** 0.5
    inp['edge_b'] = jnp.zeros((L, H), dtype=jnp.float32)
    inp['edge_ln_g'] = jnp.ones((L, H), dtype=jnp.float32)
    inp['edge_ln_b'] = jnp.zeros((L, H), dtype=jnp.float32)
    inp['mlp_W1'] = jax.random.normal(ks[6], (L, H, 2 * H), dtype=jnp.float32) * (1.0 / H) ** 0.5
    inp['mlp_b1'] = jnp.zeros((L, 2 * H), dtype=jnp.float32)
    inp['mlp_W2'] = jax.random.normal(ks[7], (L, 2 * H, H), dtype=jnp.float32) * (1.0 / (2 * H)) ** 0.5
    inp['mlp_b2'] = jnp.zeros((L, H), dtype=jnp.float32)
    inp['bn_g'] = jnp.ones((L, H), dtype=jnp.float32)
    inp['bn_b'] = jnp.zeros((L, H), dtype=jnp.float32)
    return inp


def reference(x, edge_index, edge_attr, node_W, node_b, node_ln_g, node_ln_b,
              self_loop_attr, edge_W, edge_b, edge_ln_g, edge_ln_b,
              mlp_W1, mlp_b1, mlp_W2, mlp_b2, bn_g, bn_b):
    n = x.shape[0]
    # node embed: Linear + LayerNorm + ReLU
    h = jax.nn.relu(_layernorm(x @ node_W + node_b, node_ln_g, node_ln_b))
    # add self loops once (same topology every layer)
    loop = jnp.arange(n, dtype=edge_index.dtype)
    ei = jnp.concatenate([edge_index, jnp.stack([loop, loop])], axis=1)
    src, dst = ei[0], ei[1]
    for l in range(L):
        # concat self-loop edge attrs, then edge embed: Linear + LayerNorm + ReLU
        ea = jnp.concatenate(
            [edge_attr, jnp.broadcast_to(self_loop_attr[l][None, :], (n, D_EDGE))], axis=0)
        ee = jax.nn.relu(_layernorm(ea @ edge_W[l] + edge_b[l], edge_ln_g[l], edge_ln_b[l]))
        # message: x_j + edge_attr ; aggregate: scatter-add at dst
        msg = h[src] + ee
        aggr = jnp.zeros((n, H), dtype=h.dtype).at[dst].add(msg)
        # update MLP: Linear -> GELU -> Linear (dropout p=0.2 inactive at eval)
        out = jax.nn.gelu(aggr @ mlp_W1[l] + mlp_b1[l]) @ mlp_W2[l] + mlp_b2[l]
        # BatchNorm1d (batch statistics over nodes)
        mu = jnp.mean(out, axis=0)
        var = jnp.var(out, axis=0)
        out = (out - mu) / jnp.sqrt(var + 1e-5) * bn_g[l] + bn_b[l]
        if l < L - 1:
            out = jax.nn.relu(out)
        h = out
    return h

if __name__ == "__main__":
    import jax
    _d = setup_inputs()
    print(jax.jit(kernel)(*tuple(_d.values())))

</pallas_src>

<mosaic_0001>
#map = affine_map<(d0, d1) -> (0, 0)>
#map1 = affine_map<(d0, d1) -> (0)>
#map2 = affine_map<(d0, d1) -> (0, 0, 0)>
module attributes {stable_mosaic.version = 14 : i64} {
  func.func @_sc_body(%arg0: i32, %arg1: i32, %arg2: memref<10000x128xf32, #tpu.memory_space<hbm>>, %arg3: memref<320000x128xf32, #tpu.memory_space<hbm>>, %arg4: memref<320000xi32, #tpu.memory_space<hbm>>, %arg5: memref<320000xi32, #tpu.memory_space<hbm>>, %arg6: memref<128x128xf32, #tpu.memory_space<hbm>>, %arg7: memref<2x10000x128xf32, #tpu.memory_space<hbm>>, %arg8: memref<128xi32, #tpu.memory_space<vmem>>, %arg9: memref<128xi32, #tpu.memory_space<vmem>>, %arg10: memref<128x128xf32, #tpu.memory_space<vmem>>, %arg11: memref<128x128xf32, #tpu.memory_space<vmem>>, %arg12: memref<10000x128xf32, #tpu.memory_space<vmem_shared>>, %arg13: memref<!tpu.dma_semaphore, #tpu.memory_space<semaphore_mem>>) attributes {dimension_semantics = [#tpu.dimension_semantics<core_parallel>, #tpu.dimension_semantics<subcore_parallel>], iteration_bounds = array<i64: 2, 16>, scalar_prefetch = 0 : i64, scratch_operands = 6 : i64, tpu.core_type = #tpu.core_type<sc_vector_subcore>, window_params = [{transform_indices = #map}, {transform_indices = #map}, {transform_indices = #map1}, {transform_indices = #map1}, {transform_indices = #map}, {transform_indices = #map2}]} {
    %mul3A = arith.constant 2 : i32
    %mul3A_0 = arith.muli %arg1, %mul3A : i32
    %add3A = arith.addi %mul3A_0, %arg0 : i32
    "tpu.region"() ({
      %run_scoped3A = tpu.sem_alloc : memref<!tpu.dma_semaphore, #tpu.memory_space<semaphore_mem>>
      tpu.enqueue_dma source(%arg6 : memref<128x128xf32, #tpu.memory_space<hbm>>) target(%arg10 : memref<128x128xf32, #tpu.memory_space<vmem>>) target_semaphore(%run_scoped3A : memref<!tpu.dma_semaphore, #tpu.memory_space<semaphore_mem>>)
      tpu.wait_dma2 semaphore(%run_scoped3A : memref<!tpu.dma_semaphore, #tpu.memory_space<semaphore_mem>>) src(%arg6 : memref<128x128xf32, #tpu.memory_space<hbm>>) dst(%arg10 : memref<128x128xf32, #tpu.memory_space<vmem>>)
      tpu.yield
    }) : () -> ()
    %scan3A = arith.constant 0 : i32
    %scan3A_1 = arith.constant 0 : i32
    %scan3A_2 = arith.constant 8 : i32
    %scan3A_3 = arith.addi %scan3A_1, %scan3A_2 : i32
    %scan3A_4 = arith.constant 1 : i32
    scf.for %scan3A_20 = %scan3A_1 to %scan3A_3 step %scan3A_4  : i32 {
      %mul3A_21 = arith.constant 16 : i32
      %mul3A_22 = arith.muli %scan3A_20, %mul3A_21 : i32
      %add3A_23 = arith.addi %arg1, %mul3A_22 : i32
      %lt3A = arith.constant 125 : i32
      %lt3A_24 = arith.cmpi slt, %add3A_23, %lt3A : i32
      %convert_element_type3A = arith.extui %lt3A_24 : i1 to i32
      %cond3A = arith.constant 0 : i32
      %cond3A_25 = arith.cmpi ne, %convert_element_type3A, %cond3A : i32
      scf.if %cond3A_25 {
        %mul3A_26 = arith.constant 80 : i32
        %mul3A_27 = arith.muli %add3A_23, %mul3A_26 : i32
        %multiple_of3A = tpu.assume_multiple %mul3A_27, 80 : i32
        "tpu.region"() ({
          %run_scoped3A = tpu.sem_alloc : memref<!tpu.dma_semaphore, #tpu.memory_space<semaphore_mem>>
          %dma_start3A = arith.constant 0 : i32
          %dma_start3A_28 = arith.constant 0 : i32
          %dma_start3A_29 = tpu.memref_slice %arg10[%dma_start3A, %dma_start3A_28] : memref<128x128xf32, #tpu.memory_space<vmem>> -> memref<80x128xf32, #tpu.memory_space<vmem>>
          %dma_start3A_30 = arith.constant 0 : i32
          %dma_start3A_31 = tpu.memref_slice %arg12[%multiple_of3A, %dma_start3A_30] : memref<10000x128xf32, #tpu.memory_space<vmem_shared>> -> memref<80x128xf32, #tpu.memory_space<vmem_shared>>
          %dma_start3A_32 = arith.constant 0 : i32
          %dma_start3A_33 = tpu.memref_slice %arg12[%multiple_of3A, %dma_start3A_32] : memref<10000x128xf32, #tpu.memory_space<vmem_shared>> -> memref<80x128xf32, #tpu.memory_space<vmem_shared>>
          %dma_start3A_34 = arith.constant 0 : i32
          %dma_start3A_35 = arith.constant 0 : i32
          %dma_start3A_36 = tpu.memref_slice %arg10[%dma_start3A_34, %dma_start3A_35] : memref<128x128xf32, #tpu.memory_space<vmem>> -> memref<80x128xf32, #tpu.memory_space<vmem>>
          tpu.enqueue_dma source(%dma_start3A_36 : memref<80x128xf32, #tpu.memory_space<vmem>>) target(%dma_start3A_33 : memref<80x128xf32, #tpu.memory_space<vmem_shared>>) target_semaphore(%run_scoped3A : memref<!tpu.dma_semaphore, #tpu.memory_space<semaphore_mem>>)
          %dma_wait3A = arith.constant 0 : i32
          %dma_wait3A_37 = arith.constant 0 : i32
          %dma_wait3A_38 = tpu.memref_slice %arg10[%dma_wait3A, %dma_wait3A_37] : memref<128x128xf32, #tpu.memory_space<vmem>> -> memref<80x128xf32, #tpu.memory_space<vmem>>
          %dma_wait3A_39 = arith.constant 0 : i32
          %dma_wait3A_40 = tpu.memref_slice %arg12[%multiple_of3A, %dma_wait3A_39] : memref<10000x128xf32, #tpu.memory_space<vmem_shared>> -> memref<80x128xf32, #tpu.memory_space<vmem_shared>>
          %dma_wait3A_41 = arith.constant 0 : i32
          %dma_wait3A_42 = tpu.memref_slice %arg12[%multiple_of3A, %dma_wait3A_41] : memref<10000x128xf32, #tpu.memory_space<vmem_shared>> -> memref<80x128xf32, #tpu.memory_space<vmem_shared>>
          %dma_wait3A_43 = arith.constant 0 : i32
          %dma_wait3A_44 = arith.constant 0 : i32
          %dma_wait3A_45 = tpu.memref_slice %arg10[%dma_wait3A_43, %dma_wait3A_44] : memref<128x128xf32, #tpu.memory_space<vmem>> -> memref<80x128xf32, #tpu.memory_space<vmem>>
          tpu.wait_dma2 semaphore(%run_scoped3A : memref<!tpu.dma_semaphore, #tpu.memory_space<semaphore_mem>>) src(%dma_wait3A_45 : memref<80x128xf32, #tpu.memory_space<vmem>>) dst(%dma_wait3A_42 : memref<80x128xf32, #tpu.memory_space<vmem_shared>>)
          tpu.yield
        }) : () -> ()
      } else {
      }
    }
    %scan3A_5 = arith.constant 8 : i32
    %barrier3A = arith.constant 0 : index
    tpu.barrier barrier_id(%barrier3A)
    %scan3A_6 = arith.constant 0 : i32
    %scan3A_7 = arith.constant 0 : i32
    %scan3A_8 = arith.constant 79 : i32
    %scan3A_9 = arith.addi %scan3A_7, %scan3A_8 : i32
    %scan3A_10 = arith.constant 1 : i32
    %scan3A_11 = scf.for %scan3A_20 = %scan3A_7 to %scan3A_9 step %scan3A_10 iter_args(%scan3A_21 = %scan3A_6) -> (i32)  : i32 {
      %mul3A_22 = arith.constant 32 : i32
      %mul3A_23 = arith.muli %scan3A_20, %mul3A_22 : i32
      %add3A_24 = arith.addi %add3A, %mul3A_23 : i32
      %lt3A = arith.constant 2500 : i32
      %lt3A_25 = arith.cmpi slt, %add3A_24, %lt3A : i32
      %convert_element_type3A = arith.extui %lt3A_25 : i1 to i32
      %cond3A = arith.constant 0 : i32
      %cond3A_26 = arith.cmpi ne, %convert_element_type3A, %cond3A : i32
      scf.if %cond3A_26 {
        %mul3A_28 = arith.constant 128 : i32
        %mul3A_29 = arith.muli %add3A_24, %mul3A_28 : i32
        %multiple_of3A = tpu.assume_multiple %mul3A_29, 128 : i32
        "tpu.region"() ({
          %run_scoped3A = tpu.sem_alloc : memref<!tpu.dma_semaphore, #tpu.memory_space<semaphore_mem>>
          %dma_start3A_40 = tpu.memref_slice %arg4[%multiple_of3A] : memref<320000xi32, #tpu.memory_space<hbm>> -> memref<128xi32, #tpu.memory_space<hbm>>
          %dma_start3A_41 = tpu.memref_slice %arg4[%multiple_of3A] : memref<320000xi32, #tpu.memory_space<hbm>> -> memref<128xi32, #tpu.memory_space<hbm>>
          tpu.enqueue_dma source(%dma_start3A_41 : memref<128xi32, #tpu.memory_space<hbm>>) target(%arg8 : memref<128xi32, #tpu.memory_space<vmem>>) target_semaphore(%run_scoped3A : memref<!tpu.dma_semaphore, #tpu.memory_space<semaphore_mem>>)
          %dma_wait3A_42 = tpu.memref_slice %arg4[%multiple_of3A] : memref<320000xi32, #tpu.memory_space<hbm>> -> memref<128xi32, #tpu.memory_space<hbm>>
          %dma_wait3A_43 = tpu.memref_slice %arg4[%multiple_of3A] : memref<320000xi32, #tpu.memory_space<hbm>> -> memref<128xi32, #tpu.memory_space<hbm>>
          tpu.wait_dma2 semaphore(%run_scoped3A : memref<!tpu.dma_semaphore, #tpu.memory_space<semaphore_mem>>) src(%dma_wait3A_43 : memref<128xi32, #tpu.memory_space<hbm>>) dst(%arg8 : memref<128xi32, #tpu.memory_space<vmem>>)
          tpu.yield
        }) : () -> ()
        "tpu.region"() ({
          %run_scoped3A = tpu.sem_alloc : memref<!tpu.dma_semaphore, #tpu.memory_space<semaphore_mem>>
          %dma_start3A_40 = tpu.memref_slice %arg5[%multiple_of3A] : memref<320000xi32, #tpu.memory_space<hbm>> -> memref<128xi32, #tpu.memory_space<hbm>>
          %dma_start3A_41 = tpu.memref_slice %arg5[%multiple_of3A] : memref<320000xi32, #tpu.memory_space<hbm>> -> memref<128xi32, #tpu.memory_space<hbm>>
          tpu.enqueue_dma source(%dma_start3A_41 : memref<128xi32, #tpu.memory_space<hbm>>) target(%arg9 : memref<128xi32, #tpu.memory_space<vmem>>) target_semaphore(%run_scoped3A : memref<!tpu.dma_semaphore, #tpu.memory_space<semaphore_mem>>)
          %dma_wait3A_42 = tpu.memref_slice %arg5[%multiple_of3A] : memref<320000xi32, #tpu.memory_space<hbm>> -> memref<128xi32, #tpu.memory_space<hbm>>
          %dma_wait3A_43 = tpu.memref_slice %arg5[%multiple_of3A] : memref<320000xi32, #tpu.memory_space<hbm>> -> memref<128xi32, #tpu.memory_space<hbm>>
          tpu.wait_dma2 semaphore(%run_scoped3A : memref<!tpu.dma_semaphore, #tpu.memory_space<semaphore_mem>>) src(%dma_wait3A_43 : memref<128xi32, #tpu.memory_space<hbm>>) dst(%arg9 : memref<128xi32, #tpu.memory_space<vmem>>)
          tpu.yield
        }) : () -> ()
        %dma_start3A = arith.constant 0 : i32
        %dma_start3A_30 = arith.constant 0 : i32
        %dma_start3A_31 = tpu.memref_slice %arg2[%dma_start3A, %dma_start3A_30] : memref<10000x128xf32, #tpu.memory_space<hbm>> -> memref<10000x128xf32, #tpu.memory_space<hbm>>
        tpu.enqueue_indirect_dma source(%dma_start3A_31 : memref<10000x128xf32, #tpu.memory_space<hbm>>) target(%arg10 : memref<128x128xf32, #tpu.memory_space<vmem>>) offsets(%arg8 : memref<128xi32, #tpu.memory_space<vmem>>) semaphore(%arg13 : memref<!tpu.dma_semaphore, #tpu.memory_space<semaphore_mem>>)
        %dma_wait3A = arith.constant 0 : i32
        %dma_wait3A_32 = arith.constant 0 : i32
        %dma_wait3A_33 = tpu.memref_slice %arg2[%dma_wait3A, %dma_wait3A_32] : memref<10000x128xf32, #tpu.memory_space<hbm>> -> memref<10000x128xf32, #tpu.memory_space<hbm>>
        tpu.wait_indirect_dma semaphore(%arg13 : memref<!tpu.dma_semaphore, #tpu.memory_space<semaphore_mem>>) src(%dma_wait3A_33 : memref<10000x128xf32, #tpu.memory_space<hbm>>) dst(%arg10 : memref<128x128xf32, #tpu.memory_space<vmem>>)
        "tpu.region"() ({
          %run_scoped3A = tpu.sem_alloc : memref<!tpu.dma_semaphore, #tpu.memory_space<semaphore_mem>>
          %dma_start3A_40 = arith.constant 0 : i32
          %dma_start3A_41 = tpu.memref_slice %arg3[%multiple_of3A, %dma_start3A_40] : memref<320000x128xf32, #tpu.memory_space<hbm>> -> memref<128x128xf32, #tpu.memory_space<hbm>>
          %dma_start3A_42 = arith.constant 0 : i32
          %dma_start3A_43 = tpu.memref_slice %arg3[%multiple_of3A, %dma_start3A_42] : memref<320000x128xf32, #tpu.memory_space<hbm>> -> memref<128x128xf32, #tpu.memory_space<hbm>>
          tpu.enqueue_dma source(%dma_start3A_43 : memref<128x128xf32, #tpu.memory_space<hbm>>) target(%arg11 : memref<128x128xf32, #tpu.memory_space<vmem>>) target_semaphore(%run_scoped3A : memref<!tpu.dma_semaphore, #tpu.memory_space<semaphore_mem>>)
          %dma_wait3A_44 = arith.constant 0 : i32
          %dma_wait3A_45 = tpu.memref_slice %arg3[%multiple_of3A, %dma_wait3A_44] : memref<320000x128xf32, #tpu.memory_space<hbm>> -> memref<128x128xf32, #tpu.memory_space<hbm>>
          %dma_wait3A_46 = arith.constant 0 : i32
          %dma_wait3A_47 = tpu.memref_slice %arg3[%multiple_of3A, %dma_wait3A_46] : memref<320000x128xf32, #tpu.memory_space<hbm>> -> memref<128x128xf32, #tpu.memory_space<hbm>>
          tpu.wait_dma2 semaphore(%run_scoped3A : memref<!tpu.dma_semaphore, #tpu.memory_space<semaphore_mem>>) src(%dma_wait3A_47 : memref<128x128xf32, #tpu.memory_space<hbm>>) dst(%arg11 : memref<128x128xf32, #tpu.memory_space<vmem>>)
          tpu.yield
        }) : () -> ()
        %scan3A_34 = arith.constant 0 : i32
        %scan3A_35 = arith.constant 0 : i32
        %scan3A_36 = arith.constant 128 : i32
        %scan3A_37 = arith.addi %scan3A_35, %scan3A_36 : i32
        %scan3A_38 = arith.constant 1 : i32
        scf.for %scan3A_40 = %scan3A_35 to %scan3A_37 step %scan3A_38  : i32 {
          %get3A = arith.index_cast %scan3A_40 : i32 to index
          %get3A_41 = arith.constant 0 : index
          %get3A_42 = tpu.vector_load %arg10[%get3A, %get3A_41] {strides = array<i32>} : memref<128x128xf32, #tpu.memory_space<vmem>>, vector<1x16xf32>,
          %get3A_43 = vector.shape_cast %get3A_42 : vector<1x16xf32> to vector<16xf32>
          %get3A_44 = arith.index_cast %scan3A_40 : i32 to index
          %get3A_45 = arith.constant 0 : index
          %get3A_46 = tpu.vector_load %arg11[%get3A_44, %get3A_45] {strides = array<i32>} : memref<128x128xf32, #tpu.memory_space<vmem>>, vector<1x16xf32>,
          %get3A_47 = vector.shape_cast %get3A_46 : vector<1x16xf32> to vector<16xf32>
          %add3A_48 = arith.addf %get3A_43, %get3A_47 : vector<16xf32>
          %swap3A = arith.index_cast %scan3A_40 : i32 to index
          %swap3A_49 = arith.constant 0 : index
          %swap3A_50 = tpu.vector_load %arg10[%swap3A, %swap3A_49] {strides = array<i32>} : memref<128x128xf32, #tpu.memory_space<vmem>>, vector<1x16xf32>,
          %swap3A_51 = vector.shape_cast %swap3A_50 : vector<1x16xf32> to vector<16xf32>
          %swap3A_52 = vector.shape_cast %add3A_48 : vector<16xf32> to vector<1x16xf32>
          tpu.vector_store %arg10[%swap3A, %swap3A_49], %swap3A_52 {strides = array<i32>} : memref<128x128xf32, #tpu.memory_space<vmem>>, vector<1x16xf32>,
          %get3A_53 = arith.index_cast %scan3A_40 : i32 to index
          %get3A_54 = arith.constant 16 : index
          %get3A_55 = tpu.vector_load %arg10[%get3A_53, %get3A_54] {strides = array<i32>} : memref<128x128xf32, #tpu.memory_space<vmem>>, vector<1x16xf32>,
          %get3A_56 = vector.shape_cast %get3A_55 : vector<1x16xf32> to vector<16xf32>
          %get3A_57 = arith.index_cast %scan3A_40 : i32 to index
          %get3A_58 = arith.constant 16 : index
          %get3A_59 = tpu.vector_load %arg11[%get3A_57, %get3A_58] {strides = array<i32>} : memref<128x128xf32, #tpu.memory_space<vmem>>, vector<1x16xf32>,
          %get3A_60 = vector.shape_cast %get3A_59 : vector<1x16xf32> to vector<16xf32>
          %add3A_61 = arith.addf %get3A_56, %get3A_60 : vector<16xf32>
          %swap3A_62 = arith.index_cast %scan3A_40 : i32 to index
          %swap3A_63 = arith.constant 16 : index
          %swap3A_64 = tpu.vector_load %arg10[%swap3A_62, %swap3A_63] {strides = array<i32>} : memref<128x128xf32, #tpu.memory_space<vmem>>, vector<1x16xf32>,
          %swap3A_65 = vector.shape_cast %swap3A_64 : vector<1x16xf32> to vector<16xf32>
          %swap3A_66 = vector.shape_cast %add3A_61 : vector<16xf32> to vector<1x16xf32>
          tpu.vector_store %arg10[%swap3A_62, %swap3A_63], %swap3A_66 {strides = array<i32>} : memref<128x128xf32, #tpu.memory_space<vmem>>, vector<1x16xf32>,
          %get3A_67 = arith.index_cast %scan3A_40 : i32 to index
          %get3A_68 = arith.constant 32 : index
          %get3A_69 = tpu.vector_load %arg10[%get3A_67, %get3A_68] {strides = array<i32>} : memref<128x128xf32, #tpu.memory_space<vmem>>, vector<1x16xf32>,
          %get3A_70 = vector.shape_cast %get3A_69 : vector<1x16xf32> to vector<16xf32>
          %get3A_71 = arith.index_cast %scan3A_40 : i32 to index
          %get3A_72 = arith.constant 32 : index
          %get3A_73 = tpu.vector_load %arg11[%get3A_71, %get3A_72] {strides = array<i32>} : memref<128x128xf32, #tpu.memory_space<vmem>>, vector<1x16xf32>,
          %get3A_74 = vector.shape_cast %get3A_73 : vector<1x16xf32> to vector<16xf32>
          %add3A_75 = arith.addf %get3A_70, %get3A_74 : vector<16xf32>
          %swap3A_76 = arith.index_cast %scan3A_40 : i32 to index
          %swap3A_77 = arith.constant 32 : index
          %swap3A_78 = tpu.vector_load %arg10[%swap3A_76, %swap3A_77] {strides = array<i32>} : memref<128x128xf32, #tpu.memory_space<vmem>>, vector<1x16xf32>,
          %swap3A_79 = vector.shape_cast %swap3A_78 : vector<1x16xf32> to vector<16xf32>
          %swap3A_80 = vector.shape_cast %add3A_75 : vector<16xf32> to vector<1x16xf32>
          tpu.vector_store %arg10[%swap3A_76, %swap3A_77], %swap3A_80 {strides = array<i32>} : memref<128x128xf32, #tpu.memory_space<vmem>>, vector<1x16xf32>,
          %get3A_81 = arith.index_cast %scan3A_40 : i32 to index
          %get3A_82 = arith.constant 48 : index
          %get3A_83 = tpu.vector_load %arg10[%get3A_81, %get3A_82] {strides = array<i32>} : memref<128x128xf32, #tpu.memory_space<vmem>>, vector<1x16xf32>,
          %get3A_84 = vector.shape_cast %get3A_83 : vector<1x16xf32> to vector<16xf32>
          %get3A_85 = arith.index_cast %scan3A_40 : i32 to index
          %get3A_86 = arith.constant 48 : index
          %get3A_87 = tpu.vector_load %arg11[%get3A_85, %get3A_86] {strides = array<i32>} : memref<128x128xf32, #tpu.memory_space<vmem>>, vector<1x16xf32>,
          %get3A_88 = vector.shape_cast %get3A_87 : vector<1x16xf32> to vector<16xf32>
          %add3A_89 = arith.addf %get3A_84, %get3A_88 : vector<16xf32>
          %swap3A_90 = arith.index_cast %scan3A_40 : i32 to index
          %swap3A_91 = arith.constant 48 : index
          %swap3A_92 = tpu.vector_load %arg10[%swap3A_90, %swap3A_91] {strides = array<i32>} : memref<128x128xf32, #tpu.memory_space<vmem>>, vector<1x16xf32>,
          %swap3A_93 = vector.shape_cast %swap3A_92 : vector<1x16xf32> to vector<16xf32>
          %swap3A_94 = vector.shape_cast %add3A_89 : vector<16xf32> to vector<1x16xf32>
          tpu.vector_store %arg10[%swap3A_90, %swap3A_91], %swap3A_94 {strides = array<i32>} : memref<128x128xf32, #tpu.memory_space<vmem>>, vector<1x16xf32>,
          %get3A_95 = arith.index_cast %scan3A_40 : i32 to index
          %get3A_96 = arith.constant 64 : index
          %get3A_97 = tpu.vector_load %arg10[%get3A_95, %get3A_96] {strides = array<i32>} : memref<128x128xf32, #tpu.memory_space<vmem>>, vector<1x16xf32>,
          %get3A_98 = vector.shape_cast %get3A_97 : vector<1x16xf32> to vector<16xf32>
          %get3A_99 = arith.index_cast %scan3A_40 : i32 to index
          %get3A_100 = arith.constant 64 : index
          %get3A_101 = tpu.vector_load %arg11[%get3A_99, %get3A_100] {strides = array<i32>} : memref<128x128xf32, #tpu.memory_space<vmem>>, vector<1x16xf32>,
          %get3A_102 = vector.shape_cast %get3A_101 : vector<1x16xf32> to vector<16xf32>
          %add3A_103 = arith.addf %get3A_98, %get3A_102 : vector<16xf32>
          %swap3A_104 = arith.index_cast %scan3A_40 : i32 to index
          %swap3A_105 = arith.constant 64 : index
          %swap3A_106 = tpu.vector_load %arg10[%swap3A_104, %swap3A_105] {strides = array<i32>} : memref<128x128xf32, #tpu.memory_space<vmem>>, vector<1x16xf32>,
          %swap3A_107 = vector.shape_cast %swap3A_106 : vector<1x16xf32> to vector<16xf32>
          %swap3A_108 = vector.shape_cast %add3A_103 : vector<16xf32> to vector<1x16xf32>
          tpu.vector_store %arg10[%swap3A_104, %swap3A_105], %swap3A_108 {strides = array<i32>} : memref<128x128xf32, #tpu.memory_space<vmem>>, vector<1x16xf32>,
          %get3A_109 = arith.index_cast %scan3A_40 : i32 to index
          %get3A_110 = arith.constant 80 : index
          %get3A_111 = tpu.vector_load %arg10[%get3A_109, %get3A_110] {strides = array<i32>} : memref<128x128xf32, #tpu.memory_space<vmem>>, vector<1x16xf32>,
          %get3A_112 = vector.shape_cast %get3A_111 : vector<1x16xf32> to vector<16xf32>
          %get3A_113 = arith.index_cast %scan3A_40 : i32 to index
          %get3A_114 = arith.constant 80 : index
          %get3A_115 = tpu.vector_load %arg11[%get3A_113, %get3A_114] {strides = array<i32>} : memref<128x128xf32, #tpu.memory_space<vmem>>, vector<1x16xf32>,
          %get3A_116 = vector.shape_cast %get3A_115 : vector<1x16xf32> to vector<16xf32>
          %add3A_117 = arith.addf %get3A_112, %get3A_116 : vector<16xf32>
          %swap3A_118 = arith.index_cast %scan3A_40 : i32 to index
          %swap3A_119 = arith.constant 80 : index
          %swap3A_120 = tpu.vector_load %arg10[%swap3A_118, %swap3A_119] {strides = array<i32>} : memref<128x128xf32, #tpu.memory_space<vmem>>, vector<1x16xf32>,
          %swap3A_121 = vector.shape_cast %swap3A_120 : vector<1x16xf32> to vector<16xf32>
          %swap3A_122 = vector.shape_cast %add3A_117 : vector<16xf32> to vector<1x16xf32>
          tpu.vector_store %arg10[%swap3A_118, %swap3A_119], %swap3A_122 {strides = array<i32>} : memref<128x128xf32, #tpu.memory_space<vmem>>, vector<1x16xf32>,
          %get3A_123 = arith.index_cast %scan3A_40 : i32 to index
          %get3A_124 = arith.constant 96 : index
          %get3A_125 = tpu.vector_load %arg10[%get3A_123, %get3A_124] {strides = array<i32>} : memref<128x128xf32, #tpu.memory_space<vmem>>, vector<1x16xf32>,
          %get3A_126 = vector.shape_cast %get3A_125 : vector<1x16xf32> to vector<16xf32>
          %get3A_127 = arith.index_cast %scan3A_40 : i32 to index
          %get3A_128 = arith.constant 96 : index
          %get3A_129 = tpu.vector_load %arg11[%get3A_127, %get3A_128] {strides = array<i32>} : memref<128x128xf32, #tpu.memory_space<vmem>>, vector<1x16xf32>,
          %get3A_130 = vector.shape_cast %get3A_129 : vector<1x16xf32> to vector<16xf32>
          %add3A_131 = arith.addf %get3A_126, %get3A_130 : vector<16xf32>
          %swap3A_132 = arith.index_cast %scan3A_40 : i32 to index
          %swap3A_133 = arith.constant 96 : index
          %swap3A_134 = tpu.vector_load %arg10[%swap3A_132, %swap3A_133] {strides = array<i32>} : memref<128x128xf32, #tpu.memory_space<vmem>>, vector<1x16xf32>,
          %swap3A_135 = vector.shape_cast %swap3A_134 : vector<1x16xf32> to vector<16xf32>
          %swap3A_136 = vector.shape_cast %add3A_131 : vector<16xf32> to vector<1x16xf32>
          tpu.vector_store %arg10[%swap3A_132, %swap3A_133], %swap3A_136 {strides = array<i32>} : memref<128x128xf32, #tpu.memory_space<vmem>>, vector<1x16xf32>,
          %get3A_137 = arith.index_cast %scan3A_40 : i32 to index
          %get3A_138 = arith.constant 112 : index
          %get3A_139 = tpu.vector_load %arg10[%get3A_137, %get3A_138] {strides = array<i32>} : memref<128x128xf32, #tpu.memory_space<vmem>>, vector<1x16xf32>,
          %get3A_140 = vector.shape_cast %get3A_139 : vector<1x16xf32> to vector<16xf32>
          %get3A_141 = arith.index_cast %scan3A_40 : i32 to index
          %get3A_142 = arith.constant 112 : index
          %get3A_143 = tpu.vector_load %arg11[%get3A_141, %get3A_142] {strides = array<i32>} : memref<128x128xf32, #tpu.memory_space<vmem>>, vector<1x16xf32>,
          %get3A_144 = vector.shape_cast %get3A_143 : vector<1x16xf32> to vector<16xf32>
          %add3A_145 = arith.addf %get3A_140, %get3A_144 : vector<16xf32>
          %swap3A_146 = arith.index_cast %scan3A_40 : i32 to index
          %swap3A_147 = arith.constant 112 : index
          %swap3A_148 = tpu.vector_load %arg10[%swap3A_146, %swap3A_147] {strides = array<i32>} : memref<128x128xf32, #tpu.memory_space<vmem>>, vector<1x16xf32>,
          %swap3A_149 = vector.shape_cast %swap3A_148 : vector<1x16xf32> to vector<16xf32>
          %swap3A_150 = vector.shape_cast %add3A_145 : vector<16xf32> to vector<1x16xf32>
          tpu.vector_store %arg10[%swap3A_146, %swap3A_147], %swap3A_150 {strides = array<i32>} : memref<128x128xf32, #tpu.memory_space<vmem>>, vector<1x16xf32>,
        }
        %scan3A_39 = arith.constant 128 : i32
        "tpu.region"() ({
          %run_scoped3A = tpu.sem_alloc : memref<!tpu.dma_semaphore, #tpu.memory_space<semaphore_mem>>
          %dma_start3A_40 = arith.constant 0 : i32
          %dma_start3A_41 = arith.constant 0 : i32
          %dma_start3A_42 = tpu.memref_slice %arg12[%dma_start3A_40, %dma_start3A_41] : memref<10000x128xf32, #tpu.memory_space<vmem_shared>> -> memref<10000x128xf32, #tpu.memory_space<vmem_shared>>
          tpu.enqueue_indirect_dma source(%arg10 : memref<128x128xf32, #tpu.memory_space<vmem>>) target(%dma_start3A_42 : memref<10000x128xf32, #tpu.memory_space<vmem_shared>>) offsets(%arg9 : memref<128xi32, #tpu.memory_space<vmem>>) semaphore(%run_scoped3A : memref<!tpu.dma_semaphore, #tpu.memory_space<semaphore_mem>>) {add = true}
          %dma_wait3A_43 = arith.constant 0 : i32
          %dma_wait3A_44 = arith.constant 0 : i32
          %dma_wait3A_45 = tpu.memref_slice %arg12[%dma_wait3A_43, %dma_wait3A_44] : memref<10000x128xf32, #tpu.memory_space<vmem_shared>> -> memref<10000x128xf32, #tpu.memory_space<vmem_shared>>
          tpu.wait_indirect_dma semaphore(%run_scoped3A : memref<!tpu.dma_semaphore, #tpu.memory_space<semaphore_mem>>) src(%arg10 : memref<128x128xf32, #tpu.memory_space<vmem>>) dst(%dma_wait3A_45 : memref<10000x128xf32, #tpu.memory_space<vmem_shared>>)
          tpu.yield
        }) : () -> ()
      } else {
      }
      %scan3A_27 = arith.constant 0 : i32
      scf.yield %scan3A_27 : i32
    }
    %scan3A_12 = arith.constant 79 : i32
    %barrier3A_13 = arith.constant 0 : index
    tpu.barrier barrier_id(%barrier3A_13)
    %scan3A_14 = arith.constant 0 : i32
    %scan3A_15 = arith.constant 0 : i32
    %scan3A_16 = arith.constant 8 : i32
    %scan3A_17 = arith.addi %scan3A_15, %scan3A_16 : i32
    %scan3A_18 = arith.constant 1 : i32
    scf.for %scan3A_20 = %scan3A_15 to %scan3A_17 step %scan3A_18  : i32 {
      %mul3A_21 = arith.constant 16 : i32
      %mul3A_22 = arith.muli %scan3A_20, %mul3A_21 : i32
      %add3A_23 = arith.addi %arg1, %mul3A_22 : i32
      %lt3A = arith.constant 125 : i32
      %lt3A_24 = arith.cmpi slt, %add3A_23, %lt3A : i32
      %convert_element_type3A = arith.extui %lt3A_24 : i1 to i32
      %cond3A = arith.constant 0 : i32
      %cond3A_25 = arith.cmpi ne, %convert_element_type3A, %cond3A : i32
      scf.if %cond3A_25 {
        %mul3A_26 = arith.constant 80 : i32
        %mul3A_27 = arith.muli %add3A_23, %mul3A_26 : i32
        %multiple_of3A = tpu.assume_multiple %mul3A_27, 80 : i32
        "tpu.region"() ({
          %run_scoped3A = tpu.sem_alloc : memref<!tpu.dma_semaphore, #tpu.memory_space<semaphore_mem>>
          %dma_start3A = arith.constant 0 : i32
          %dma_start3A_28 = arith.constant 0 : i32
          %dma_start3A_29 = tpu.memref_slice %arg10[%dma_start3A, %dma_start3A_28] : memref<128x128xf32, #tpu.memory_space<vmem>> -> memref<80x128xf32, #tpu.memory_space<vmem>>
          %dma_start3A_30 = arith.constant 0 : i32
          %dma_start3A_31 = tpu.memref_slice %arg12[%multiple_of3A, %dma_start3A_30] : memref<10000x128xf32, #tpu.memory_space<vmem_shared>> -> memref<80x128xf32, #tpu.memory_space<vmem_shared>>
          %dma_start3A_32 = arith.constant 0 : i32
          %dma_start3A_33 = arith.constant 0 : i32
          %dma_start3A_34 = tpu.memref_slice %arg10[%dma_start3A_32, %dma_start3A_33] : memref<128x128xf32, #tpu.memory_space<vmem>> -> memref<80x128xf32, #tpu.memory_space<vmem>>
          %dma_start3A_35 = arith.constant 0 : i32
          %dma_start3A_36 = tpu.memref_slice %arg12[%multiple_of3A, %dma_start3A_35] : memref<10000x128xf32, #tpu.memory_space<vmem_shared>> -> memref<80x128xf32, #tpu.memory_space<vmem_shared>>
          tpu.enqueue_dma source(%dma_start3A_36 : memref<80x128xf32, #tpu.memory_space<vmem_shared>>) target(%dma_start3A_34 : memref<80x128xf32, #tpu.memory_space<vmem>>) target_semaphore(%run_scoped3A : memref<!tpu.dma_semaphore, #tpu.memory_space<semaphore_mem>>)
          %dma_wait3A = arith.constant 0 : i32
          %dma_wait3A_37 = arith.constant 0 : i32
          %dma_wait3A_38 = tpu.memref_slice %arg10[%dma_wait3A, %dma_wait3A_37] : memref<128x128xf32, #tpu.memory_space<vmem>> -> memref<80x128xf32, #tpu.memory_space<vmem>>
          %dma_wait3A_39 = arith.constant 0 : i32
          %dma_wait3A_40 = tpu.memref_slice %arg12[%multiple_of3A, %dma_wait3A_39] : memref<10000x128xf32, #tpu.memory_space<vmem_shared>> -> memref<80x128xf32, #tpu.memory_space<vmem_shared>>
          %dma_wait3A_41 = arith.constant 0 : i32
          %dma_wait3A_42 = arith.constant 0 : i32
          %dma_wait3A_43 = tpu.memref_slice %arg10[%dma_wait3A_41, %dma_wait3A_42] : memref<128x128xf32, #tpu.memory_space<vmem>> -> memref<80x128xf32, #tpu.memory_space<vmem>>
          %dma_wait3A_44 = arith.constant 0 : i32
          %dma_wait3A_45 = tpu.memref_slice %arg12[%multiple_of3A, %dma_wait3A_44] : memref<10000x128xf32, #tpu.memory_space<vmem_shared>> -> memref<80x128xf32, #tpu.memory_space<vmem_shared>>
          tpu.wait_dma2 semaphore(%run_scoped3A : memref<!tpu.dma_semaphore, #tpu.memory_space<semaphore_mem>>) src(%dma_wait3A_45 : memref<80x128xf32, #tpu.memory_space<vmem_shared>>) dst(%dma_wait3A_43 : memref<80x128xf32, #tpu.memory_space<vmem>>)
          tpu.yield
        }) : () -> ()
        "tpu.region"() ({
          %run_scoped3A = tpu.sem_alloc : memref<!tpu.dma_semaphore, #tpu.memory_space<semaphore_mem>>
          %dma_start3A = arith.constant 0 : i32
          %dma_start3A_28 = arith.constant 0 : i32
          %dma_start3A_29 = tpu.memref_slice %arg10[%dma_start3A, %dma_start3A_28] : memref<128x128xf32, #tpu.memory_space<vmem>> -> memref<80x128xf32, #tpu.memory_space<vmem>>
          %dma_start3A_30 = arith.constant 0 : i32
          %dma_start3A_31 = tpu.memref_slice %arg7[%arg0, %multiple_of3A, %dma_start3A_30] : memref<2x10000x128xf32, #tpu.memory_space<hbm>> -> memref<1x80x128xf32, #tpu.memory_space<hbm>>
          %dma_start3A_32 = tpu.memref_squeeze %dma_start3A_31 : memref<1x80x128xf32, #tpu.memory_space<hbm>> -> memref<80x128xf32, #tpu.memory_space<hbm>>
          %dma_start3A_33 = arith.constant 0 : i32
          %dma_start3A_34 = tpu.memref_slice %arg7[%arg0, %multiple_of3A, %dma_start3A_33] : memref<2x10000x128xf32, #tpu.memory_space<hbm>> -> memref<1x80x128xf32, #tpu.memory_space<hbm>>
          %dma_start3A_35 = tpu.memref_squeeze %dma_start3A_34 : memref<1x80x128xf32, #tpu.memory_space<hbm>> -> memref<80x128xf32, #tpu.memory_space<hbm>>
          %dma_start3A_36 = arith.constant 0 : i32
          %dma_start3A_37 = arith.constant 0 : i32
          %dma_start3A_38 = tpu.memref_slice %arg10[%dma_start3A_36, %dma_start3A_37] : memref<128x128xf32, #tpu.memory_space<vmem>> -> memref<80x128xf32, #tpu.memory_space<vmem>>
          tpu.enqueue_dma source(%dma_start3A_38 : memref<80x128xf32, #tpu.memory_space<vmem>>) target(%dma_start3A_35 : memref<80x128xf32, #tpu.memory_space<hbm>>) target_semaphore(%run_scoped3A : memref<!tpu.dma_semaphore, #tpu.memory_space<semaphore_mem>>)
          %dma_wait3A = arith.constant 0 : i32
          %dma_wait3A_39 = arith.constant 0 : i32
          %dma_wait3A_40 = tpu.memref_slice %arg10[%dma_wait3A, %dma_wait3A_39] : memref<128x128xf32, #tpu.memory_space<vmem>> -> memref<80x128xf32, #tpu.memory_space<vmem>>
          %dma_wait3A_41 = arith.constant 0 : i32
          %dma_wait3A_42 = tpu.memref_slice %arg7[%arg0, %multiple_of3A, %dma_wait3A_41] : memref<2x10000x128xf32, #tpu.memory_space<hbm>> -> memref<1x80x128xf32, #tpu.memory_space<hbm>>
          %dma_wait3A_43 = tpu.memref_squeeze %dma_wait3A_42 : memref<1x80x128xf32, #tpu.memory_space<hbm>> -> memref<80x128xf32, #tpu.memory_space<hbm>>
          %dma_wait3A_44 = arith.constant 0 : i32
          %dma_wait3A_45 = tpu.memref_slice %arg7[%arg0, %multiple_of3A, %dma_wait3A_44] : memref<2x10000x128xf32, #tpu.memory_space<hbm>> -> memref<1x80x128xf32, #tpu.memory_space<hbm>>
          %dma_wait3A_46 = tpu.memref_squeeze %dma_wait3A_45 : memref<1x80x128xf32, #tpu.memory_space<hbm>> -> memref<80x128xf32, #tpu.memory_space<hbm>>
          %dma_wait3A_47 = arith.constant 0 : i32
          %dma_wait3A_48 = arith.constant 0 : i32
          %dma_wait3A_49 = tpu.memref_slice %arg10[%dma_wait3A_47, %dma_wait3A_48] : memref<128x128xf32, #tpu.memory_space<vmem>> -> memref<80x128xf32, #tpu.memory_space<vmem>>
          tpu.wait_dma2 semaphore(%run_scoped3A : memref<!tpu.dma_semaphore, #tpu.memory_space<semaphore_mem>>) src(%dma_wait3A_49 : memref<80x128xf32, #tpu.memory_space<vmem>>) dst(%dma_wait3A_46 : memref<80x128xf32, #tpu.memory_space<hbm>>)
          tpu.yield
        }) : () -> ()
      } else {
      }
    }
    %scan3A_19 = arith.constant 8 : i32
    return
  }
}

#map = affine_map<(d0, d1) -> (0, 0)>
#map1 = affine_map<(d0, d1) -> (0)>
#map2 = affine_map<(d0, d1) -> (0, 0, 0)>
module attributes {stable_mosaic.version = 14 : i64} {
  func.func @_sc_body(%arg0: i32, %arg1: i32, %arg2: memref<10000x128xf32, #tpu.memory_space<hbm>>, %arg3: memref<320000x128xf32, #tpu.memory_space<hbm>>, %arg4: memref<320000xi32, #tpu.memory_space<hbm>>, %arg5: memref<320000xi32, #tpu.memory_space<hbm>>, %arg6: memref<128x128xf32, #tpu.memory_space<hbm>>, %arg7: memref<2x10000x128xf32, #tpu.memory_space<hbm>>, %arg8: memref<128xi32, #tpu.memory_space<vmem>>, %arg9: memref<128xi32, #tpu.memory_space<vmem>>, %arg10: memref<128x128xf32, #tpu.memory_space<vmem>>, %arg11: memref<128x128xf32, #tpu.memory_space<vmem>>, %arg12: memref<10000x128xf32, #tpu.memory_space<vmem_shared>>, %arg13: memref<!tpu.dma_semaphore, #tpu.memory_space<semaphore_mem>>) attributes {dimension_semantics = [#tpu.dimension_semantics<core_parallel>, #tpu.dimension_semantics<subcore_parallel>], iteration_bounds = array<i64: 2, 16>, scalar_prefetch = 0 : i64, scratch_operands = 6 : i64, tpu.core_type = #tpu.core_type<sc_vector_subcore>, window_params = [{transform_indices = #map}, {transform_indices = #map}, {transform_indices = #map1}, {transform_indices = #map1}, {transform_indices = #map}, {transform_indices = #map2}]} {
    %mul3A = arith.constant 2 : i32
    %mul3A_0 = arith.muli %arg1, %mul3A : i32
    %add3A = arith.addi %mul3A_0, %arg0 : i32
    "tpu.region"() ({
      %run_scoped3A = tpu.sem_alloc : memref<!tpu.dma_semaphore, #tpu.memory_space<semaphore_mem>>
      tpu.enqueue_dma source(%arg6 : memref<128x128xf32, #tpu.memory_space<hbm>>) target(%arg10 : memref<128x128xf32, #tpu.memory_space<vmem>>) target_semaphore(%run_scoped3A : memref<!tpu.dma_semaphore, #tpu.memory_space<semaphore_mem>>)
      tpu.wait_dma2 semaphore(%run_scoped3A : memref<!tpu.dma_semaphore, #tpu.memory_space<semaphore_mem>>) src(%arg6 : memref<128x128xf32, #tpu.memory_space<hbm>>) dst(%arg10 : memref<128x128xf32, #tpu.memory_space<vmem>>)
      tpu.yield
    }) : () -> ()
    %scan3A = arith.constant 0 : i32
    %scan3A_1 = arith.constant 0 : i32
    %scan3A_2 = arith.constant 8 : i32
    %scan3A_3 = arith.addi %scan3A_1, %scan3A_2 : i32
    %scan3A_4 = arith.constant 1 : i32
    scf.for %scan3A_20 = %scan3A_1 to %scan3A_3 step %scan3A_4  : i32 {
      %mul3A_21 = arith.constant 16 : i32
      %mul3A_22 = arith.muli %scan3A_20, %mul3A_21 : i32
      %add3A_23 = arith.addi %arg1, %mul3A_22 : i32
      %lt3A = arith.constant 125 : i32
      %lt3A_24 = arith.cmpi slt, %add3A_23, %lt3A : i32
      %convert_element_type3A = arith.extui %lt3A_24 : i1 to i32
      %cond3A = arith.constant 0 : i32
      %cond3A_25 = arith.cmpi ne, %convert_element_type3A, %cond3A : i32
      scf.if %cond3A_25 {
        %mul3A_26 = arith.constant 80 : i32
        %mul3A_27 = arith.muli %add3A_23, %mul3A_26 : i32
        %multiple_of3A = tpu.assume_multiple %mul3A_27, 80 : i32
        "tpu.region"() ({
          %run_scoped3A = tpu.sem_alloc : memref<!tpu.dma_semaphore, #tpu.memory_space<semaphore_mem>>
          %dma_start3A = arith.constant 0 : i32
          %dma_start3A_28 = arith.constant 0 : i32
          %dma_start3A_29 = tpu.memref_slice %arg10[%dma_start3A, %dma_start3A_28] : memref<128x128xf32, #tpu.memory_space<vmem>> -> memref<80x128xf32, #tpu.memory_space<vmem>>
          %dma_start3A_30 = arith.constant 0 : i32
          %dma_start3A_31 = tpu.memref_slice %arg12[%multiple_of3A, %dma_start3A_30] : memref<10000x128xf32, #tpu.memory_space<vmem_shared>> -> memref<80x128xf32, #tpu.memory_space<vmem_shared>>
          %dma_start3A_32 = arith.constant 0 : i32
          %dma_start3A_33 = tpu.memref_slice %arg12[%multiple_of3A, %dma_start3A_32] : memref<10000x128xf32, #tpu.memory_space<vmem_shared>> -> memref<80x128xf32, #tpu.memory_space<vmem_shared>>
          %dma_start3A_34 = arith.constant 0 : i32
          %dma_start3A_35 = arith.constant 0 : i32
          %dma_start3A_36 = tpu.memref_slice %arg10[%dma_start3A_34, %dma_start3A_35] : memref<128x128xf32, #tpu.memory_space<vmem>> -> memref<80x128xf32, #tpu.memory_space<vmem>>
          tpu.enqueue_dma source(%dma_start3A_36 : memref<80x128xf32, #tpu.memory_space<vmem>>) target(%dma_start3A_33 : memref<80x128xf32, #tpu.memory_space<vmem_shared>>) target_semaphore(%run_scoped3A : memref<!tpu.dma_semaphore, #tpu.memory_space<semaphore_mem>>)
          %dma_wait3A = arith.constant 0 : i32
          %dma_wait3A_37 = arith.constant 0 : i32
          %dma_wait3A_38 = tpu.memref_slice %arg10[%dma_wait3A, %dma_wait3A_37] : memref<128x128xf32, #tpu.memory_space<vmem>> -> memref<80x128xf32, #tpu.memory_space<vmem>>
          %dma_wait3A_39 = arith.constant 0 : i32
          %dma_wait3A_40 = tpu.memref_slice %arg12[%multiple_of3A, %dma_wait3A_39] : memref<10000x128xf32, #tpu.memory_space<vmem_shared>> -> memref<80x128xf32, #tpu.memory_space<vmem_shared>>
          %dma_wait3A_41 = arith.constant 0 : i32
          %dma_wait3A_42 = tpu.memref_slice %arg12[%multiple_of3A, %dma_wait3A_41] : memref<10000x128xf32, #tpu.memory_space<vmem_shared>> -> memref<80x128xf32, #tpu.memory_space<vmem_shared>>
          %dma_wait3A_43 = arith.constant 0 : i32
          %dma_wait3A_44 = arith.constant 0 : i32
          %dma_wait3A_45 = tpu.memref_slice %arg10[%dma_wait3A_43, %dma_wait3A_44] : memref<128x128xf32, #tpu.memory_space<vmem>> -> memref<80x128xf32, #tpu.memory_space<vmem>>
          tpu.wait_dma2 semaphore(%run_scoped3A : memref<!tpu.dma_semaphore, #tpu.memory_space<semaphore_mem>>) src(%dma_wait3A_45 : memref<80x128xf32, #tpu.memory_space<vmem>>) dst(%dma_wait3A_42 : memref<80x128xf32, #tpu.memory_space<vmem_shared>>)
          tpu.yield
        }) : () -> ()
      } else {
      }
    }
    %scan3A_5 = arith.constant 8 : i32
    %barrier3A = arith.constant 0 : index
    tpu.barrier barrier_id(%barrier3A)
    %scan3A_6 = arith.constant 0 : i32
    %scan3A_7 = arith.constant 0 : i32
    %scan3A_8 = arith.constant 79 : i32
    %scan3A_9 = arith.addi %scan3A_7, %scan3A_8 : i32
    %scan3A_10 = arith.constant 1 : i32
    %scan3A_11 = scf.for %scan3A_20 = %scan3A_7 to %scan3A_9 step %scan3A_10 iter_args(%scan3A_21 = %scan3A_6) -> (i32)  : i32 {
      %mul3A_22 = arith.constant 32 : i32
      %mul3A_23 = arith.muli %scan3A_20, %mul3A_22 : i32
      %add3A_24 = arith.addi %add3A, %mul3A_23 : i32
      %lt3A = arith.constant 2500 : i32
      %lt3A_25 = arith.cmpi slt, %add3A_24, %lt3A : i32
      %convert_element_type3A = arith.extui %lt3A_25 : i1 to i32
      %cond3A = arith.constant 0 : i32
      %cond3A_26 = arith.cmpi ne, %convert_element_type3A, %cond3A : i32
      scf.if %cond3A_26 {
        %mul3A_28 = arith.constant 128 : i32
        %mul3A_29 = arith.muli %add3A_24, %mul3A_28 : i32
        %multiple_of3A = tpu.assume_multiple %mul3A_29, 128 : i32
        "tpu.region"() ({
          %run_scoped3A = tpu.sem_alloc : memref<!tpu.dma_semaphore, #tpu.memory_space<semaphore_mem>>
          %dma_start3A_40 = tpu.memref_slice %arg4[%multiple_of3A] : memref<320000xi32, #tpu.memory_space<hbm>> -> memref<128xi32, #tpu.memory_space<hbm>>
          %dma_start3A_41 = tpu.memref_slice %arg4[%multiple_of3A] : memref<320000xi32, #tpu.memory_space<hbm>> -> memref<128xi32, #tpu.memory_space<hbm>>
          tpu.enqueue_dma source(%dma_start3A_41 : memref<128xi32, #tpu.memory_space<hbm>>) target(%arg8 : memref<128xi32, #tpu.memory_space<vmem>>) target_semaphore(%run_scoped3A : memref<!tpu.dma_semaphore, #tpu.memory_space<semaphore_mem>>)
          %dma_wait3A_42 = tpu.memref_slice %arg4[%multiple_of3A] : memref<320000xi32, #tpu.memory_space<hbm>> -> memref<128xi32, #tpu.memory_space<hbm>>
          %dma_wait3A_43 = tpu.memref_slice %arg4[%multiple_of3A] : memref<320000xi32, #tpu.memory_space<hbm>> -> memref<128xi32, #tpu.memory_space<hbm>>
          tpu.wait_dma2 semaphore(%run_scoped3A : memref<!tpu.dma_semaphore, #tpu.memory_space<semaphore_mem>>) src(%dma_wait3A_43 : memref<128xi32, #tpu.memory_space<hbm>>) dst(%arg8 : memref<128xi32, #tpu.memory_space<vmem>>)
          tpu.yield
        }) : () -> ()
        "tpu.region"() ({
          %run_scoped3A = tpu.sem_alloc : memref<!tpu.dma_semaphore, #tpu.memory_space<semaphore_mem>>
          %dma_start3A_40 = tpu.memref_slice %arg5[%multiple_of3A] : memref<320000xi32, #tpu.memory_space<hbm>> -> memref<128xi32, #tpu.memory_space<hbm>>
          %dma_start3A_41 = tpu.memref_slice %arg5[%multiple_of3A] : memref<320000xi32, #tpu.memory_space<hbm>> -> memref<128xi32, #tpu.memory_space<hbm>>
          tpu.enqueue_dma source(%dma_start3A_41 : memref<128xi32, #tpu.memory_space<hbm>>) target(%arg9 : memref<128xi32, #tpu.memory_space<vmem>>) target_semaphore(%run_scoped3A : memref<!tpu.dma_semaphore, #tpu.memory_space<semaphore_mem>>)
          %dma_wait3A_42 = tpu.memref_slice %arg5[%multiple_of3A] : memref<320000xi32, #tpu.memory_space<hbm>> -> memref<128xi32, #tpu.memory_space<hbm>>
          %dma_wait3A_43 = tpu.memref_slice %arg5[%multiple_of3A] : memref<320000xi32, #tpu.memory_space<hbm>> -> memref<128xi32, #tpu.memory_space<hbm>>
          tpu.wait_dma2 semaphore(%run_scoped3A : memref<!tpu.dma_semaphore, #tpu.memory_space<semaphore_mem>>) src(%dma_wait3A_43 : memref<128xi32, #tpu.memory_space<hbm>>) dst(%arg9 : memref<128xi32, #tpu.memory_space<vmem>>)
          tpu.yield
        }) : () -> ()
        %dma_start3A = arith.constant 0 : i32
        %dma_start3A_30 = arith.constant 0 : i32
        %dma_start3A_31 = tpu.memref_slice %arg2[%dma_start3A, %dma_start3A_30] : memref<10000x128xf32, #tpu.memory_space<hbm>> -> memref<10000x128xf32, #tpu.memory_space<hbm>>
        tpu.enqueue_indirect_dma source(%dma_start3A_31 : memref<10000x128xf32, #tpu.memory_space<hbm>>) target(%arg10 : memref<128x128xf32, #tpu.memory_space<vmem>>) offsets(%arg8 : memref<128xi32, #tpu.memory_space<vmem>>) semaphore(%arg13 : memref<!tpu.dma_semaphore, #tpu.memory_space<semaphore_mem>>)
        %dma_wait3A = arith.constant 0 : i32
        %dma_wait3A_32 = arith.constant 0 : i32
        %dma_wait3A_33 = tpu.memref_slice %arg2[%dma_wait3A, %dma_wait3A_32] : memref<10000x128xf32, #tpu.memory_space<hbm>> -> memref<10000x128xf32, #tpu.memory_space<hbm>>
        tpu.wait_indirect_dma semaphore(%arg13 : memref<!tpu.dma_semaphore, #tpu.memory_space<semaphore_mem>>) src(%dma_wait3A_33 : memref<10000x128xf32, #tpu.memory_space<hbm>>) dst(%arg10 : memref<128x128xf32, #tpu.memory_space<vmem>>)
        "tpu.region"() ({
          %run_scoped3A = tpu.sem_alloc : memref<!tpu.dma_semaphore, #tpu.memory_space<semaphore_mem>>
          %dma_start3A_40 = arith.constant 0 : i32
          %dma_start3A_41 = tpu.memref_slice %arg3[%multiple_of3A, %dma_start3A_40] : memref<320000x128xf32, #tpu.memory_space<hbm>> -> memref<128x128xf32, #tpu.memory_space<hbm>>
          %dma_start3A_42 = arith.constant 0 : i32
          %dma_start3A_43 = tpu.memref_slice %arg3[%multiple_of3A, %dma_start3A_42] : memref<320000x128xf32, #tpu.memory_space<hbm>> -> memref<128x128xf32, #tpu.memory_space<hbm>>
          tpu.enqueue_dma source(%dma_start3A_43 : memref<128x128xf32, #tpu.memory_space<hbm>>) target(%arg11 : memref<128x128xf32, #tpu.memory_space<vmem>>) target_semaphore(%run_scoped3A : memref<!tpu.dma_semaphore, #tpu.memory_space<semaphore_mem>>)
          %dma_wait3A_44 = arith.constant 0 : i32
          %dma_wait3A_45 = tpu.memref_slice %arg3[%multiple_of3A, %dma_wait3A_44] : memref<320000x128xf32, #tpu.memory_space<hbm>> -> memref<128x128xf32, #tpu.memory_space<hbm>>
          %dma_wait3A_46 = arith.constant 0 : i32
          %dma_wait3A_47 = tpu.memref_slice %arg3[%multiple_of3A, %dma_wait3A_46] : memref<320000x128xf32, #tpu.memory_space<hbm>> -> memref<128x128xf32, #tpu.memory_space<hbm>>
          tpu.wait_dma2 semaphore(%run_scoped3A : memref<!tpu.dma_semaphore, #tpu.memory_space<semaphore_mem>>) src(%dma_wait3A_47 : memref<128x128xf32, #tpu.memory_space<hbm>>) dst(%arg11 : memref<128x128xf32, #tpu.memory_space<vmem>>)
          tpu.yield
        }) : () -> ()
        %scan3A_34 = arith.constant 0 : i32
        %scan3A_35 = arith.constant 0 : i32
        %scan3A_36 = arith.constant 128 : i32
        %scan3A_37 = arith.addi %scan3A_35, %scan3A_36 : i32
        %scan3A_38 = arith.constant 1 : i32
        scf.for %scan3A_40 = %scan3A_35 to %scan3A_37 step %scan3A_38  : i32 {
          %get3A = arith.index_cast %scan3A_40 : i32 to index
          %get3A_41 = arith.constant 0 : index
          %get3A_42 = tpu.vector_load %arg10[%get3A, %get3A_41] {strides = array<i32>} : memref<128x128xf32, #tpu.memory_space<vmem>>, vector<1x16xf32>,
          %get3A_43 = vector.shape_cast %get3A_42 : vector<1x16xf32> to vector<16xf32>
          %get3A_44 = arith.index_cast %scan3A_40 : i32 to index
          %get3A_45 = arith.constant 0 : index
          %get3A_46 = tpu.vector_load %arg11[%get3A_44, %get3A_45] {strides = array<i32>} : memref<128x128xf32, #tpu.memory_space<vmem>>, vector<1x16xf32>,
          %get3A_47 = vector.shape_cast %get3A_46 : vector<1x16xf32> to vector<16xf32>
          %add3A_48 = arith.addf %get3A_43, %get3A_47 : vector<16xf32>
          %swap3A = arith.index_cast %scan3A_40 : i32 to index
          %swap3A_49 = arith.constant 0 : index
          %swap3A_50 = tpu.vector_load %arg10[%swap3A, %swap3A_49] {strides = array<i32>} : memref<128x128xf32, #tpu.memory_space<vmem>>, vector<1x16xf32>,
          %swap3A_51 = vector.shape_cast %swap3A_50 : vector<1x16xf32> to vector<16xf32>
          %swap3A_52 = vector.shape_cast %add3A_48 : vector<16xf32> to vector<1x16xf32>
          tpu.vector_store %arg10[%swap3A, %swap3A_49], %swap3A_52 {strides = array<i32>} : memref<128x128xf32, #tpu.memory_space<vmem>>, vector<1x16xf32>,
          %get3A_53 = arith.index_cast %scan3A_40 : i32 to index
          %get3A_54 = arith.constant 16 : index
          %get3A_55 = tpu.vector_load %arg10[%get3A_53, %get3A_54] {strides = array<i32>} : memref<128x128xf32, #tpu.memory_space<vmem>>, vector<1x16xf32>,
          %get3A_56 = vector.shape_cast %get3A_55 : vector<1x16xf32> to vector<16xf32>
          %get3A_57 = arith.index_cast %scan3A_40 : i32 to index
          %get3A_58 = arith.constant 16 : index
          %get3A_59 = tpu.vector_load %arg11[%get3A_57, %get3A_58] {strides = array<i32>} : memref<128x128xf32, #tpu.memory_space<vmem>>, vector<1x16xf32>,
          %get3A_60 = vector.shape_cast %get3A_59 : vector<1x16xf32> to vector<16xf32>
          %add3A_61 = arith.addf %get3A_56, %get3A_60 : vector<16xf32>
          %swap3A_62 = arith.index_cast %scan3A_40 : i32 to index
          %swap3A_63 = arith.constant 16 : index
          %swap3A_64 = tpu.vector_load %arg10[%swap3A_62, %swap3A_63] {strides = array<i32>} : memref<128x128xf32, #tpu.memory_space<vmem>>, vector<1x16xf32>,
          %swap3A_65 = vector.shape_cast %swap3A_64 : vector<1x16xf32> to vector<16xf32>
          %swap3A_66 = vector.shape_cast %add3A_61 : vector<16xf32> to vector<1x16xf32>
          tpu.vector_store %arg10[%swap3A_62, %swap3A_63], %swap3A_66 {strides = array<i32>} : memref<128x128xf32, #tpu.memory_space<vmem>>, vector<1x16xf32>,
          %get3A_67 = arith.index_cast %scan3A_40 : i32 to index
          %get3A_68 = arith.constant 32 : index
          %get3A_69 = tpu.vector_load %arg10[%get3A_67, %get3A_68] {strides = array<i32>} : memref<128x128xf32, #tpu.memory_space<vmem>>, vector<1x16xf32>,
          %get3A_70 = vector.shape_cast %get3A_69 : vector<1x16xf32> to vector<16xf32>
          %get3A_71 = arith.index_cast %scan3A_40 : i32 to index
          %get3A_72 = arith.constant 32 : index
          %get3A_73 = tpu.vector_load %arg11[%get3A_71, %get3A_72] {strides = array<i32>} : memref<128x128xf32, #tpu.memory_space<vmem>>, vector<1x16xf32>,
          %get3A_74 = vector.shape_cast %get3A_73 : vector<1x16xf32> to vector<16xf32>
          %add3A_75 = arith.addf %get3A_70, %get3A_74 : vector<16xf32>
          %swap3A_76 = arith.index_cast %scan3A_40 : i32 to index
          %swap3A_77 = arith.constant 32 : index
          %swap3A_78 = tpu.vector_load %arg10[%swap3A_76, %swap3A_77] {strides = array<i32>} : memref<128x128xf32, #tpu.memory_space<vmem>>, vector<1x16xf32>,
          %swap3A_79 = vector.shape_cast %swap3A_78 : vector<1x16xf32> to vector<16xf32>
          %swap3A_80 = vector.shape_cast %add3A_75 : vector<16xf32> to vector<1x16xf32>
          tpu.vector_store %arg10[%swap3A_76, %swap3A_77], %swap3A_80 {strides = array<i32>} : memref<128x128xf32, #tpu.memory_space<vmem>>, vector<1x16xf32>,
          %get3A_81 = arith.index_cast %scan3A_40 : i32 to index
          %get3A_82 = arith.constant 48 : index
          %get3A_83 = tpu.vector_load %arg10[%get3A_81, %get3A_82] {strides = array<i32>} : memref<128x128xf32, #tpu.memory_space<vmem>>, vector<1x16xf32>,
          %get3A_84 = vector.shape_cast %get3A_83 : vector<1x16xf32> to vector<16xf32>
          %get3A_85 = arith.index_cast %scan3A_40 : i32 to index
          %get3A_86 = arith.constant 48 : index
          %get3A_87 = tpu.vector_load %arg11[%get3A_85, %get3A_86] {strides = array<i32>} : memref<128x128xf32, #tpu.memory_space<vmem>>, vector<1x16xf32>,
          %get3A_88 = vector.shape_cast %get3A_87 : vector<1x16xf32> to vector<16xf32>
          %add3A_89 = arith.addf %get3A_84, %get3A_88 : vector<16xf32>
          %swap3A_90 = arith.index_cast %scan3A_40 : i32 to index
          %swap3A_91 = arith.constant 48 : index
          %swap3A_92 = tpu.vector_load %arg10[%swap3A_90, %swap3A_91] {strides = array<i32>} : memref<128x128xf32, #tpu.memory_space<vmem>>, vector<1x16xf32>,
          %swap3A_93 = vector.shape_cast %swap3A_92 : vector<1x16xf32> to vector<16xf32>
          %swap3A_94 = vector.shape_cast %add3A_89 : vector<16xf32> to vector<1x16xf32>
          tpu.vector_store %arg10[%swap3A_90, %swap3A_91], %swap3A_94 {strides = array<i32>} : memref<128x128xf32, #tpu.memory_space<vmem>>, vector<1x16xf32>,
          %get3A_95 = arith.index_cast %scan3A_40 : i32 to index
          %get3A_96 = arith.constant 64 : index
          %get3A_97 = tpu.vector_load %arg10[%get3A_95, %get3A_96] {strides = array<i32>} : memref<128x128xf32, #tpu.memory_space<vmem>>, vector<1x16xf32>,
          %get3A_98 = vector.shape_cast %get3A_97 : vector<1x16xf32> to vector<16xf32>
          %get3A_99 = arith.index_cast %scan3A_40 : i32 to index
          %get3A_100 = arith.constant 64 : index
          %get3A_101 = tpu.vector_load %arg11[%get3A_99, %get3A_100] {strides = array<i32>} : memref<128x128xf32, #tpu.memory_space<vmem>>, vector<1x16xf32>,
          %get3A_102 = vector.shape_cast %get3A_101 : vector<1x16xf32> to vector<16xf32>
          %add3A_103 = arith.addf %get3A_98, %get3A_102 : vector<16xf32>
          %swap3A_104 = arith.index_cast %scan3A_40 : i32 to index
          %swap3A_105 = arith.constant 64 : index
          %swap3A_106 = tpu.vector_load %arg10[%swap3A_104, %swap3A_105] {strides = array<i32>} : memref<128x128xf32, #tpu.memory_space<vmem>>, vector<1x16xf32>,
          %swap3A_107 = vector.shape_cast %swap3A_106 : vector<1x16xf32> to vector<16xf32>
          %swap3A_108 = vector.shape_cast %add3A_103 : vector<16xf32> to vector<1x16xf32>
          tpu.vector_store %arg10[%swap3A_104, %swap3A_105], %swap3A_108 {strides = array<i32>} : memref<128x128xf32, #tpu.memory_space<vmem>>, vector<1x16xf32>,
          %get3A_109 = arith.index_cast %scan3A_40 : i32 to index
          %get3A_110 = arith.constant 80 : index
          %get3A_111 = tpu.vector_load %arg10[%get3A_109, %get3A_110] {strides = array<i32>} : memref<128x128xf32, #tpu.memory_space<vmem>>, vector<1x16xf32>,
          %get3A_112 = vector.shape_cast %get3A_111 : vector<1x16xf32> to vector<16xf32>
          %get3A_113 = arith.index_cast %scan3A_40 : i32 to index
          %get3A_114 = arith.constant 80 : index
          %get3A_115 = tpu.vector_load %arg11[%get3A_113, %get3A_114] {strides = array<i32>} : memref<128x128xf32, #tpu.memory_space<vmem>>, vector<1x16xf32>,
          %get3A_116 = vector.shape_cast %get3A_115 : vector<1x16xf32> to vector<16xf32>
          %add3A_117 = arith.addf %get3A_112, %get3A_116 : vector<16xf32>
          %swap3A_118 = arith.index_cast %scan3A_40 : i32 to index
          %swap3A_119 = arith.constant 80 : index
          %swap3A_120 = tpu.vector_load %arg10[%swap3A_118, %swap3A_119] {strides = array<i32>} : memref<128x128xf32, #tpu.memory_space<vmem>>, vector<1x16xf32>,
          %swap3A_121 = vector.shape_cast %swap3A_120 : vector<1x16xf32> to vector<16xf32>
          %swap3A_122 = vector.shape_cast %add3A_117 : vector<16xf32> to vector<1x16xf32>
          tpu.vector_store %arg10[%swap3A_118, %swap3A_119], %swap3A_122 {strides = array<i32>} : memref<128x128xf32, #tpu.memory_space<vmem>>, vector<1x16xf32>,
          %get3A_123 = arith.index_cast %scan3A_40 : i32 to index
          %get3A_124 = arith.constant 96 : index
          %get3A_125 = tpu.vector_load %arg10[%get3A_123, %get3A_124] {strides = array<i32>} : memref<128x128xf32, #tpu.memory_space<vmem>>, vector<1x16xf32>,
          %get3A_126 = vector.shape_cast %get3A_125 : vector<1x16xf32> to vector<16xf32>
          %get3A_127 = arith.index_cast %scan3A_40 : i32 to index
          %get3A_128 = arith.constant 96 : index
          %get3A_129 = tpu.vector_load %arg11[%get3A_127, %get3A_128] {strides = array<i32>} : memref<128x128xf32, #tpu.memory_space<vmem>>, vector<1x16xf32>,
          %get3A_130 = vector.shape_cast %get3A_129 : vector<1x16xf32> to vector<16xf32>
          %add3A_131 = arith.addf %get3A_126, %get3A_130 : vector<16xf32>
          %swap3A_132 = arith.index_cast %scan3A_40 : i32 to index
          %swap3A_133 = arith.constant 96 : index
          %swap3A_134 = tpu.vector_load %arg10[%swap3A_132, %swap3A_133] {strides = array<i32>} : memref<128x128xf32, #tpu.memory_space<vmem>>, vector<1x16xf32>,
          %swap3A_135 = vector.shape_cast %swap3A_134 : vector<1x16xf32> to vector<16xf32>
          %swap3A_136 = vector.shape_cast %add3A_131 : vector<16xf32> to vector<1x16xf32>
          tpu.vector_store %arg10[%swap3A_132, %swap3A_133], %swap3A_136 {strides = array<i32>} : memref<128x128xf32, #tpu.memory_space<vmem>>, vector<1x16xf32>,
          %get3A_137 = arith.index_cast %scan3A_40 : i32 to index
          %get3A_138 = arith.constant 112 : index
          %get3A_139 = tpu.vector_load %arg10[%get3A_137, %get3A_138] {strides = array<i32>} : memref<128x128xf32, #tpu.memory_space<vmem>>, vector<1x16xf32>,
          %get3A_140 = vector.shape_cast %get3A_139 : vector<1x16xf32> to vector<16xf32>
          %get3A_141 = arith.index_cast %scan3A_40 : i32 to index
          %get3A_142 = arith.constant 112 : index
          %get3A_143 = tpu.vector_load %arg11[%get3A_141, %get3A_142] {strides = array<i32>} : memref<128x128xf32, #tpu.memory_space<vmem>>, vector<1x16xf32>,
          %get3A_144 = vector.shape_cast %get3A_143 : vector<1x16xf32> to vector<16xf32>
          %add3A_145 = arith.addf %get3A_140, %get3A_144 : vector<16xf32>
          %swap3A_146 = arith.index_cast %scan3A_40 : i32 to index
          %swap3A_147 = arith.constant 112 : index
          %swap3A_148 = tpu.vector_load %arg10[%swap3A_146, %swap3A_147] {strides = array<i32>} : memref<128x128xf32, #tpu.memory_space<vmem>>, vector<1x16xf32>,
          %swap3A_149 = vector.shape_cast %swap3A_148 : vector<1x16xf32> to vector<16xf32>
          %swap3A_150 = vector.shape_cast %add3A_145 : vector<16xf32> to vector<1x16xf32>
          tpu.vector_store %arg10[%swap3A_146, %swap3A_147], %swap3A_150 {strides = array<i32>} : memref<128x128xf32, #tpu.memory_space<vmem>>, vector<1x16xf32>,
        }
        %scan3A_39 = arith.constant 128 : i32
        "tpu.region"() ({
          %run_scoped3A = tpu.sem_alloc : memref<!tpu.dma_semaphore, #tpu.memory_space<semaphore_mem>>
          %dma_start3A_40 = arith.constant 0 : i32
          %dma_start3A_41 = arith.constant 0 : i32
          %dma_start3A_42 = tpu.memref_slice %arg12[%dma_start3A_40, %dma_start3A_41] : memref<10000x128xf32, #tpu.memory_space<vmem_shared>> -> memref<10000x128xf32, #tpu.memory_space<vmem_shared>>
          tpu.enqueue_indirect_dma source(%arg10 : memref<128x128xf32, #tpu.memory_space<vmem>>) target(%dma_start3A_42 : memref<10000x128xf32, #tpu.memory_space<vmem_shared>>) offsets(%arg9 : memref<128xi32, #tpu.memory_space<vmem>>) semaphore(%run_scoped3A : memref<!tpu.dma_semaphore, #tpu.memory_space<semaphore_mem>>) {add = true}
          %dma_wait3A_43 = arith.constant 0 : i32
          %dma_wait3A_44 = arith.constant 0 : i32
          %dma_wait3A_45 = tpu.memref_slice %arg12[%dma_wait3A_43, %dma_wait3A_44] : memref<10000x128xf32, #tpu.memory_space<vmem_shared>> -> memref<10000x128xf32, #tpu.memory_space<vmem_shared>>
          tpu.wait_indirect_dma semaphore(%run_scoped3A : memref<!tpu.dma_semaphore, #tpu.memory_space<semaphore_mem>>) src(%arg10 : memref<128x128xf32, #tpu.memory_space<vmem>>) dst(%dma_wait3A_45 : memref<10000x128xf32, #tpu.memory_space<vmem_shared>>)
          tpu.yield
        }) : () -> ()
      } else {
      }
      %scan3A_27 = arith.constant 0 : i32
      scf.yield %scan3A_27 : i32
    }
    %scan3A_12 = arith.constant 79 : i32
    %barrier3A_13 = arith.constant 0 : index
    tpu.barrier barrier_id(%barrier3A_13)
    %scan3A_14 = arith.constant 0 : i32
    %scan3A_15 = arith.constant 0 : i32
    %scan3A_16 = arith.constant 8 : i32
    %scan3A_17 = arith.addi %scan3A_15, %scan3A_16 : i32
    %scan3A_18 = arith.constant 1 : i32
    scf.for %scan3A_20 = %scan3A_15 to %scan3A_17 step %scan3A_18  : i32 {
      %mul3A_21 = arith.constant 16 : i32
      %mul3A_22 = arith.muli %scan3A_20, %mul3A_21 : i32
      %add3A_23 = arith.addi %arg1, %mul3A_22 : i32
      %lt3A = arith.constant 125 : i32
      %lt3A_24 = arith.cmpi slt, %add3A_23, %lt3A : i32
      %convert_element_type3A = arith.extui %lt3A_24 : i1 to i32
      %cond3A = arith.constant 0 : i32
      %cond3A_25 = arith.cmpi ne, %convert_element_type3A, %cond3A : i32
      scf.if %cond3A_25 {
        %mul3A_26 = arith.constant 80 : i32
        %mul3A_27 = arith.muli %add3A_23, %mul3A_26 : i32
        %multiple_of3A = tpu.assume_multiple %mul3A_27, 80 : i32
        "tpu.region"() ({
          %run_scoped3A = tpu.sem_alloc : memref<!tpu.dma_semaphore, #tpu.memory_space<semaphore_mem>>
          %dma_start3A = arith.constant 0 : i32
          %dma_start3A_28 = arith.constant 0 : i32
          %dma_start3A_29 = tpu.memref_slice %arg10[%dma_start3A, %dma_start3A_28] : memref<128x128xf32, #tpu.memory_space<vmem>> -> memref<80x128xf32, #tpu.memory_space<vmem>>
          %dma_start3A_30 = arith.constant 0 : i32
          %dma_start3A_31 = tpu.memref_slice %arg12[%multiple_of3A, %dma_start3A_30] : memref<10000x128xf32, #tpu.memory_space<vmem_shared>> -> memref<80x128xf32, #tpu.memory_space<vmem_shared>>
          %dma_start3A_32 = arith.constant 0 : i32
          %dma_start3A_33 = arith.constant 0 : i32
          %dma_start3A_34 = tpu.memref_slice %arg10[%dma_start3A_32, %dma_start3A_33] : memref<128x128xf32, #tpu.memory_space<vmem>> -> memref<80x128xf32, #tpu.memory_space<vmem>>
          %dma_start3A_35 = arith.constant 0 : i32
          %dma_start3A_36 = tpu.memref_slice %arg12[%multiple_of3A, %dma_start3A_35] : memref<10000x128xf32, #tpu.memory_space<vmem_shared>> -> memref<80x128xf32, #tpu.memory_space<vmem_shared>>
          tpu.enqueue_dma source(%dma_start3A_36 : memref<80x128xf32, #tpu.memory_space<vmem_shared>>) target(%dma_start3A_34 : memref<80x128xf32, #tpu.memory_space<vmem>>) target_semaphore(%run_scoped3A : memref<!tpu.dma_semaphore, #tpu.memory_space<semaphore_mem>>)
          %dma_wait3A = arith.constant 0 : i32
          %dma_wait3A_37 = arith.constant 0 : i32
          %dma_wait3A_38 = tpu.memref_slice %arg10[%dma_wait3A, %dma_wait3A_37] : memref<128x128xf32, #tpu.memory_space<vmem>> -> memref<80x128xf32, #tpu.memory_space<vmem>>
          %dma_wait3A_39 = arith.constant 0 : i32
          %dma_wait3A_40 = tpu.memref_slice %arg12[%multiple_of3A, %dma_wait3A_39] : memref<10000x128xf32, #tpu.memory_space<vmem_shared>> -> memref<80x128xf32, #tpu.memory_space<vmem_shared>>
          %dma_wait3A_41 = arith.constant 0 : i32
          %dma_wait3A_42 = arith.constant 0 : i32
          %dma_wait3A_43 = tpu.memref_slice %arg10[%dma_wait3A_41, %dma_wait3A_42] : memref<128x128xf32, #tpu.memory_space<vmem>> -> memref<80x128xf32, #tpu.memory_space<vmem>>
          %dma_wait3A_44 = arith.constant 0 : i32
          %dma_wait3A_45 = tpu.memref_slice %arg12[%multiple_of3A, %dma_wait3A_44] : memref<10000x128xf32, #tpu.memory_space<vmem_shared>> -> memref<80x128xf32, #tpu.memory_space<vmem_shared>>
          tpu.wait_dma2 semaphore(%run_scoped3A : memref<!tpu.dma_semaphore, #tpu.memory_space<semaphore_mem>>) src(%dma_wait3A_45 : memref<80x128xf32, #tpu.memory_space<vmem_shared>>) dst(%dma_wait3A_43 : memref<80x128xf32, #tpu.memory_space<vmem>>)
          tpu.yield
        }) : () -> ()
        "tpu.region"() ({
          %run_scoped3A = tpu.sem_alloc : memref<!tpu.dma_semaphore, #tpu.memory_space<semaphore_mem>>
          %dma_start3A = arith.constant 0 : i32
          %dma_start3A_28 = arith.constant 0 : i32
          %dma_start3A_29 = tpu.memref_slice %arg10[%dma_start3A, %dma_start3A_28] : memref<128x128xf32, #tpu.memory_space<vmem>> -> memref<80x128xf32, #tpu.memory_space<vmem>>
          %dma_start3A_30 = arith.constant 0 : i32
          %dma_start3A_31 = tpu.memref_slice %arg7[%arg0, %multiple_of3A, %dma_start3A_30] : memref<2x10000x128xf32, #tpu.memory_space<hbm>> -> memref<1x80x128xf32, #tpu.memory_space<hbm>>
          %dma_start3A_32 = tpu.memref_squeeze %dma_start3A_31 : memref<1x80x128xf32, #tpu.memory_space<hbm>> -> memref<80x128xf32, #tpu.memory_space<hbm>>
          %dma_start3A_33 = arith.constant 0 : i32
          %dma_start3A_34 = tpu.memref_slice %arg7[%arg0, %multiple_of3A, %dma_start3A_33] : memref<2x10000x128xf32, #tpu.memory_space<hbm>> -> memref<1x80x128xf32, #tpu.memory_space<hbm>>
          %dma_start3A_35 = tpu.memref_squeeze %dma_start3A_34 : memref<1x80x128xf32, #tpu.memory_space<hbm>> -> memref<80x128xf32, #tpu.memory_space<hbm>>
          %dma_start3A_36 = arith.constant 0 : i32
          %dma_start3A_37 = arith.constant 0 : i32
          %dma_start3A_38 = tpu.memref_slice %arg10[%dma_start3A_36, %dma_start3A_37] : memref<128x128xf32, #tpu.memory_space<vmem>> -> memref<80x128xf32, #tpu.memory_space<vmem>>
          tpu.enqueue_dma source(%dma_start3A_38 : memref<80x128xf32, #tpu.memory_space<vmem>>) target(%dma_start3A_35 : memref<80x128xf32, #tpu.memory_space<hbm>>) target_semaphore(%run_scoped3A : memref<!tpu.dma_semaphore, #tpu.memory_space<semaphore_mem>>)
          %dma_wait3A = arith.constant 0 : i32
          %dma_wait3A_39 = arith.constant 0 : i32
          %dma_wait3A_40 = tpu.memref_slice %arg10[%dma_wait3A, %dma_wait3A_39] : memref<128x128xf32, #tpu.memory_space<vmem>> -> memref<80x128xf32, #tpu.memory_space<vmem>>
          %dma_wait3A_41 = arith.constant 0 : i32
          %dma_wait3A_42 = tpu.memref_slice %arg7[%arg0, %multiple_of3A, %dma_wait3A_41] : memref<2x10000x128xf32, #tpu.memory_space<hbm>> -> memref<1x80x128xf32, #tpu.memory_space<hbm>>
          %dma_wait3A_43 = tpu.memref_squeeze %dma_wait3A_42 : memref<1x80x128xf32, #tpu.memory_space<hbm>> -> memref<80x128xf32, #tpu.memory_space<hbm>>
          %dma_wait3A_44 = arith.constant 0 : i32
          %dma_wait3A_45 = tpu.memref_slice %arg7[%arg0, %multiple_of3A, %dma_wait3A_44] : memref<2x10000x128xf32, #tpu.memory_space<hbm>> -> memref<1x80x128xf32, #tpu.memory_space<hbm>>
          %dma_wait3A_46 = tpu.memref_squeeze %dma_wait3A_45 : memref<1x80x128xf32, #tpu.memory_space<hbm>> -> memref<80x128xf32, #tpu.memory_space<hbm>>
          %dma_wait3A_47 = arith.constant 0 : i32
          %dma_wait3A_48 = arith.constant 0 : i32
          %dma_wait3A_49 = tpu.memref_slice %arg10[%dma_wait3A_47, %dma_wait3A_48] : memref<128x128xf32, #tpu.memory_space<vmem>> -> memref<80x128xf32, #tpu.memory_space<vmem>>
          tpu.wait_dma2 semaphore(%run_scoped3A : memref<!tpu.dma_semaphore, #tpu.memory_space<semaphore_mem>>) src(%dma_wait3A_49 : memref<80x128xf32, #tpu.memory_space<vmem>>) dst(%dma_wait3A_46 : memref<80x128xf32, #tpu.memory_space<hbm>>)
          tpu.yield
        }) : () -> ()
      } else {
      }
    }
    %scan3A_19 = arith.constant 8 : i32
    return
  }
}

#map = affine_map<(d0, d1) -> (0, 0)>
#map1 = affine_map<(d0, d1) -> (0)>
#map2 = affine_map<(d0, d1) -> (0, 0, 0)>
module attributes {stable_mosaic.version = 14 : i64} {
  func.func @_sc_body(%arg0: i32, %arg1: i32, %arg2: memref<10000x128xf32, #tpu.memory_space<hbm>>, %arg3: memref<320000x128xf32, #tpu.memory_space<hbm>>, %arg4: memref<320000xi32, #tpu.memory_space<hbm>>, %arg5: memref<320000xi32, #tpu.memory_space<hbm>>, %arg6: memref<128x128xf32, #tpu.memory_space<hbm>>, %arg7: memref<2x10000x128xf32, #tpu.memory_space<hbm>>, %arg8: memref<128xi32, #tpu.memory_space<vmem>>, %arg9: memref<128xi32, #tpu.memory_space<vmem>>, %arg10: memref<128x128xf32, #tpu.memory_space<vmem>>, %arg11: memref<128x128xf32, #tpu.memory_space<vmem>>, %arg12: memref<10000x128xf32, #tpu.memory_space<vmem_shared>>, %arg13: memref<!tpu.dma_semaphore, #tpu.memory_space<semaphore_mem>>) attributes {dimension_semantics = [#tpu.dimension_semantics<core_parallel>, #tpu.dimension_semantics<subcore_parallel>], iteration_bounds = array<i64: 2, 16>, scalar_prefetch = 0 : i64, scratch_operands = 6 : i64, tpu.core_type = #tpu.core_type<sc_vector_subcore>, window_params = [{transform_indices = #map}, {transform_indices = #map}, {transform_indices = #map1}, {transform_indices = #map1}, {transform_indices = #map}, {transform_indices = #map2}]} {
    %mul3A = arith.constant 2 : i32
    %mul3A_0 = arith.muli %arg1, %mul3A : i32
    %add3A = arith.addi %mul3A_0, %arg0 : i32
    "tpu.region"() ({
      %run_scoped3A = tpu.sem_alloc : memref<!tpu.dma_semaphore, #tpu.memory_space<semaphore_mem>>
      tpu.enqueue_dma source(%arg6 : memref<128x128xf32, #tpu.memory_space<hbm>>) target(%arg10 : memref<128x128xf32, #tpu.memory_space<vmem>>) target_semaphore(%run_scoped3A : memref<!tpu.dma_semaphore, #tpu.memory_space<semaphore_mem>>)
      tpu.wait_dma2 semaphore(%run_scoped3A : memref<!tpu.dma_semaphore, #tpu.memory_space<semaphore_mem>>) src(%arg6 : memref<128x128xf32, #tpu.memory_space<hbm>>) dst(%arg10 : memref<128x128xf32, #tpu.memory_space<vmem>>)
      tpu.yield
    }) : () -> ()
    %scan3A = arith.constant 0 : i32
    %scan3A_1 = arith.constant 0 : i32
    %scan3A_2 = arith.constant 8 : i32
    %scan3A_3 = arith.addi %scan3A_1, %scan3A_2 : i32
    %scan3A_4 = arith.constant 1 : i32
    scf.for %scan3A_20 = %scan3A_1 to %scan3A_3 step %scan3A_4  : i32 {
      %mul3A_21 = arith.constant 16 : i32
      %mul3A_22 = arith.muli %scan3A_20, %mul3A_21 : i32
      %add3A_23 = arith.addi %arg1, %mul3A_22 : i32
      %lt3A = arith.constant 125 : i32
      %lt3A_24 = arith.cmpi slt, %add3A_23, %lt3A : i32
      %convert_element_type3A = arith.extui %lt3A_24 : i1 to i32
      %cond3A = arith.constant 0 : i32
      %cond3A_25 = arith.cmpi ne, %convert_element_type3A, %cond3A : i32
      scf.if %cond3A_25 {
        %mul3A_26 = arith.constant 80 : i32
        %mul3A_27 = arith.muli %add3A_23, %mul3A_26 : i32
        %multiple_of3A = tpu.assume_multiple %mul3A_27, 80 : i32
        "tpu.region"() ({
          %run_scoped3A = tpu.sem_alloc : memref<!tpu.dma_semaphore, #tpu.memory_space<semaphore_mem>>
          %dma_start3A = arith.constant 0 : i32
          %dma_start3A_28 = arith.constant 0 : i32
          %dma_start3A_29 = tpu.memref_slice %arg10[%dma_start3A, %dma_start3A_28] : memref<128x128xf32, #tpu.memory_space<vmem>> -> memref<80x128xf32, #tpu.memory_space<vmem>>
          %dma_start3A_30 = arith.constant 0 : i32
          %dma_start3A_31 = tpu.memref_slice %arg12[%multiple_of3A, %dma_start3A_30] : memref<10000x128xf32, #tpu.memory_space<vmem_shared>> -> memref<80x128xf32, #tpu.memory_space<vmem_shared>>
          %dma_start3A_32 = arith.constant 0 : i32
          %dma_start3A_33 = tpu.memref_slice %arg12[%multiple_of3A, %dma_start3A_32] : memref<10000x128xf32, #tpu.memory_space<vmem_shared>> -> memref<80x128xf32, #tpu.memory_space<vmem_shared>>
          %dma_start3A_34 = arith.constant 0 : i32
          %dma_start3A_35 = arith.constant 0 : i32
          %dma_start3A_36 = tpu.memref_slice %arg10[%dma_start3A_34, %dma_start3A_35] : memref<128x128xf32, #tpu.memory_space<vmem>> -> memref<80x128xf32, #tpu.memory_space<vmem>>
          tpu.enqueue_dma source(%dma_start3A_36 : memref<80x128xf32, #tpu.memory_space<vmem>>) target(%dma_start3A_33 : memref<80x128xf32, #tpu.memory_space<vmem_shared>>) target_semaphore(%run_scoped3A : memref<!tpu.dma_semaphore, #tpu.memory_space<semaphore_mem>>)
          %dma_wait3A = arith.constant 0 : i32
          %dma_wait3A_37 = arith.constant 0 : i32
          %dma_wait3A_38 = tpu.memref_slice %arg10[%dma_wait3A, %dma_wait3A_37] : memref<128x128xf32, #tpu.memory_space<vmem>> -> memref<80x128xf32, #tpu.memory_space<vmem>>
          %dma_wait3A_39 = arith.constant 0 : i32
          %dma_wait3A_40 = tpu.memref_slice %arg12[%multiple_of3A, %dma_wait3A_39] : memref<10000x128xf32, #tpu.memory_space<vmem_shared>> -> memref<80x128xf32, #tpu.memory_space<vmem_shared>>
          %dma_wait3A_41 = arith.constant 0 : i32
          %dma_wait3A_42 = tpu.memref_slice %arg12[%multiple_of3A, %dma_wait3A_41] : memref<10000x128xf32, #tpu.memory_space<vmem_shared>> -> memref<80x128xf32, #tpu.memory_space<vmem_shared>>
          %dma_wait3A_43 = arith.constant 0 : i32
          %dma_wait3A_44 = arith.constant 0 : i32
          %dma_wait3A_45 = tpu.memref_slice %arg10[%dma_wait3A_43, %dma_wait3A_44] : memref<128x128xf32, #tpu.memory_space<vmem>> -> memref<80x128xf32, #tpu.memory_space<vmem>>
          tpu.wait_dma2 semaphore(%run_scoped3A : memref<!tpu.dma_semaphore, #tpu.memory_space<semaphore_mem>>) src(%dma_wait3A_45 : memref<80x128xf32, #tpu.memory_space<vmem>>) dst(%dma_wait3A_42 : memref<80x128xf32, #tpu.memory_space<vmem_shared>>)
          tpu.yield
        }) : () -> ()
      } else {
      }
    }
    %scan3A_5 = arith.constant 8 : i32
    %barrier3A = arith.constant 0 : index
    tpu.barrier barrier_id(%barrier3A)
    %scan3A_6 = arith.constant 0 : i32
    %scan3A_7 = arith.constant 0 : i32
    %scan3A_8 = arith.constant 79 : i32
    %scan3A_9 = arith.addi %scan3A_7, %scan3A_8 : i32
    %scan3A_10 = arith.constant 1 : i32
    %scan3A_11 = scf.for %scan3A_20 = %scan3A_7 to %scan3A_9 step %scan3A_10 iter_args(%scan3A_21 = %scan3A_6) -> (i32)  : i32 {
      %mul3A_22 = arith.constant 32 : i32
      %mul3A_23 = arith.muli %scan3A_20, %mul3A_22 : i32
      %add3A_24 = arith.addi %add3A, %mul3A_23 : i32
      %lt3A = arith.constant 2500 : i32
      %lt3A_25 = arith.cmpi slt, %add3A_24, %lt3A : i32
      %convert_element_type3A = arith.extui %lt3A_25 : i1 to i32
      %cond3A = arith.constant 0 : i32
      %cond3A_26 = arith.cmpi ne, %convert_element_type3A, %cond3A : i32
      scf.if %cond3A_26 {
        %mul3A_28 = arith.constant 128 : i32
        %mul3A_29 = arith.muli %add3A_24, %mul3A_28 : i32
        %multiple_of3A = tpu.assume_multiple %mul3A_29, 128 : i32
        "tpu.region"() ({
          %run_scoped3A = tpu.sem_alloc : memref<!tpu.dma_semaphore, #tpu.memory_space<semaphore_mem>>
          %dma_start3A_40 = tpu.memref_slice %arg4[%multiple_of3A] : memref<320000xi32, #tpu.memory_space<hbm>> -> memref<128xi32, #tpu.memory_space<hbm>>
          %dma_start3A_41 = tpu.memref_slice %arg4[%multiple_of3A] : memref<320000xi32, #tpu.memory_space<hbm>> -> memref<128xi32, #tpu.memory_space<hbm>>
          tpu.enqueue_dma source(%dma_start3A_41 : memref<128xi32, #tpu.memory_space<hbm>>) target(%arg8 : memref<128xi32, #tpu.memory_space<vmem>>) target_semaphore(%run_scoped3A : memref<!tpu.dma_semaphore, #tpu.memory_space<semaphore_mem>>)
          %dma_wait3A_42 = tpu.memref_slice %arg4[%multiple_of3A] : memref<320000xi32, #tpu.memory_space<hbm>> -> memref<128xi32, #tpu.memory_space<hbm>>
          %dma_wait3A_43 = tpu.memref_slice %arg4[%multiple_of3A] : memref<320000xi32, #tpu.memory_space<hbm>> -> memref<128xi32, #tpu.memory_space<hbm>>
          tpu.wait_dma2 semaphore(%run_scoped3A : memref<!tpu.dma_semaphore, #tpu.memory_space<semaphore_mem>>) src(%dma_wait3A_43 : memref<128xi32, #tpu.memory_space<hbm>>) dst(%arg8 : memref<128xi32, #tpu.memory_space<vmem>>)
          tpu.yield
        }) : () -> ()
        "tpu.region"() ({
          %run_scoped3A = tpu.sem_alloc : memref<!tpu.dma_semaphore, #tpu.memory_space<semaphore_mem>>
          %dma_start3A_40 = tpu.memref_slice %arg5[%multiple_of3A] : memref<320000xi32, #tpu.memory_space<hbm>> -> memref<128xi32, #tpu.memory_space<hbm>>
          %dma_start3A_41 = tpu.memref_slice %arg5[%multiple_of3A] : memref<320000xi32, #tpu.memory_space<hbm>> -> memref<128xi32, #tpu.memory_space<hbm>>
          tpu.enqueue_dma source(%dma_start3A_41 : memref<128xi32, #tpu.memory_space<hbm>>) target(%arg9 : memref<128xi32, #tpu.memory_space<vmem>>) target_semaphore(%run_scoped3A : memref<!tpu.dma_semaphore, #tpu.memory_space<semaphore_mem>>)
          %dma_wait3A_42 = tpu.memref_slice %arg5[%multiple_of3A] : memref<320000xi32, #tpu.memory_space<hbm>> -> memref<128xi32, #tpu.memory_space<hbm>>
          %dma_wait3A_43 = tpu.memref_slice %arg5[%multiple_of3A] : memref<320000xi32, #tpu.memory_space<hbm>> -> memref<128xi32, #tpu.memory_space<hbm>>
          tpu.wait_dma2 semaphore(%run_scoped3A : memref<!tpu.dma_semaphore, #tpu.memory_space<semaphore_mem>>) src(%dma_wait3A_43 : memref<128xi32, #tpu.memory_space<hbm>>) dst(%arg9 : memref<128xi32, #tpu.memory_space<vmem>>)
          tpu.yield
        }) : () -> ()
        %dma_start3A = arith.constant 0 : i32
        %dma_start3A_30 = arith.constant 0 : i32
        %dma_start3A_31 = tpu.memref_slice %arg2[%dma_start3A, %dma_start3A_30] : memref<10000x128xf32, #tpu.memory_space<hbm>> -> memref<10000x128xf32, #tpu.memory_space<hbm>>
        tpu.enqueue_indirect_dma source(%dma_start3A_31 : memref<10000x128xf32, #tpu.memory_space<hbm>>) target(%arg10 : memref<128x128xf32, #tpu.memory_space<vmem>>) offsets(%arg8 : memref<128xi32, #tpu.memory_space<vmem>>) semaphore(%arg13 : memref<!tpu.dma_semaphore, #tpu.memory_space<semaphore_mem>>)
        %dma_wait3A = arith.constant 0 : i32
        %dma_wait3A_32 = arith.constant 0 : i32
        %dma_wait3A_33 = tpu.memref_slice %arg2[%dma_wait3A, %dma_wait3A_32] : memref<10000x128xf32, #tpu.memory_space<hbm>> -> memref<10000x128xf32, #tpu.memory_space<hbm>>
        tpu.wait_indirect_dma semaphore(%arg13 : memref<!tpu.dma_semaphore, #tpu.memory_space<semaphore_mem>>) src(%dma_wait3A_33 : memref<10000x128xf32, #tpu.memory_space<hbm>>) dst(%arg10 : memref<128x128xf32, #tpu.memory_space<vmem>>)
        "tpu.region"() ({
          %run_scoped3A = tpu.sem_alloc : memref<!tpu.dma_semaphore, #tpu.memory_space<semaphore_mem>>
          %dma_start3A_40 = arith.constant 0 : i32
          %dma_start3A_41 = tpu.memref_slice %arg3[%multiple_of3A, %dma_start3A_40] : memref<320000x128xf32, #tpu.memory_space<hbm>> -> memref<128x128xf32, #tpu.memory_space<hbm>>
          %dma_start3A_42 = arith.constant 0 : i32
          %dma_start3A_43 = tpu.memref_slice %arg3[%multiple_of3A, %dma_start3A_42] : memref<320000x128xf32, #tpu.memory_space<hbm>> -> memref<128x128xf32, #tpu.memory_space<hbm>>
          tpu.enqueue_dma source(%dma_start3A_43 : memref<128x128xf32, #tpu.memory_space<hbm>>) target(%arg11 : memref<128x128xf32, #tpu.memory_space<vmem>>) target_semaphore(%run_scoped3A : memref<!tpu.dma_semaphore, #tpu.memory_space<semaphore_mem>>)
          %dma_wait3A_44 = arith.constant 0 : i32
          %dma_wait3A_45 = tpu.memref_slice %arg3[%multiple_of3A, %dma_wait3A_44] : memref<320000x128xf32, #tpu.memory_space<hbm>> -> memref<128x128xf32, #tpu.memory_space<hbm>>
          %dma_wait3A_46 = arith.constant 0 : i32
          %dma_wait3A_47 = tpu.memref_slice %arg3[%multiple_of3A, %dma_wait3A_46] : memref<320000x128xf32, #tpu.memory_space<hbm>> -> memref<128x128xf32, #tpu.memory_space<hbm>>
          tpu.wait_dma2 semaphore(%run_scoped3A : memref<!tpu.dma_semaphore, #tpu.memory_space<semaphore_mem>>) src(%dma_wait3A_47 : memref<128x128xf32, #tpu.memory_space<hbm>>) dst(%arg11 : memref<128x128xf32, #tpu.memory_space<vmem>>)
          tpu.yield
        }) : () -> ()
        %scan3A_34 = arith.constant 0 : i32
        %scan3A_35 = arith.constant 0 : i32
        %scan3A_36 = arith.constant 128 : i32
        %scan3A_37 = arith.addi %scan3A_35, %scan3A_36 : i32
        %scan3A_38 = arith.constant 1 : i32
        scf.for %scan3A_40 = %scan3A_35 to %scan3A_37 step %scan3A_38  : i32 {
          %get3A = arith.index_cast %scan3A_40 : i32 to index
          %get3A_41 = arith.constant 0 : index
          %get3A_42 = tpu.vector_load %arg10[%get3A, %get3A_41] {strides = array<i32>} : memref<128x128xf32, #tpu.memory_space<vmem>>, vector<1x16xf32>,
          %get3A_43 = vector.shape_cast %get3A_42 : vector<1x16xf32> to vector<16xf32>
          %get3A_44 = arith.index_cast %scan3A_40 : i32 to index
          %get3A_45 = arith.constant 0 : index
          %get3A_46 = tpu.vector_load %arg11[%get3A_44, %get3A_45] {strides = array<i32>} : memref<128x128xf32, #tpu.memory_space<vmem>>, vector<1x16xf32>,
          %get3A_47 = vector.shape_cast %get3A_46 : vector<1x16xf32> to vector<16xf32>
          %add3A_48 = arith.addf %get3A_43, %get3A_47 : vector<16xf32>
          %swap3A = arith.index_cast %scan3A_40 : i32 to index
          %swap3A_49 = arith.constant 0 : index
          %swap3A_50 = tpu.vector_load %arg10[%swap3A, %swap3A_49] {strides = array<i32>} : memref<128x128xf32, #tpu.memory_space<vmem>>, vector<1x16xf32>,
          %swap3A_51 = vector.shape_cast %swap3A_50 : vector<1x16xf32> to vector<16xf32>
          %swap3A_52 = vector.shape_cast %add3A_48 : vector<16xf32> to vector<1x16xf32>
          tpu.vector_store %arg10[%swap3A, %swap3A_49], %swap3A_52 {strides = array<i32>} : memref<128x128xf32, #tpu.memory_space<vmem>>, vector<1x16xf32>,
          %get3A_53 = arith.index_cast %scan3A_40 : i32 to index
          %get3A_54 = arith.constant 16 : index
          %get3A_55 = tpu.vector_load %arg10[%get3A_53, %get3A_54] {strides = array<i32>} : memref<128x128xf32, #tpu.memory_space<vmem>>, vector<1x16xf32>,
          %get3A_56 = vector.shape_cast %get3A_55 : vector<1x16xf32> to vector<16xf32>
          %get3A_57 = arith.index_cast %scan3A_40 : i32 to index
          %get3A_58 = arith.constant 16 : index
          %get3A_59 = tpu.vector_load %arg11[%get3A_57, %get3A_58] {strides = array<i32>} : memref<128x128xf32, #tpu.memory_space<vmem>>, vector<1x16xf32>,
          %get3A_60 = vector.shape_cast %get3A_59 : vector<1x16xf32> to vector<16xf32>
          %add3A_61 = arith.addf %get3A_56, %get3A_60 : vector<16xf32>
          %swap3A_62 = arith.index_cast %scan3A_40 : i32 to index
          %swap3A_63 = arith.constant 16 : index
          %swap3A_64 = tpu.vector_load %arg10[%swap3A_62, %swap3A_63] {strides = array<i32>} : memref<128x128xf32, #tpu.memory_space<vmem>>, vector<1x16xf32>,
          %swap3A_65 = vector.shape_cast %swap3A_64 : vector<1x16xf32> to vector<16xf32>
          %swap3A_66 = vector.shape_cast %add3A_61 : vector<16xf32> to vector<1x16xf32>
          tpu.vector_store %arg10[%swap3A_62, %swap3A_63], %swap3A_66 {strides = array<i32>} : memref<128x128xf32, #tpu.memory_space<vmem>>, vector<1x16xf32>,
          %get3A_67 = arith.index_cast %scan3A_40 : i32 to index
          %get3A_68 = arith.constant 32 : index
          %get3A_69 = tpu.vector_load %arg10[%get3A_67, %get3A_68] {strides = array<i32>} : memref<128x128xf32, #tpu.memory_space<vmem>>, vector<1x16xf32>,
          %get3A_70 = vector.shape_cast %get3A_69 : vector<1x16xf32> to vector<16xf32>
          %get3A_71 = arith.index_cast %scan3A_40 : i32 to index
          %get3A_72 = arith.constant 32 : index
          %get3A_73 = tpu.vector_load %arg11[%get3A_71, %get3A_72] {strides = array<i32>} : memref<128x128xf32, #tpu.memory_space<vmem>>, vector<1x16xf32>,
          %get3A_74 = vector.shape_cast %get3A_73 : vector<1x16xf32> to vector<16xf32>
          %add3A_75 = arith.addf %get3A_70, %get3A_74 : vector<16xf32>
          %swap3A_76 = arith.index_cast %scan3A_40 : i32 to index
          %swap3A_77 = arith.constant 32 : index
          %swap3A_78 = tpu.vector_load %arg10[%swap3A_76, %swap3A_77] {strides = array<i32>} : memref<128x128xf32, #tpu.memory_space<vmem>>, vector<1x16xf32>,
          %swap3A_79 = vector.shape_cast %swap3A_78 : vector<1x16xf32> to vector<16xf32>
          %swap3A_80 = vector.shape_cast %add3A_75 : vector<16xf32> to vector<1x16xf32>
          tpu.vector_store %arg10[%swap3A_76, %swap3A_77], %swap3A_80 {strides = array<i32>} : memref<128x128xf32, #tpu.memory_space<vmem>>, vector<1x16xf32>,
          %get3A_81 = arith.index_cast %scan3A_40 : i32 to index
          %get3A_82 = arith.constant 48 : index
          %get3A_83 = tpu.vector_load %arg10[%get3A_81, %get3A_82] {strides = array<i32>} : memref<128x128xf32, #tpu.memory_space<vmem>>, vector<1x16xf32>,
          %get3A_84 = vector.shape_cast %get3A_83 : vector<1x16xf32> to vector<16xf32>
          %get3A_85 = arith.index_cast %scan3A_40 : i32 to index
          %get3A_86 = arith.constant 48 : index
          %get3A_87 = tpu.vector_load %arg11[%get3A_85, %get3A_86] {strides = array<i32>} : memref<128x128xf32, #tpu.memory_space<vmem>>, vector<1x16xf32>,
          %get3A_88 = vector.shape_cast %get3A_87 : vector<1x16xf32> to vector<16xf32>
          %add3A_89 = arith.addf %get3A_84, %get3A_88 : vector<16xf32>
          %swap3A_90 = arith.index_cast %scan3A_40 : i32 to index
          %swap3A_91 = arith.constant 48 : index
          %swap3A_92 = tpu.vector_load %arg10[%swap3A_90, %swap3A_91] {strides = array<i32>} : memref<128x128xf32, #tpu.memory_space<vmem>>, vector<1x16xf32>,
          %swap3A_93 = vector.shape_cast %swap3A_92 : vector<1x16xf32> to vector<16xf32>
          %swap3A_94 = vector.shape_cast %add3A_89 : vector<16xf32> to vector<1x16xf32>
          tpu.vector_store %arg10[%swap3A_90, %swap3A_91], %swap3A_94 {strides = array<i32>} : memref<128x128xf32, #tpu.memory_space<vmem>>, vector<1x16xf32>,
          %get3A_95 = arith.index_cast %scan3A_40 : i32 to index
          %get3A_96 = arith.constant 64 : index
          %get3A_97 = tpu.vector_load %arg10[%get3A_95, %get3A_96] {strides = array<i32>} : memref<128x128xf32, #tpu.memory_space<vmem>>, vector<1x16xf32>,
          %get3A_98 = vector.shape_cast %get3A_97 : vector<1x16xf32> to vector<16xf32>
          %get3A_99 = arith.index_cast %scan3A_40 : i32 to index
          %get3A_100 = arith.constant 64 : index
          %get3A_101 = tpu.vector_load %arg11[%get3A_99, %get3A_100] {strides = array<i32>} : memref<128x128xf32, #tpu.memory_space<vmem>>, vector<1x16xf32>,
          %get3A_102 = vector.shape_cast %get3A_101 : vector<1x16xf32> to vector<16xf32>
          %add3A_103 = arith.addf %get3A_98, %get3A_102 : vector<16xf32>
          %swap3A_104 = arith.index_cast %scan3A_40 : i32 to index
          %swap3A_105 = arith.constant 64 : index
          %swap3A_106 = tpu.vector_load %arg10[%swap3A_104, %swap3A_105] {strides = array<i32>} : memref<128x128xf32, #tpu.memory_space<vmem>>, vector<1x16xf32>,
          %swap3A_107 = vector.shape_cast %swap3A_106 : vector<1x16xf32> to vector<16xf32>
          %swap3A_108 = vector.shape_cast %add3A_103 : vector<16xf32> to vector<1x16xf32>
          tpu.vector_store %arg10[%swap3A_104, %swap3A_105], %swap3A_108 {strides = array<i32>} : memref<128x128xf32, #tpu.memory_space<vmem>>, vector<1x16xf32>,
          %get3A_109 = arith.index_cast %scan3A_40 : i32 to index
          %get3A_110 = arith.constant 80 : index
          %get3A_111 = tpu.vector_load %arg10[%get3A_109, %get3A_110] {strides = array<i32>} : memref<128x128xf32, #tpu.memory_space<vmem>>, vector<1x16xf32>,
          %get3A_112 = vector.shape_cast %get3A_111 : vector<1x16xf32> to vector<16xf32>
          %get3A_113 = arith.index_cast %scan3A_40 : i32 to index
          %get3A_114 = arith.constant 80 : index
          %get3A_115 = tpu.vector_load %arg11[%get3A_113, %get3A_114] {strides = array<i32>} : memref<128x128xf32, #tpu.memory_space<vmem>>, vector<1x16xf32>,
          %get3A_116 = vector.shape_cast %get3A_115 : vector<1x16xf32> to vector<16xf32>
          %add3A_117 = arith.addf %get3A_112, %get3A_116 : vector<16xf32>
          %swap3A_118 = arith.index_cast %scan3A_40 : i32 to index
          %swap3A_119 = arith.constant 80 : index
          %swap3A_120 = tpu.vector_load %arg10[%swap3A_118, %swap3A_119] {strides = array<i32>} : memref<128x128xf32, #tpu.memory_space<vmem>>, vector<1x16xf32>,
          %swap3A_121 = vector.shape_cast %swap3A_120 : vector<1x16xf32> to vector<16xf32>
          %swap3A_122 = vector.shape_cast %add3A_117 : vector<16xf32> to vector<1x16xf32>
          tpu.vector_store %arg10[%swap3A_118, %swap3A_119], %swap3A_122 {strides = array<i32>} : memref<128x128xf32, #tpu.memory_space<vmem>>, vector<1x16xf32>,
          %get3A_123 = arith.index_cast %scan3A_40 : i32 to index
          %get3A_124 = arith.constant 96 : index
          %get3A_125 = tpu.vector_load %arg10[%get3A_123, %get3A_124] {strides = array<i32>} : memref<128x128xf32, #tpu.memory_space<vmem>>, vector<1x16xf32>,
          %get3A_126 = vector.shape_cast %get3A_125 : vector<1x16xf32> to vector<16xf32>
          %get3A_127 = arith.index_cast %scan3A_40 : i32 to index
          %get3A_128 = arith.constant 96 : index
          %get3A_129 = tpu.vector_load %arg11[%get3A_127, %get3A_128] {strides = array<i32>} : memref<128x128xf32, #tpu.memory_space<vmem>>, vector<1x16xf32>,
          %get3A_130 = vector.shape_cast %get3A_129 : vector<1x16xf32> to vector<16xf32>
          %add3A_131 = arith.addf %get3A_126, %get3A_130 : vector<16xf32>
          %swap3A_132 = arith.index_cast %scan3A_40 : i32 to index
          %swap3A_133 = arith.constant 96 : index
          %swap3A_134 = tpu.vector_load %arg10[%swap3A_132, %swap3A_133] {strides = array<i32>} : memref<128x128xf32, #tpu.memory_space<vmem>>, vector<1x16xf32>,
          %swap3A_135 = vector.shape_cast %swap3A_134 : vector<1x16xf32> to vector<16xf32>
          %swap3A_136 = vector.shape_cast %add3A_131 : vector<16xf32> to vector<1x16xf32>
          tpu.vector_store %arg10[%swap3A_132, %swap3A_133], %swap3A_136 {strides = array<i32>} : memref<128x128xf32, #tpu.memory_space<vmem>>, vector<1x16xf32>,
          %get3A_137 = arith.index_cast %scan3A_40 : i32 to index
          %get3A_138 = arith.constant 112 : index
          %get3A_139 = tpu.vector_load %arg10[%get3A_137, %get3A_138] {strides = array<i32>} : memref<128x128xf32, #tpu.memory_space<vmem>>, vector<1x16xf32>,
          %get3A_140 = vector.shape_cast %get3A_139 : vector<1x16xf32> to vector<16xf32>
          %get3A_141 = arith.index_cast %scan3A_40 : i32 to index
          %get3A_142 = arith.constant 112 : index
          %get3A_143 = tpu.vector_load %arg11[%get3A_141, %get3A_142] {strides = array<i32>} : memref<128x128xf32, #tpu.memory_space<vmem>>, vector<1x16xf32>,
          %get3A_144 = vector.shape_cast %get3A_143 : vector<1x16xf32> to vector<16xf32>
          %add3A_145 = arith.addf %get3A_140, %get3A_144 : vector<16xf32>
          %swap3A_146 = arith.index_cast %scan3A_40 : i32 to index
          %swap3A_147 = arith.constant 112 : index
          %swap3A_148 = tpu.vector_load %arg10[%swap3A_146, %swap3A_147] {strides = array<i32>} : memref<128x128xf32, #tpu.memory_space<vmem>>, vector<1x16xf32>,
          %swap3A_149 = vector.shape_cast %swap3A_148 : vector<1x16xf32> to vector<16xf32>
          %swap3A_150 = vector.shape_cast %add3A_145 : vector<16xf32> to vector<1x16xf32>
          tpu.vector_store %arg10[%swap3A_146, %swap3A_147], %swap3A_150 {strides = array<i32>} : memref<128x128xf32, #tpu.memory_space<vmem>>, vector<1x16xf32>,
        }
        %scan3A_39 = arith.constant 128 : i32
        "tpu.region"() ({
          %run_scoped3A = tpu.sem_alloc : memref<!tpu.dma_semaphore, #tpu.memory_space<semaphore_mem>>
          %dma_start3A_40 = arith.constant 0 : i32
          %dma_start3A_41 = arith.constant 0 : i32
          %dma_start3A_42 = tpu.memref_slice %arg12[%dma_start3A_40, %dma_start3A_41] : memref<10000x128xf32, #tpu.memory_space<vmem_shared>> -> memref<10000x128xf32, #tpu.memory_space<vmem_shared>>
          tpu.enqueue_indirect_dma source(%arg10 : memref<128x128xf32, #tpu.memory_space<vmem>>) target(%dma_start3A_42 : memref<10000x128xf32, #tpu.memory_space<vmem_shared>>) offsets(%arg9 : memref<128xi32, #tpu.memory_space<vmem>>) semaphore(%run_scoped3A : memref<!tpu.dma_semaphore, #tpu.memory_space<semaphore_mem>>) {add = true}
          %dma_wait3A_43 = arith.constant 0 : i32
          %dma_wait3A_44 = arith.constant 0 : i32
          %dma_wait3A_45 = tpu.memref_slice %arg12[%dma_wait3A_43, %dma_wait3A_44] : memref<10000x128xf32, #tpu.memory_space<vmem_shared>> -> memref<10000x128xf32, #tpu.memory_space<vmem_shared>>
          tpu.wait_indirect_dma semaphore(%run_scoped3A : memref<!tpu.dma_semaphore, #tpu.memory_space<semaphore_mem>>) src(%arg10 : memref<128x128xf32, #tpu.memory_space<vmem>>) dst(%dma_wait3A_45 : memref<10000x128xf32, #tpu.memory_space<vmem_shared>>)
          tpu.yield
        }) : () -> ()
      } else {
      }
      %scan3A_27 = arith.constant 0 : i32
      scf.yield %scan3A_27 : i32
    }
    %scan3A_12 = arith.constant 79 : i32
    %barrier3A_13 = arith.constant 0 : index
    tpu.barrier barrier_id(%barrier3A_13)
    %scan3A_14 = arith.constant 0 : i32
    %scan3A_15 = arith.constant 0 : i32
    %scan3A_16 = arith.constant 8 : i32
    %scan3A_17 = arith.addi %scan3A_15, %scan3A_16 : i32
    %scan3A_18 = arith.constant 1 : i32
    scf.for %scan3A_20 = %scan3A_15 to %scan3A_17 step %scan3A_18  : i32 {
      %mul3A_21 = arith.constant 16 : i32
      %mul3A_22 = arith.muli %scan3A_20, %mul3A_21 : i32
      %add3A_23 = arith.addi %arg1, %mul3A_22 : i32
      %lt3A = arith.constant 125 : i32
      %lt3A_24 = arith.cmpi slt, %add3A_23, %lt3A : i32
      %convert_element_type3A = arith.extui %lt3A_24 : i1 to i32
      %cond3A = arith.constant 0 : i32
      %cond3A_25 = arith.cmpi ne, %convert_element_type3A, %cond3A : i32
      scf.if %cond3A_25 {
        %mul3A_26 = arith.constant 80 : i32
        %mul3A_27 = arith.muli %add3A_23, %mul3A_26 : i32
        %multiple_of3A = tpu.assume_multiple %mul3A_27, 80 : i32
        "tpu.region"() ({
          %run_scoped3A = tpu.sem_alloc : memref<!tpu.dma_semaphore, #tpu.memory_space<semaphore_mem>>
          %dma_start3A = arith.constant 0 : i32
          %dma_start3A_28 = arith.constant 0 : i32
          %dma_start3A_29 = tpu.memref_slice %arg10[%dma_start3A, %dma_start3A_28] : memref<128x128xf32, #tpu.memory_space<vmem>> -> memref<80x128xf32, #tpu.memory_space<vmem>>
          %dma_start3A_30 = arith.constant 0 : i32
          %dma_start3A_31 = tpu.memref_slice %arg12[%multiple_of3A, %dma_start3A_30] : memref<10000x128xf32, #tpu.memory_space<vmem_shared>> -> memref<80x128xf32, #tpu.memory_space<vmem_shared>>
          %dma_start3A_32 = arith.constant 0 : i32
          %dma_start3A_33 = arith.constant 0 : i32
          %dma_start3A_34 = tpu.memref_slice %arg10[%dma_start3A_32, %dma_start3A_33] : memref<128x128xf32, #tpu.memory_space<vmem>> -> memref<80x128xf32, #tpu.memory_space<vmem>>
          %dma_start3A_35 = arith.constant 0 : i32
          %dma_start3A_36 = tpu.memref_slice %arg12[%multiple_of3A, %dma_start3A_35] : memref<10000x128xf32, #tpu.memory_space<vmem_shared>> -> memref<80x128xf32, #tpu.memory_space<vmem_shared>>
          tpu.enqueue_dma source(%dma_start3A_36 : memref<80x128xf32, #tpu.memory_space<vmem_shared>>) target(%dma_start3A_34 : memref<80x128xf32, #tpu.memory_space<vmem>>) target_semaphore(%run_scoped3A : memref<!tpu.dma_semaphore, #tpu.memory_space<semaphore_mem>>)
          %dma_wait3A = arith.constant 0 : i32
          %dma_wait3A_37 = arith.constant 0 : i32
          %dma_wait3A_38 = tpu.memref_slice %arg10[%dma_wait3A, %dma_wait3A_37] : memref<128x128xf32, #tpu.memory_space<vmem>> -> memref<80x128xf32, #tpu.memory_space<vmem>>
          %dma_wait3A_39 = arith.constant 0 : i32
          %dma_wait3A_40 = tpu.memref_slice %arg12[%multiple_of3A, %dma_wait3A_39] : memref<10000x128xf32, #tpu.memory_space<vmem_shared>> -> memref<80x128xf32, #tpu.memory_space<vmem_shared>>
          %dma_wait3A_41 = arith.constant 0 : i32
          %dma_wait3A_42 = arith.constant 0 : i32
          %dma_wait3A_43 = tpu.memref_slice %arg10[%dma_wait3A_41, %dma_wait3A_42] : memref<128x128xf32, #tpu.memory_space<vmem>> -> memref<80x128xf32, #tpu.memory_space<vmem>>
          %dma_wait3A_44 = arith.constant 0 : i32
          %dma_wait3A_45 = tpu.memref_slice %arg12[%multiple_of3A, %dma_wait3A_44] : memref<10000x128xf32, #tpu.memory_space<vmem_shared>> -> memref<80x128xf32, #tpu.memory_space<vmem_shared>>
          tpu.wait_dma2 semaphore(%run_scoped3A : memref<!tpu.dma_semaphore, #tpu.memory_space<semaphore_mem>>) src(%dma_wait3A_45 : memref<80x128xf32, #tpu.memory_space<vmem_shared>>) dst(%dma_wait3A_43 : memref<80x128xf32, #tpu.memory_space<vmem>>)
          tpu.yield
        }) : () -> ()
        "tpu.region"() ({
          %run_scoped3A = tpu.sem_alloc : memref<!tpu.dma_semaphore, #tpu.memory_space<semaphore_mem>>
          %dma_start3A = arith.constant 0 : i32
          %dma_start3A_28 = arith.constant 0 : i32
          %dma_start3A_29 = tpu.memref_slice %arg10[%dma_start3A, %dma_start3A_28] : memref<128x128xf32, #tpu.memory_space<vmem>> -> memref<80x128xf32, #tpu.memory_space<vmem>>
          %dma_start3A_30 = arith.constant 0 : i32
          %dma_start3A_31 = tpu.memref_slice %arg7[%arg0, %multiple_of3A, %dma_start3A_30] : memref<2x10000x128xf32, #tpu.memory_space<hbm>> -> memref<1x80x128xf32, #tpu.memory_space<hbm>>
          %dma_start3A_32 = tpu.memref_squeeze %dma_start3A_31 : memref<1x80x128xf32, #tpu.memory_space<hbm>> -> memref<80x128xf32, #tpu.memory_space<hbm>>
          %dma_start3A_33 = arith.constant 0 : i32
          %dma_start3A_34 = tpu.memref_slice %arg7[%arg0, %multiple_of3A, %dma_start3A_33] : memref<2x10000x128xf32, #tpu.memory_space<hbm>> -> memref<1x80x128xf32, #tpu.memory_space<hbm>>
          %dma_start3A_35 = tpu.memref_squeeze %dma_start3A_34 : memref<1x80x128xf32, #tpu.memory_space<hbm>> -> memref<80x128xf32, #tpu.memory_space<hbm>>
          %dma_start3A_36 = arith.constant 0 : i32
          %dma_start3A_37 = arith.constant 0 : i32
          %dma_start3A_38 = tpu.memref_slice %arg10[%dma_start3A_36, %dma_start3A_37] : memref<128x128xf32, #tpu.memory_space<vmem>> -> memref<80x128xf32, #tpu.memory_space<vmem>>
          tpu.enqueue_dma source(%dma_start3A_38 : memref<80x128xf32, #tpu.memory_space<vmem>>) target(%dma_start3A_35 : memref<80x128xf32, #tpu.memory_space<hbm>>) target_semaphore(%run_scoped3A : memref<!tpu.dma_semaphore, #tpu.memory_space<semaphore_mem>>)
          %dma_wait3A = arith.constant 0 : i32
          %dma_wait3A_39 = arith.constant 0 : i32
          %dma_wait3A_40 = tpu.memref_slice %arg10[%dma_wait3A, %dma_wait3A_39] : memref<128x128xf32, #tpu.memory_space<vmem>> -> memref<80x128xf32, #tpu.memory_space<vmem>>
          %dma_wait3A_41 = arith.constant 0 : i32
          %dma_wait3A_42 = tpu.memref_slice %arg7[%arg0, %multiple_of3A, %dma_wait3A_41] : memref<2x10000x128xf32, #tpu.memory_space<hbm>> -> memref<1x80x128xf32, #tpu.memory_space<hbm>>
          %dma_wait3A_43 = tpu.memref_squeeze %dma_wait3A_42 : memref<1x80x128xf32, #tpu.memory_space<hbm>> -> memref<80x128xf32, #tpu.memory_space<hbm>>
          %dma_wait3A_44 = arith.constant 0 : i32
          %dma_wait3A_45 = tpu.memref_slice %arg7[%arg0, %multiple_of3A, %dma_wait3A_44] : memref<2x10000x128xf32, #tpu.memory_space<hbm>> -> memref<1x80x128xf32, #tpu.memory_space<hbm>>
          %dma_wait3A_46 = tpu.memref_squeeze %dma_wait3A_45 : memref<1x80x128xf32, #tpu.memory_space<hbm>> -> memref<80x128xf32, #tpu.memory_space<hbm>>
          %dma_wait3A_47 = arith.constant 0 : i32
          %dma_wait3A_48 = arith.constant 0 : i32
          %dma_wait3A_49 = tpu.memref_slice %arg10[%dma_wait3A_47, %dma_wait3A_48] : memref<128x128xf32, #tpu.memory_space<vmem>> -> memref<80x128xf32, #tpu.memory_space<vmem>>
          tpu.wait_dma2 semaphore(%run_scoped3A : memref<!tpu.dma_semaphore, #tpu.memory_space<semaphore_mem>>) src(%dma_wait3A_49 : memref<80x128xf32, #tpu.memory_space<vmem>>) dst(%dma_wait3A_46 : memref<80x128xf32, #tpu.memory_space<hbm>>)
          tpu.yield
        }) : () -> ()
      } else {
      }
    }
    %scan3A_19 = arith.constant 8 : i32
    return
  }
}

module attributes {stable_mosaic.version = 14 : i64} {
  func.func @_edge_embed_body(%arg0: i32, %arg1: memref<6400x16xf32, #tpu.memory_space<vmem>>, %arg2: memref<16x128xf32, #tpu.memory_space<vmem>>, %arg3: memref<1x128xf32, #tpu.memory_space<vmem>>, %arg4: memref<1x128xf32, #tpu.memory_space<vmem>>, %arg5: memref<1x128xf32, #tpu.memory_space<vmem>>, %arg6: memref<6400x128xf32, #tpu.memory_space<vmem>>) attributes {dimension_semantics = [#tpu.dimension_semantics<arbitrary>], iteration_bounds = array<i64: 50>, scalar_prefetch = 0 : i64, scratch_operands = 0 : i64, tpu.core_type = #tpu.core_type<tc>, window_params = [{transform_indices = @transform_0, window_bounds = array<i64: 6400, 16>}, {pipeline_mode = #tpu.pipeline_mode<synchronous>, transform_indices = @transform_1, window_bounds = array<i64: 16, 128>}, {pipeline_mode = #tpu.pipeline_mode<synchronous>, transform_indices = @transform_2, window_bounds = array<i64: 1, 128>}, {pipeline_mode = #tpu.pipeline_mode<synchronous>, transform_indices = @transform_3, window_bounds = array<i64: 1, 128>}, {pipeline_mode = #tpu.pipeline_mode<synchronous>, transform_indices = @transform_4, window_bounds = array<i64: 1, 128>}, {transform_indices = @transform_5, window_bounds = array<i64: 6400, 128>}]} {
    %get3A = arith.constant 0 : index
    %get3A_0 = arith.constant 0 : index
    %get3A_1 = vector.load %arg1[%get3A, %get3A_0] : memref<6400x16xf32, #tpu.memory_space<vmem>>, vector<6400x16xf32>
    %get3A_2 = arith.constant 0 : index
    %get3A_3 = arith.constant 0 : index
    %get3A_4 = vector.load %arg2[%get3A_2, %get3A_3] : memref<16x128xf32, #tpu.memory_space<vmem>>, vector<16x128xf32>
    %dot_general3A = arith.constant dense<0.000000e+00> : vector<6400x128xf32>
    %dot_general3A_5 = tpu.matmul %get3A_1, %get3A_4, %dot_general3A {dimension_numbers = #tpu.dot_dimension_numbers<[1], [0], [0], [1], [0, 0, 1, 1], [], []>, transpose_lhs_hint = false} : vector<6400x16xf32>, vector<16x128xf32>, vector<6400x128xf32> -> vector<6400x128xf32>
    %get3A_6 = arith.constant 0 : index
    %get3A_7 = arith.constant 0 : index
    %get3A_8 = vector.load %arg3[%get3A_6, %get3A_7] : memref<1x128xf32, #tpu.memory_space<vmem>>, vector<1x128xf32>
    %add3A = vector.broadcast %get3A_8 : vector<1x128xf32> to vector<6400x128xf32>
    %add3A_9 = arith.addf %dot_general3A_5, %add3A : vector<6400x128xf32>
    %get3A_10 = arith.constant 0 : index
    %get3A_11 = arith.constant 0 : index
    %get3A_12 = vector.load %arg4[%get3A_10, %get3A_11] : memref<1x128xf32, #tpu.memory_space<vmem>>, vector<1x128xf32>
    %get3A_13 = arith.constant 0 : index
    %get3A_14 = arith.constant 0 : index
    %get3A_15 = vector.load %arg5[%get3A_13, %get3A_14] : memref<1x128xf32, #tpu.memory_space<vmem>>, vector<1x128xf32>
    %reduce_sum3A = arith.constant dense<0.000000e+00> : vector<6400xf32>
    %reduce_sum3A_16 = vector.multi_reduction <add>, %add3A_9, %reduce_sum3A [1] : vector<6400x128xf32> to vector<6400xf32>
    %broadcast_in_dim3A = vector.shape_cast %reduce_sum3A_16 : vector<6400xf32> to vector<6400x1xf32>
    %div3A = arith.constant 1.280000e+02 : f32
    %div3A_17 = vector.broadcast %div3A : f32 to vector<6400x1xf32>
    %div3A_18 = arith.divf %broadcast_in_dim3A, %div3A_17 : vector<6400x1xf32>
    %sub3A = vector.broadcast %div3A_18 : vector<6400x1xf32> to vector<6400x128xf32>
    %sub3A_19 = arith.subf %add3A_9, %sub3A : vector<6400x128xf32>
    %integer_pow3A = arith.mulf %sub3A_19, %sub3A_19 : vector<6400x128xf32>
    %reduce_sum3A_20 = arith.constant dense<0.000000e+00> : vector<6400xf32>
    %reduce_sum3A_21 = vector.multi_reduction <add>, %integer_pow3A, %reduce_sum3A_20 [1] : vector<6400x128xf32> to vector<6400xf32>
    %broadcast_in_dim3A_22 = vector.shape_cast %reduce_sum3A_21 : vector<6400xf32> to vector<6400x1xf32>
    %div3A_23 = arith.constant 1.280000e+02 : f32
    %div3A_24 = vector.broadcast %div3A_23 : f32 to vector<6400x1xf32>
    %div3A_25 = arith.divf %broadcast_in_dim3A_22, %div3A_24 : vector<6400x1xf32>
    %sub3A_26 = vector.broadcast %div3A_18 : vector<6400x1xf32> to vector<6400x128xf32>
    %sub3A_27 = arith.subf %add3A_9, %sub3A_26 : vector<6400x128xf32>
    %add3A_28 = arith.constant 9.99999974E-6 : f32
    %add3A_29 = vector.broadcast %add3A_28 : f32 to vector<6400x1xf32>
    %add3A_30 = arith.addf %div3A_25, %add3A_29 : vector<6400x1xf32>
    %sqrt3A = math.sqrt %add3A_30 : vector<6400x1xf32>
    %div3A_31 = vector.broadcast %sqrt3A : vector<6400x1xf32> to vector<6400x128xf32>
    %div3A_32 = arith.divf %sub3A_27, %div3A_31 : vector<6400x128xf32>
    %mul3A = vector.broadcast %get3A_12 : vector<1x128xf32> to vector<6400x128xf32>
    %mul3A_33 = arith.mulf %div3A_32, %mul3A : vector<6400x128xf32>
    %add3A_34 = vector.broadcast %get3A_15 : vector<1x128xf32> to vector<6400x128xf32>
    %add3A_35 = arith.addf %mul3A_33, %add3A_34 : vector<6400x128xf32>
    %max3A = arith.constant 0.000000e+00 : f32
    %max3A_36 = vector.broadcast %max3A : f32 to vector<6400x128xf32>
    %max3A_37 = arith.maximumf %add3A_35, %max3A_36 : vector<6400x128xf32>
    %swap3A = arith.constant 0 : index
    %swap3A_38 = arith.constant 0 : index
    %swap3A_39 = vector.load %arg6[%swap3A, %swap3A_38] : memref<6400x128xf32, #tpu.memory_space<vmem>>, vector<6400x128xf32>
    tpu.vector_store %arg6[%swap3A, %swap3A_38], %max3A_37 {strides = array<i32>} : memref<6400x128xf32, #tpu.memory_space<vmem>>, vector<6400x128xf32>,
    return
  }
  func.func @transform_0(%arg0: i32) -> (i32, i32) {
    %c0_i32 = arith.constant 0 : i32
    %c0_i32_0 = arith.constant 0 : i32
    return %arg0, %c0_i32 : i32, i32
  }
  func.func @transform_1(%arg0: i32) -> (i32, i32) {
    %c0_i32 = arith.constant 0 : i32
    %c0_i32_0 = arith.constant 0 : i32
    %c0_i32_1 = arith.constant 0 : i32
    return %c0_i32, %c0_i32_0 : i32, i32
  }
  func.func @transform_2(%arg0: i32) -> (i32, i32) {
    %c0_i32 = arith.constant 0 : i32
    %c0_i32_0 = arith.constant 0 : i32
    %c0_i32_1 = arith.constant 0 : i32
    return %c0_i32, %c0_i32_0 : i32, i32
  }
  func.func @transform_3(%arg0: i32) -> (i32, i32) {
    %c0_i32 = arith.constant 0 : i32
    %c0_i32_0 = arith.constant 0 : i32
    %c0_i32_1 = arith.constant 0 : i32
    return %c0_i32, %c0_i32_0 : i32, i32
  }
  func.func @transform_4(%arg0: i32) -> (i32, i32) {
    %c0_i32 = arith.constant 0 : i32
    %c0_i32_0 = arith.constant 0 : i32
    %c0_i32_1 = arith.constant 0 : i32
    return %c0_i32, %c0_i32_0 : i32, i32
  }
  func.func @transform_5(%arg0: i32) -> (i32, i32) {
    %c0_i32 = arith.constant 0 : i32
    %c0_i32_0 = arith.constant 0 : i32
    return %arg0, %c0_i32 : i32, i32
  }
}

module attributes {stable_mosaic.version = 14 : i64} {
  func.func @_node_embed_body(%arg0: memref<10000x128xf32, #tpu.memory_space<vmem>>, %arg1: memref<128x128xf32, #tpu.memory_space<vmem>>, %arg2: memref<1x128xf32, #tpu.memory_space<vmem>>, %arg3: memref<1x128xf32, #tpu.memory_space<vmem>>, %arg4: memref<1x128xf32, #tpu.memory_space<vmem>>, %arg5: memref<10000x128xf32, #tpu.memory_space<vmem>>) attributes {dimension_semantics = [], scalar_prefetch = 0 : i64, scratch_operands = 0 : i64, tpu.core_type = #tpu.core_type<tc>} {
    %get3A = arith.constant 0 : index
    %get3A_0 = arith.constant 0 : index
    %get3A_1 = vector.load %arg0[%get3A, %get3A_0] : memref<10000x128xf32, #tpu.memory_space<vmem>>, vector<10000x128xf32>
    %get3A_2 = arith.constant 0 : index
    %get3A_3 = arith.constant 0 : index
    %get3A_4 = vector.load %arg1[%get3A_2, %get3A_3] : memref<128x128xf32, #tpu.memory_space<vmem>>, vector<128x128xf32>
    %dot_general3A = arith.constant dense<0.000000e+00> : vector<10000x128xf32>
    %dot_general3A_5 = tpu.matmul %get3A_1, %get3A_4, %dot_general3A {dimension_numbers = #tpu.dot_dimension_numbers<[1], [0], [0], [1], [0, 0, 1, 1], [], []>, transpose_lhs_hint = false} : vector<10000x128xf32>, vector<128x128xf32>, vector<10000x128xf32> -> vector<10000x128xf32>
    %get3A_6 = arith.constant 0 : index
    %get3A_7 = arith.constant 0 : index
    %get3A_8 = vector.load %arg2[%get3A_6, %get3A_7] : memref<1x128xf32, #tpu.memory_space<vmem>>, vector<1x128xf32>
    %add3A = vector.broadcast %get3A_8 : vector<1x128xf32> to vector<10000x128xf32>
    %add3A_9 = arith.addf %dot_general3A_5, %add3A : vector<10000x128xf32>
    %get3A_10 = arith.constant 0 : index
    %get3A_11 = arith.constant 0 : index
    %get3A_12 = vector.load %arg3[%get3A_10, %get3A_11] : memref<1x128xf32, #tpu.memory_space<vmem>>, vector<1x128xf32>
    %get3A_13 = arith.constant 0 : index
    %get3A_14 = arith.constant 0 : index
    %get3A_15 = vector.load %arg4[%get3A_13, %get3A_14] : memref<1x128xf32, #tpu.memory_space<vmem>>, vector<1x128xf32>
    %reduce_sum3A = arith.constant dense<0.000000e+00> : vector<10000xf32>
    %reduce_sum3A_16 = vector.multi_reduction <add>, %add3A_9, %reduce_sum3A [1] : vector<10000x128xf32> to vector<10000xf32>
    %broadcast_in_dim3A = vector.shape_cast %reduce_sum3A_16 : vector<10000xf32> to vector<10000x1xf32>
    %div3A = arith.constant 1.280000e+02 : f32
    %div3A_17 = vector.broadcast %div3A : f32 to vector<10000x1xf32>
    %div3A_18 = arith.divf %broadcast_in_dim3A, %div3A_17 : vector<10000x1xf32>
    %sub3A = vector.broadcast %div3A_18 : vector<10000x1xf32> to vector<10000x128xf32>
    %sub3A_19 = arith.subf %add3A_9, %sub3A : vector<10000x128xf32>
    %integer_pow3A = arith.mulf %sub3A_19, %sub3A_19 : vector<10000x128xf32>
    %reduce_sum3A_20 = arith.constant dense<0.000000e+00> : vector<10000xf32>
    %reduce_sum3A_21 = vector.multi_reduction <add>, %integer_pow3A, %reduce_sum3A_20 [1] : vector<10000x128xf32> to vector<10000xf32>
    %broadcast_in_dim3A_22 = vector.shape_cast %reduce_sum3A_21 : vector<10000xf32> to vector<10000x1xf32>
    %div3A_23 = arith.constant 1.280000e+02 : f32
    %div3A_24 = vector.broadcast %div3A_23 : f32 to vector<10000x1xf32>
    %div3A_25 = arith.divf %broadcast_in_dim3A_22, %div3A_24 : vector<10000x1xf32>
    %sub3A_26 = vector.broadcast %div3A_18 : vector<10000x1xf32> to vector<10000x128xf32>
    %sub3A_27 = arith.subf %add3A_9, %sub3A_26 : vector<10000x128xf32>
    %add3A_28 = arith.constant 9.99999974E-6 : f32
    %add3A_29 = vector.broadcast %add3A_28 : f32 to vector<10000x1xf32>
    %add3A_30 = arith.addf %div3A_25, %add3A_29 : vector<10000x1xf32>
    %sqrt3A = math.sqrt %add3A_30 : vector<10000x1xf32>
    %div3A_31 = vector.broadcast %sqrt3A : vector<10000x1xf32> to vector<10000x128xf32>
    %div3A_32 = arith.divf %sub3A_27, %div3A_31 : vector<10000x128xf32>
    %mul3A = vector.broadcast %get3A_12 : vector<1x128xf32> to vector<10000x128xf32>
    %mul3A_33 = arith.mulf %div3A_32, %mul3A : vector<10000x128xf32>
    %add3A_34 = vector.broadcast %get3A_15 : vector<1x128xf32> to vector<10000x128xf32>
    %add3A_35 = arith.addf %mul3A_33, %add3A_34 : vector<10000x128xf32>
    %max3A = arith.constant 0.000000e+00 : f32
    %max3A_36 = vector.broadcast %max3A : f32 to vector<10000x128xf32>
    %max3A_37 = arith.maximumf %add3A_35, %max3A_36 : vector<10000x128xf32>
    %swap3A = arith.constant 0 : index
    %swap3A_38 = arith.constant 0 : index
    %swap3A_39 = vector.load %arg5[%swap3A, %swap3A_38] : memref<10000x128xf32, #tpu.memory_space<vmem>>, vector<10000x128xf32>
    tpu.vector_store %arg5[%swap3A, %swap3A_38], %max3A_37 {strides = array<i32>} : memref<10000x128xf32, #tpu.memory_space<vmem>>, vector<10000x128xf32>,
    return
  }
}

module attributes {stable_mosaic.version = 14 : i64} {
  func.func @_loop_row_body(%arg0: memref<1x16xf32, #tpu.memory_space<vmem>>, %arg1: memref<16x128xf32, #tpu.memory_space<vmem>>, %arg2: memref<1x128xf32, #tpu.memory_space<vmem>>, %arg3: memref<1x128xf32, #tpu.memory_space<vmem>>, %arg4: memref<1x128xf32, #tpu.memory_space<vmem>>, %arg5: memref<1x128xf32, #tpu.memory_space<vmem>>) attributes {dimension_semantics = [], scalar_prefetch = 0 : i64, scratch_operands = 0 : i64, tpu.core_type = #tpu.core_type<tc>} {
    %get3A = arith.constant 0 : index
    %get3A_0 = arith.constant 0 : index
    %get3A_1 = vector.load %arg0[%get3A, %get3A_0] : memref<1x16xf32, #tpu.memory_space<vmem>>, vector<1x16xf32>
    %get3A_2 = arith.constant 0 : index
    %get3A_3 = arith.constant 0 : index
    %get3A_4 = vector.load %arg1[%get3A_2, %get3A_3] : memref<16x128xf32, #tpu.memory_space<vmem>>, vector<16x128xf32>
    %dot_general3A = arith.constant dense<0.000000e+00> : vector<1x128xf32>
    %dot_general3A_5 = tpu.matmul %get3A_1, %get3A_4, %dot_general3A {dimension_numbers = #tpu.dot_dimension_numbers<[1], [0], [0], [1], [0, 0, 1, 1], [], []>, transpose_lhs_hint = false} : vector<1x16xf32>, vector<16x128xf32>, vector<1x128xf32> -> vector<1x128xf32>
    %get3A_6 = arith.constant 0 : index
    %get3A_7 = arith.constant 0 : index
    %get3A_8 = vector.load %arg2[%get3A_6, %get3A_7] : memref<1x128xf32, #tpu.memory_space<vmem>>, vector<1x128xf32>
    %add3A = arith.addf %dot_general3A_5, %get3A_8 : vector<1x128xf32>
    %get3A_9 = arith.constant 0 : index
    %get3A_10 = arith.constant 0 : index
    %get3A_11 = vector.load %arg3[%get3A_9, %get3A_10] : memref<1x128xf32, #tpu.memory_space<vmem>>, vector<1x128xf32>
    %get3A_12 = arith.constant 0 : index
    %get3A_13 = arith.constant 0 : index
    %get3A_14 = vector.load %arg4[%get3A_12, %get3A_13] : memref<1x128xf32, #tpu.memory_space<vmem>>, vector<1x128xf32>
    %reduce_sum3A = arith.constant dense<0.000000e+00> : vector<1xf32>
    %reduce_sum3A_15 = vector.multi_reduction <add>, %add3A, %reduce_sum3A [1] : vector<1x128xf32> to vector<1xf32>
    %broadcast_in_dim3A = vector.shape_cast %reduce_sum3A_15 : vector<1xf32> to vector<1x1xf32>
    %div3A = arith.constant 1.280000e+02 : f32
    %div3A_16 = vector.broadcast %div3A : f32 to vector<1x1xf32>
    %div3A_17 = arith.divf %broadcast_in_dim3A, %div3A_16 : vector<1x1xf32>
    %sub3A = vector.broadcast %div3A_17 : vector<1x1xf32> to vector<1x128xf32>
    %sub3A_18 = arith.subf %add3A, %sub3A : vector<1x128xf32>
    %integer_pow3A = arith.mulf %sub3A_18, %sub3A_18 : vector<1x128xf32>
    %reduce_sum3A_19 = arith.constant dense<0.000000e+00> : vector<1xf32>
    %reduce_sum3A_20 = vector.multi_reduction <add>, %integer_pow3A, %reduce_sum3A_19 [1] : vector<1x128xf32> to vector<1xf32>
    %broadcast_in_dim3A_21 = vector.shape_cast %reduce_sum3A_20 : vector<1xf32> to vector<1x1xf32>
    %div3A_22 = arith.constant 1.280000e+02 : f32
    %div3A_23 = vector.broadcast %div3A_22 : f32 to vector<1x1xf32>
    %div3A_24 = arith.divf %broadcast_in_dim3A_21, %div3A_23 : vector<1x1xf32>
    %sub3A_25 = vector.broadcast %div3A_17 : vector<1x1xf32> to vector<1x128xf32>
    %sub3A_26 = arith.subf %add3A, %sub3A_25 : vector<1x128xf32>
    %add3A_27 = arith.constant 9.99999974E-6 : f32
    %add3A_28 = vector.broadcast %add3A_27 : f32 to vector<1x1xf32>
    %add3A_29 = arith.addf %div3A_24, %add3A_28 : vector<1x1xf32>
    %sqrt3A = math.sqrt %add3A_29 : vector<1x1xf32>
    %div3A_30 = vector.broadcast %sqrt3A : vector<1x1xf32> to vector<1x128xf32>
    %div3A_31 = arith.divf %sub3A_26, %div3A_30 : vector<1x128xf32>
    %mul3A = arith.mulf %div3A_31, %get3A_11 : vector<1x128xf32>
    %add3A_32 = arith.addf %mul3A, %get3A_14 : vector<1x128xf32>
    %max3A = arith.constant 0.000000e+00 : f32
    %max3A_33 = vector.broadcast %max3A : f32 to vector<1x128xf32>
    %max3A_34 = arith.maximumf %add3A_32, %max3A_33 : vector<1x128xf32>
    %swap3A = arith.constant 0 : index
    %swap3A_35 = arith.constant 0 : index
    %swap3A_36 = vector.load %arg5[%swap3A, %swap3A_35] : memref<1x128xf32, #tpu.memory_space<vmem>>, vector<1x128xf32>
    tpu.vector_store %arg5[%swap3A, %swap3A_35], %max3A_34 {strides = array<i32>} : memref<1x128xf32, #tpu.memory_space<vmem>>, vector<1x128xf32>,
    return
  }
}

module attributes {stable_mosaic.version = 14 : i64} {
  func.func @_mlp_body(%arg0: memref<2x10000x128xf32, #tpu.memory_space<vmem>>, %arg1: memref<10000x128xf32, #tpu.memory_space<vmem>>, %arg2: memref<1x128xf32, #tpu.memory_space<vmem>>, %arg3: memref<128x256xf32, #tpu.memory_space<vmem>>, %arg4: memref<1x256xf32, #tpu.memory_space<vmem>>, %arg5: memref<256x128xf32, #tpu.memory_space<vmem>>, %arg6: memref<1x128xf32, #tpu.memory_space<vmem>>, %arg7: memref<1x128xf32, #tpu.memory_space<vmem>>, %arg8: memref<1x128xf32, #tpu.memory_space<vmem>>, %arg9: memref<10000x128xf32, #tpu.memory_space<vmem>>) attributes {dimension_semantics = [], scalar_prefetch = 0 : i64, scratch_operands = 0 : i64, tpu.core_type = #tpu.core_type<tc>} {
    %get3A = arith.constant 0 : index
    %get3A_0 = arith.constant 0 : index
    %get3A_1 = arith.constant 0 : index
    %get3A_2 = vector.load %arg0[%get3A, %get3A_0, %get3A_1] : memref<2x10000x128xf32, #tpu.memory_space<vmem>>, vector<1x10000x128xf32>
    %get3A_3 = vector.shape_cast %get3A_2 : vector<1x10000x128xf32> to vector<10000x128xf32>
    %get3A_4 = arith.constant 1 : index
    %get3A_5 = arith.constant 0 : index
    %get3A_6 = arith.constant 0 : index
    %get3A_7 = vector.load %arg0[%get3A_4, %get3A_5, %get3A_6] : memref<2x10000x128xf32, #tpu.memory_space<vmem>>, vector<1x10000x128xf32>
    %get3A_8 = vector.shape_cast %get3A_7 : vector<1x10000x128xf32> to vector<10000x128xf32>
    %add3A = arith.addf %get3A_3, %get3A_8 : vector<10000x128xf32>
    %get3A_9 = arith.constant 0 : index
    %get3A_10 = arith.constant 0 : index
    %get3A_11 = vector.load %arg1[%get3A_9, %get3A_10] : memref<10000x128xf32, #tpu.memory_space<vmem>>, vector<10000x128xf32>
    %add3A_12 = arith.addf %add3A, %get3A_11 : vector<10000x128xf32>
    %get3A_13 = arith.constant 0 : index
    %get3A_14 = arith.constant 0 : index
    %get3A_15 = vector.load %arg2[%get3A_13, %get3A_14] : memref<1x128xf32, #tpu.memory_space<vmem>>, vector<1x128xf32>
    %add3A_16 = vector.broadcast %get3A_15 : vector<1x128xf32> to vector<10000x128xf32>
    %add3A_17 = arith.addf %add3A_12, %add3A_16 : vector<10000x128xf32>
    %get3A_18 = arith.constant 0 : index
    %get3A_19 = arith.constant 0 : index
    %get3A_20 = vector.load %arg3[%get3A_18, %get3A_19] : memref<128x256xf32, #tpu.memory_space<vmem>>, vector<128x256xf32>
    %dot_general3A = arith.constant dense<0.000000e+00> : vector<10000x256xf32>
    %dot_general3A_21 = tpu.matmul %add3A_17, %get3A_20, %dot_general3A {dimension_numbers = #tpu.dot_dimension_numbers<[1], [0], [0], [1], [0, 0, 1, 1], [], []>, transpose_lhs_hint = false} : vector<10000x128xf32>, vector<128x256xf32>, vector<10000x256xf32> -> vector<10000x256xf32>
    %get3A_22 = arith.constant 0 : index
    %get3A_23 = arith.constant 0 : index
    %get3A_24 = vector.load %arg4[%get3A_22, %get3A_23] : memref<1x256xf32, #tpu.memory_space<vmem>>, vector<1x256xf32>
    %add3A_25 = vector.broadcast %get3A_24 : vector<1x256xf32> to vector<10000x256xf32>
    %add3A_26 = arith.addf %dot_general3A_21, %add3A_25 : vector<10000x256xf32>
    %integer_pow3A = arith.mulf %add3A_26, %add3A_26 : vector<10000x256xf32>
    %integer_pow3A_27 = arith.mulf %add3A_26, %integer_pow3A : vector<10000x256xf32>
    %mul3A = arith.constant 4.471500e-02 : f32
    %mul3A_28 = vector.broadcast %mul3A : f32 to vector<10000x256xf32>
    %mul3A_29 = arith.mulf %mul3A_28, %integer_pow3A_27 : vector<10000x256xf32>
    %add3A_30 = arith.addf %add3A_26, %mul3A_29 : vector<10000x256xf32>
    %mul3A_31 = arith.constant 0.797884583 : f32
    %mul3A_32 = vector.broadcast %mul3A_31 : f32 to vector<10000x256xf32>
    %mul3A_33 = arith.mulf %mul3A_32, %add3A_30 : vector<10000x256xf32>
    %tanh3A = math.tanh %mul3A_33 : vector<10000x256xf32>
    %add3A_34 = arith.constant 1.000000e+00 : f32
    %add3A_35 = vector.broadcast %add3A_34 : f32 to vector<10000x256xf32>
    %add3A_36 = arith.addf %add3A_35, %tanh3A : vector<10000x256xf32>
    %mul3A_37 = arith.constant 5.000000e-01 : f32
    %mul3A_38 = vector.broadcast %mul3A_37 : f32 to vector<10000x256xf32>
    %mul3A_39 = arith.mulf %mul3A_38, %add3A_36 : vector<10000x256xf32>
    %mul3A_40 = arith.mulf %add3A_26, %mul3A_39 : vector<10000x256xf32>
    %get3A_41 = arith.constant 0 : index
    %get3A_42 = arith.constant 0 : index
    %get3A_43 = vector.load %arg5[%get3A_41, %get3A_42] : memref<256x128xf32, #tpu.memory_space<vmem>>, vector<256x128xf32>
    %dot_general3A_44 = arith.constant dense<0.000000e+00> : vector<10000x128xf32>
    %dot_general3A_45 = tpu.matmul %mul3A_40, %get3A_43, %dot_general3A_44 {dimension_numbers = #tpu.dot_dimension_numbers<[1], [0], [0], [1], [0, 0, 1, 1], [], []>, transpose_lhs_hint = false} : vector<10000x256xf32>, vector<256x128xf32>, vector<10000x128xf32> -> vector<10000x128xf32>
    %get3A_46 = arith.constant 0 : index
    %get3A_47 = arith.constant 0 : index
    %get3A_48 = vector.load %arg6[%get3A_46, %get3A_47] : memref<1x128xf32, #tpu.memory_space<vmem>>, vector<1x128xf32>
    %add3A_49 = vector.broadcast %get3A_48 : vector<1x128xf32> to vector<10000x128xf32>
    %add3A_50 = arith.addf %dot_general3A_45, %add3A_49 : vector<10000x128xf32>
    %reduce_sum3A = arith.constant dense<0.000000e+00> : vector<128xf32>
    %reduce_sum3A_51 = vector.multi_reduction <add>, %add3A_50, %reduce_sum3A [0] : vector<10000x128xf32> to vector<128xf32>
    %broadcast_in_dim3A = vector.shape_cast %reduce_sum3A_51 : vector<128xf32> to vector<1x128xf32>
    %div3A = arith.constant 1.000000e+04 : f32
    %div3A_52 = vector.broadcast %div3A : f32 to vector<1x128xf32>
    %div3A_53 = arith.divf %broadcast_in_dim3A, %div3A_52 : vector<1x128xf32>
    %sub3A = vector.broadcast %div3A_53 : vector<1x128xf32> to vector<10000x128xf32>
    %sub3A_54 = arith.subf %add3A_50, %sub3A : vector<10000x128xf32>
    %integer_pow3A_55 = arith.mulf %sub3A_54, %sub3A_54 : vector<10000x128xf32>
    %reduce_sum3A_56 = arith.constant dense<0.000000e+00> : vector<128xf32>
    %reduce_sum3A_57 = vector.multi_reduction <add>, %integer_pow3A_55, %reduce_sum3A_56 [0] : vector<10000x128xf32> to vector<128xf32>
    %broadcast_in_dim3A_58 = vector.shape_cast %reduce_sum3A_57 : vector<128xf32> to vector<1x128xf32>
    %div3A_59 = arith.constant 1.000000e+04 : f32
    %div3A_60 = vector.broadcast %div3A_59 : f32 to vector<1x128xf32>
    %div3A_61 = arith.divf %broadcast_in_dim3A_58, %div3A_60 : vector<1x128xf32>
    %sub3A_62 = vector.broadcast %div3A_53 : vector<1x128xf32> to vector<10000x128xf32>
    %sub3A_63 = arith.subf %add3A_50, %sub3A_62 : vector<10000x128xf32>
    %add3A_64 = arith.constant 9.99999974E-6 : f32
    %add3A_65 = vector.broadcast %add3A_64 : f32 to vector<1x128xf32>
    %add3A_66 = arith.addf %div3A_61, %add3A_65 : vector<1x128xf32>
    %sqrt3A = math.sqrt %add3A_66 : vector<1x128xf32>
    %div3A_67 = vector.broadcast %sqrt3A : vector<1x128xf32> to vector<10000x128xf32>
    %div3A_68 = arith.divf %sub3A_63, %div3A_67 : vector<10000x128xf32>
    %get3A_69 = arith.constant 0 : index
    %get3A_70 = arith.constant 0 : index
    %get3A_71 = vector.load %arg7[%get3A_69, %get3A_70] : memref<1x128xf32, #tpu.memory_space<vmem>>, vector<1x128xf32>
    %mul3A_72 = vector.broadcast %get3A_71 : vector<1x128xf32> to vector<10000x128xf32>
    %mul3A_73 = arith.mulf %div3A_68, %mul3A_72 : vector<10000x128xf32>
    %get3A_74 = arith.constant 0 : index
    %get3A_75 = arith.constant 0 : index
    %get3A_76 = vector.load %arg8[%get3A_74, %get3A_75] : memref<1x128xf32, #tpu.memory_space<vmem>>, vector<1x128xf32>
    %add3A_77 = vector.broadcast %get3A_76 : vector<1x128xf32> to vector<10000x128xf32>
    %add3A_78 = arith.addf %mul3A_73, %add3A_77 : vector<10000x128xf32>
    %max3A = arith.constant 0.000000e+00 : f32
    %max3A_79 = vector.broadcast %max3A : f32 to vector<10000x128xf32>
    %max3A_80 = arith.maximumf %add3A_78, %max3A_79 : vector<10000x128xf32>
    %swap3A = arith.constant 0 : index
    %swap3A_81 = arith.constant 0 : index
    %swap3A_82 = vector.load %arg9[%swap3A, %swap3A_81] : memref<10000x128xf32, #tpu.memory_space<vmem>>, vector<10000x128xf32>
    tpu.vector_store %arg9[%swap3A, %swap3A_81], %max3A_80 {strides = array<i32>} : memref<10000x128xf32, #tpu.memory_space<vmem>>, vector<10000x128xf32>,
    return
  }
}

module attributes {stable_mosaic.version = 14 : i64} {
  func.func @_mlp_body(%arg0: memref<2x10000x128xf32, #tpu.memory_space<vmem>>, %arg1: memref<10000x128xf32, #tpu.memory_space<vmem>>, %arg2: memref<1x128xf32, #tpu.memory_space<vmem>>, %arg3: memref<128x256xf32, #tpu.memory_space<vmem>>, %arg4: memref<1x256xf32, #tpu.memory_space<vmem>>, %arg5: memref<256x128xf32, #tpu.memory_space<vmem>>, %arg6: memref<1x128xf32, #tpu.memory_space<vmem>>, %arg7: memref<1x128xf32, #tpu.memory_space<vmem>>, %arg8: memref<1x128xf32, #tpu.memory_space<vmem>>, %arg9: memref<10000x128xf32, #tpu.memory_space<vmem>>) attributes {dimension_semantics = [], scalar_prefetch = 0 : i64, scratch_operands = 0 : i64, tpu.core_type = #tpu.core_type<tc>} {
    %get3A = arith.constant 0 : index
    %get3A_0 = arith.constant 0 : index
    %get3A_1 = arith.constant 0 : index
    %get3A_2 = vector.load %arg0[%get3A, %get3A_0, %get3A_1] : memref<2x10000x128xf32, #tpu.memory_space<vmem>>, vector<1x10000x128xf32>
    %get3A_3 = vector.shape_cast %get3A_2 : vector<1x10000x128xf32> to vector<10000x128xf32>
    %get3A_4 = arith.constant 1 : index
    %get3A_5 = arith.constant 0 : index
    %get3A_6 = arith.constant 0 : index
    %get3A_7 = vector.load %arg0[%get3A_4, %get3A_5, %get3A_6] : memref<2x10000x128xf32, #tpu.memory_space<vmem>>, vector<1x10000x128xf32>
    %get3A_8 = vector.shape_cast %get3A_7 : vector<1x10000x128xf32> to vector<10000x128xf32>
    %add3A = arith.addf %get3A_3, %get3A_8 : vector<10000x128xf32>
    %get3A_9 = arith.constant 0 : index
    %get3A_10 = arith.constant 0 : index
    %get3A_11 = vector.load %arg1[%get3A_9, %get3A_10] : memref<10000x128xf32, #tpu.memory_space<vmem>>, vector<10000x128xf32>
    %add3A_12 = arith.addf %add3A, %get3A_11 : vector<10000x128xf32>
    %get3A_13 = arith.constant 0 : index
    %get3A_14 = arith.constant 0 : index
    %get3A_15 = vector.load %arg2[%get3A_13, %get3A_14] : memref<1x128xf32, #tpu.memory_space<vmem>>, vector<1x128xf32>
    %add3A_16 = vector.broadcast %get3A_15 : vector<1x128xf32> to vector<10000x128xf32>
    %add3A_17 = arith.addf %add3A_12, %add3A_16 : vector<10000x128xf32>
    %get3A_18 = arith.constant 0 : index
    %get3A_19 = arith.constant 0 : index
    %get3A_20 = vector.load %arg3[%get3A_18, %get3A_19] : memref<128x256xf32, #tpu.memory_space<vmem>>, vector<128x256xf32>
    %dot_general3A = arith.constant dense<0.000000e+00> : vector<10000x256xf32>
    %dot_general3A_21 = tpu.matmul %add3A_17, %get3A_20, %dot_general3A {dimension_numbers = #tpu.dot_dimension_numbers<[1], [0], [0], [1], [0, 0, 1, 1], [], []>, transpose_lhs_hint = false} : vector<10000x128xf32>, vector<128x256xf32>, vector<10000x256xf32> -> vector<10000x256xf32>
    %get3A_22 = arith.constant 0 : index
    %get3A_23 = arith.constant 0 : index
    %get3A_24 = vector.load %arg4[%get3A_22, %get3A_23] : memref<1x256xf32, #tpu.memory_space<vmem>>, vector<1x256xf32>
    %add3A_25 = vector.broadcast %get3A_24 : vector<1x256xf32> to vector<10000x256xf32>
    %add3A_26 = arith.addf %dot_general3A_21, %add3A_25 : vector<10000x256xf32>
    %integer_pow3A = arith.mulf %add3A_26, %add3A_26 : vector<10000x256xf32>
    %integer_pow3A_27 = arith.mulf %add3A_26, %integer_pow3A : vector<10000x256xf32>
    %mul3A = arith.constant 4.471500e-02 : f32
    %mul3A_28 = vector.broadcast %mul3A : f32 to vector<10000x256xf32>
    %mul3A_29 = arith.mulf %mul3A_28, %integer_pow3A_27 : vector<10000x256xf32>
    %add3A_30 = arith.addf %add3A_26, %mul3A_29 : vector<10000x256xf32>
    %mul3A_31 = arith.constant 0.797884583 : f32
    %mul3A_32 = vector.broadcast %mul3A_31 : f32 to vector<10000x256xf32>
    %mul3A_33 = arith.mulf %mul3A_32, %add3A_30 : vector<10000x256xf32>
    %tanh3A = math.tanh %mul3A_33 : vector<10000x256xf32>
    %add3A_34 = arith.constant 1.000000e+00 : f32
    %add3A_35 = vector.broadcast %add3A_34 : f32 to vector<10000x256xf32>
    %add3A_36 = arith.addf %add3A_35, %tanh3A : vector<10000x256xf32>
    %mul3A_37 = arith.constant 5.000000e-01 : f32
    %mul3A_38 = vector.broadcast %mul3A_37 : f32 to vector<10000x256xf32>
    %mul3A_39 = arith.mulf %mul3A_38, %add3A_36 : vector<10000x256xf32>
    %mul3A_40 = arith.mulf %add3A_26, %mul3A_39 : vector<10000x256xf32>
    %get3A_41 = arith.constant 0 : index
    %get3A_42 = arith.constant 0 : index
    %get3A_43 = vector.load %arg5[%get3A_41, %get3A_42] : memref<256x128xf32, #tpu.memory_space<vmem>>, vector<256x128xf32>
    %dot_general3A_44 = arith.constant dense<0.000000e+00> : vector<10000x128xf32>
    %dot_general3A_45 = tpu.matmul %mul3A_40, %get3A_43, %dot_general3A_44 {dimension_numbers = #tpu.dot_dimension_numbers<[1], [0], [0], [1], [0, 0, 1, 1], [], []>, transpose_lhs_hint = false} : vector<10000x256xf32>, vector<256x128xf32>, vector<10000x128xf32> -> vector<10000x128xf32>
    %get3A_46 = arith.constant 0 : index
    %get3A_47 = arith.constant 0 : index
    %get3A_48 = vector.load %arg6[%get3A_46, %get3A_47] : memref<1x128xf32, #tpu.memory_space<vmem>>, vector<1x128xf32>
    %add3A_49 = vector.broadcast %get3A_48 : vector<1x128xf32> to vector<10000x128xf32>
    %add3A_50 = arith.addf %dot_general3A_45, %add3A_49 : vector<10000x128xf32>
    %reduce_sum3A = arith.constant dense<0.000000e+00> : vector<128xf32>
    %reduce_sum3A_51 = vector.multi_reduction <add>, %add3A_50, %reduce_sum3A [0] : vector<10000x128xf32> to vector<128xf32>
    %broadcast_in_dim3A = vector.shape_cast %reduce_sum3A_51 : vector<128xf32> to vector<1x128xf32>
    %div3A = arith.constant 1.000000e+04 : f32
    %div3A_52 = vector.broadcast %div3A : f32 to vector<1x128xf32>
    %div3A_53 = arith.divf %broadcast_in_dim3A, %div3A_52 : vector<1x128xf32>
    %sub3A = vector.broadcast %div3A_53 : vector<1x128xf32> to vector<10000x128xf32>
    %sub3A_54 = arith.subf %add3A_50, %sub3A : vector<10000x128xf32>
    %integer_pow3A_55 = arith.mulf %sub3A_54, %sub3A_54 : vector<10000x128xf32>
    %reduce_sum3A_56 = arith.constant dense<0.000000e+00> : vector<128xf32>
    %reduce_sum3A_57 = vector.multi_reduction <add>, %integer_pow3A_55, %reduce_sum3A_56 [0] : vector<10000x128xf32> to vector<128xf32>
    %broadcast_in_dim3A_58 = vector.shape_cast %reduce_sum3A_57 : vector<128xf32> to vector<1x128xf32>
    %div3A_59 = arith.constant 1.000000e+04 : f32
    %div3A_60 = vector.broadcast %div3A_59 : f32 to vector<1x128xf32>
    %div3A_61 = arith.divf %broadcast_in_dim3A_58, %div3A_60 : vector<1x128xf32>
    %sub3A_62 = vector.broadcast %div3A_53 : vector<1x128xf32> to vector<10000x128xf32>
    %sub3A_63 = arith.subf %add3A_50, %sub3A_62 : vector<10000x128xf32>
    %add3A_64 = arith.constant 9.99999974E-6 : f32
    %add3A_65 = vector.broadcast %add3A_64 : f32 to vector<1x128xf32>
    %add3A_66 = arith.addf %div3A_61, %add3A_65 : vector<1x128xf32>
    %sqrt3A = math.sqrt %add3A_66 : vector<1x128xf32>
    %div3A_67 = vector.broadcast %sqrt3A : vector<1x128xf32> to vector<10000x128xf32>
    %div3A_68 = arith.divf %sub3A_63, %div3A_67 : vector<10000x128xf32>
    %get3A_69 = arith.constant 0 : index
    %get3A_70 = arith.constant 0 : index
    %get3A_71 = vector.load %arg7[%get3A_69, %get3A_70] : memref<1x128xf32, #tpu.memory_space<vmem>>, vector<1x128xf32>
    %mul3A_72 = vector.broadcast %get3A_71 : vector<1x128xf32> to vector<10000x128xf32>
    %mul3A_73 = arith.mulf %div3A_68, %mul3A_72 : vector<10000x128xf32>
    %get3A_74 = arith.constant 0 : index
    %get3A_75 = arith.constant 0 : index
    %get3A_76 = vector.load %arg8[%get3A_74, %get3A_75] : memref<1x128xf32, #tpu.memory_space<vmem>>, vector<1x128xf32>
    %add3A_77 = vector.broadcast %get3A_76 : vector<1x128xf32> to vector<10000x128xf32>
    %add3A_78 = arith.addf %mul3A_73, %add3A_77 : vector<10000x128xf32>
    %swap3A = arith.constant 0 : index
    %swap3A_79 = arith.constant 0 : index
    %swap3A_80 = vector.load %arg9[%swap3A, %swap3A_79] : memref<10000x128xf32, #tpu.memory_space<vmem>>, vector<10000x128xf32>
    tpu.vector_store %arg9[%swap3A, %swap3A_79], %add3A_78 {strides = array<i32>} : memref<10000x128xf32, #tpu.memory_space<vmem>>, vector<10000x128xf32>,
    return
  }
}

</mosaic_0001>

<sc_bundles>
// kernel: kernel.15.cloned.1.call-start
scs
__scs_entry_jumppad:
0x0: {  	(pc) =	sbr.rel $0x88, $3  }
0x1: {  	(tag) =	ssettag $0x0;
	lr =	simm.s32 $0x1  }
0x2: {  	[smem:$0x3F8F] =	sst lr;
	_ =	strace $0xD0000000  }
0x3: {  	_ = 	snop  }
0x4: {  	_ = 	snop  }
0x5: {  	_ = 	snop  }
0x6: {  	_ = 	snop  }
0x7: {  	_ = 	snop  }
__scs_overlays_trampoline_lowered:
0x8: {  	[smem:$0x3F9E] =	sst s0  }
0x9: {  	[smem:$0x3F9F] =	sst s1  }
0xa: {  	[smem:$0x3FA0] =	sst s2  }
0xb: {  	[smem:$0x3FA1] =	sst s3  }
0xc: {  	[smem:$0x3FA2] =	sst s4  }
0xd: {  	[smem:$0x3FA3] =	sst s5  }
0xe: {  	[smem:$0x3FA4] =	sst s6  }
0xf: {  	[smem:$0x3FA5] =	sst s7  }
0x10: {  	[smem:$0x3FA6] =	sst s8  }
0x11: {  	[smem:$0x3FA7] =	sst s9;
	s0 =	simm.s32 @!p0 $0x0  }
0x12: {  	s1 =	sld [smem:$0x3F8D];
	s0 =	simm.s32 @p0 $0x1  }
0x13: {  	[smem:$0x3FA8] =	sst s0;
	s0 =	simm.s32 @!p1 $0x0  }
0x14: {  	s2 =	sld [smem:$0x3F8C];
	s0 =	simm.s32 @p1 $0x1  }
0x15: {  	[smem:$0x3FA9] =	sst s0;
	s0 =	simm.s32 @!p2 $0x0  }
0x16: {  	s3 =	sld [smem:$0x3FDB];
	s0 =	simm.s32 @p2 $0x1  }
0x17: {  	s4 =	simm.s32 $0x1BF5;
	[smem:$0x3FAB] =	sst s0  }
0x18: {  	s0 =	sld [smem:$0x3F8E];
	_ =	swait.ge [sflag:s4], $0x0  }
0x19: {  	s7 =	sld [smem:$0x3F8F]  }
0x1a: {  	s8 =	sadd.s32 $0xFFFFE003, lr  }
0x1b: {  	s9 =	sadd.s32 $0xFFFFFEF7, lr;
	s5 =	simm.s32 $0xFFFFFFFF;
	p2 =	slt.u32 s8, $0xFFFFF086  }
0x1c: {  	p1 =	slt.u32 s9, $0xF7A;
	s5 =	simm.s32 @!p2 $0x0  }
0x1d: {  	s5 =	simm.s32 @p1 $0x1;
	p0 =	seq.s32 s7, s2  }
0x1e: {  	s7 =	smul.u32 @!p0 $0xF7A, s2;
	p2 =	seq.s32 @!p0 s5, $0x0  }
0x1f: {  	s9 =	smul.u32 $0xF7A, s1;
	s8 =	simm.s32 @!p0 $0x1BF5;
	p2 =	por !p2, p0  }
0x20: {  	[sflag:s8] =	ssyncset.s32 @!p0 $0xFFFFF086;
	s6 =	sadd.s32 @!p0 s3, s7;
	s7 =	simm.s32 @!p0 $0x108  }
0x21: {  	s3 =	sadd.s32 s3, s9;
	s6 =	sadd.s32 @!p0 $0x88, s6;
	s7 =	simm.s32 @p2 $0x1082  }
0x22: {  	[simem:s7], [sflag:s8] =	dma.local @!p0 [hbm:s6], $0xF7A  }
0x23: {  	s9 =	sor.u32 $0xD0000000, s2;
	s6 =	simm.s32 $0x108;
	_ =	swait.ge @!p0 [sflag:s8], $0x0  }
0x24: {  	s3 =	sadd.s32 $0x88, s3;
	s6 =	simm.s32 @!p1 $0x1082;
	[sflag:s4] =	ssyncset.s32 $0xFFFFF086  }
0x25: {  	[simem:s6], [sflag:s4] =	dma.local [hbm:s3], $0xF7A  }
0x26: {  	[smem:$0x3F8F] =	sst s1;
	(tag) =	ssettag s2;
	_ =	strace s9  }
0x27: {  	s1 =	sld [smem:$0x3F9F]  }
0x28: {  	s2 =	sld [smem:$0x3FA0]  }
0x29: {  	s4 =	sld [smem:$0x3FA2]  }
0x2a: {  	p0 =	seq.s32 s5, $0x0;
	s5 =	sld [smem:$0x3FA3]  }
0x2b: {  	s6 =	sld [smem:$0x3FA4]  }
0x2c: {  	s7 =	sld [smem:$0x3FA5]  }
0x2d: {  	s3 =	simm.s32 $0x108;
	s8 =	sld [smem:$0x3FA6]  }
0x2e: {  	s3 =	simm.s32 @!p0 $0x1082;
	s9 =	sld [smem:$0x3FA7]  }
0x2f: {  	lr =	sadd.s32 s0, s3;
	s0 =	sld [smem:$0x3F9E]  }
0x30: {  	s3 =	sld [smem:$0x3FA1]  }
0x31: {  	[smem:$0x3FAA] =	sst s10  }
0x32: {  	s10 =	sld [smem:$0x3FA8];
	_ =	sdelay $0x3  }
0x33: {  	p0 =	seq.s32 s10, $0x1;
	s10 =	sld [smem:$0x3FAA];
	_ =	sdelay $0x3  }
0x34: {  	[smem:$0x3FAA] =	sst s10  }
0x35: {  	s10 =	sld [smem:$0x3FA9];
	_ =	sdelay $0x3  }
0x36: {  	p1 =	seq.s32 s10, $0x1;
	s10 =	sld [smem:$0x3FAA];
	_ =	sdelay $0x3  }
0x37: {  	[smem:$0x3FAA] =	sst s10  }
0x38: {  	s10 =	sld [smem:$0x3FAB]  }
0x39: {  	_ = 	snop;
	(pc) =	sbr.ind lr, $3  }
0x3a: {  	_ = 	snop  }
0x3b: {  	_ = 	snop  }
0x3c: {  	p2 =	seq.s32 s10, $0x1;
	s10 =	sld [smem:$0x3FAA]  }
0x3d: {  	_ =	shalt  }
0x3e: {  	_ =	shalt  }
0x3f: {  	_ =	shalt  }
0x40: {  	_ =	shalt  }
0x41: {  	_ =	shalt  }
0x42: {  	_ =	shalt  }
0x43: {  	_ =	shalt  }
0x44: {  	_ =	shalt  }
0x45: {  	_ =	shalt  }
0x46: {  	_ =	shalt  }
0x47: {  	_ =	shalt  }
0x48: {  	_ =	shalt  }
0x49: {  	_ =	shalt  }
0x4a: {  	_ =	shalt  }
0x4b: {  	_ =	shalt  }
0x4c: {  	_ =	shalt  }
0x4d: {  	_ =	shalt  }
0x4e: {  	_ =	shalt  }
0x4f: {  	_ =	shalt  }
0x50: {  	_ =	shalt  }
0x51: {  	_ =	shalt  }
0x52: {  	_ =	shalt  }
0x53: {  	_ =	shalt  }
0x54: {  	_ =	shalt  }
0x55: {  	_ =	shalt  }
0x56: {  	_ =	shalt  }
0x57: {  	_ =	shalt  }
0x58: {  	_ =	shalt  }
0x59: {  	_ =	shalt  }
0x5a: {  	_ =	shalt  }
0x5b: {  	_ =	shalt  }
0x5c: {  	_ =	shalt  }
0x5d: {  	_ =	shalt  }
0x5e: {  	_ =	shalt  }
0x5f: {  	_ =	shalt  }
0x60: {  	_ =	shalt  }
0x61: {  	_ =	shalt  }
0x62: {  	_ =	shalt  }
0x63: {  	_ =	shalt  }
0x64: {  	_ =	shalt  }
0x65: {  	_ =	shalt  }
0x66: {  	_ =	shalt  }
0x67: {  	_ =	shalt  }
0x68: {  	_ =	shalt  }
0x69: {  	_ =	shalt  }
0x6a: {  	_ =	shalt  }
0x6b: {  	_ =	shalt  }
0x6c: {  	_ =	shalt  }
0x6d: {  	_ =	shalt  }
0x6e: {  	_ =	shalt  }
0x6f: {  	_ =	shalt  }
0x70: {  	_ =	shalt  }
0x71: {  	_ =	shalt  }
0x72: {  	_ =	shalt  }
0x73: {  	_ =	shalt  }
0x74: {  	_ =	shalt  }
0x75: {  	_ =	shalt  }
0x76: {  	_ =	shalt  }
0x77: {  	_ =	shalt  }
0x78: {  	_ =	shalt  }
0x79: {  	_ =	shalt  }
0x7a: {  	_ =	shalt  }
0x7b: {  	_ =	shalt  }
0x7c: {  	_ =	shalt  }
0x7d: {  	_ =	shalt  }
0x7e: {  	_ =	shalt  }
0x7f: {  	_ =	shalt  }
0x80: {  	_ =	shalt  }
0x81: {  	_ =	shalt  }
0x82: {  	_ =	shalt  }
0x83: {  	_ =	shalt  }
0x84: {  	_ =	shalt  }
0x85: {  	_ =	shalt  }
0x86: {  	_ =	shalt  }
0x87: {  	_ =	shalt  }
.Lfunc_end0:
.L_simem_size_0:
called_computation_lowered:
.L_overlay_start_0:
0x88: {  	s2 =	sld [smem:$0x3FD9]  }
0x89: {  	s3 =	sld [smem:$0x3FFE];
	_ =	sdelay $0x1  }
0x8a: {  	s1 =	srdreg.scid  }
0x8b: {  	s0 =	sand.u32 $0x1, s1  }
0x8c: {  	s17 =	sshll.u32 s0, $0xA;
	s2 =	sadd.s32 s3, s2  }
0x8d: {  	s2 =	sadd.s32 s2, s17  }
0x8e: {  	[smem:$0x3FB6] =	sst s2  }
0x8f: {  	_ = 	snop  }
0x90: {  	s2 =	sld [smem:$0x3FD0];
	(tm) =	ssettm $0x1  }
0x91: {  	s18 =	sld [smem:$0x3FFB];
	_ =	sdelay $0x3  }
0x92: {  	_ =	strace s18  }
0x93: {  	s3 =	sld [smem:$0x3FFC];
	_ =	sdelay $0x3  }
0x94: {  	_ =	strace s3  }
0x95: {  	s3 =	sld [smem:$0x3FFD];
	_ =	sdelay $0x3  }
0x96: {  	_ =	strace s3  }
0x97: {  	_ =	strace $0x8FFFFFFF  }
0x98: {  	s19 =	sld [smem:$0x3FDB];
	_ =	sdelay $0x1  }
0x99: {  	s4 =	simm.s32 $_scs_section_size  }
0x9a: {  	s5 =	simm.s32 $_size__tile_overlayer_lowered;
	s6 =	simm.s32 $_tile_overlayer_lowered  }
0x9b: {  	s22 =	simm.s32 $0x1BFF;
	s21 =	sshll.u32 s6, $0x1;
	s3 =	sadd.s32 s4, s19  }
0x9c: {  	s7 =	simm.s32 $0x0;
	s20 =	sshll.u32 s5, $0x1;
	s5 =	sadd.s32 s21, s3  }
0x9d: {  	[timem:s7], [sflag:s22] =	dma.local [hbm:s5], s20  }
0x9e: {  	_ =	swait.ge [sflag:s22], s20  }
0x9f: {  	s4 =	ssub.s32 $0x0, s20;
	[sflag:s22] =	ssyncset.done $0x0  }
0xa0: {  	[sflag:s22] =	ssyncadd.s32 s4;
	_ =	sdelay $0x1  }
0xa1: {  	s23 =	simm.s32 $0x1B8B  }
0xa2: {  	_ =	swait.ge [sflag:s23], $0x1  }
0xa3: {  	[sflag:s23] =	ssyncset.done $0x0  }
0xa4: {  	s25 =	simm.s32 $0x1B8E;
	s24 =	sld [smem:$0x3FFE];
	[sflag:s23] =	ssyncadd.s32 $0xFFFFFFFF  }
0xa5: {  	s26 =	simm.s32 $execute0_lowered;
	[smem:$0x3FD2] =	sst s25  }
0xa6: {  	s5 =	sshll.u32 s26, $0x1;
	_ =	strace $0x80000046;
	[dreg:$0x1] =	wrdreg $0xFFFFFFFF  }
0xa7: {  	s28 =	simm.s32 $_size_execute0_lowered;
	s3 =	sadd.s32 s3, s5;
	[dreg:$0x0] =	wrdreg $0x0  }
0xa8: {  	s5 =	sshll.u32 s28, $0x1;
	[dreg:$0x2] =	wrdreg s3  }
0xa9: {  	[dreg:$0x3] =	wrdreg s5  }
0xaa: {  	[dreg:$0x4] =	wrdreg $0xC0  }
0xab: {  	_ =	task [dreg:s7], $0x5FFFF  }
0xac: {  	[dreg:$0x1] =	wrdreg $0xFFFFFFFF  }
0xad: {  	[dreg:$0x0] =	wrdreg $0x60  }
0xae: {  	[dreg:$0x2] =	wrdreg s2  }
0xaf: {  	[dreg:$0x3] =	wrdreg s24  }
0xb0: {  	[dreg:$0x4] =	wrdreg $0x81000  }
0xb1: {  	[dreg:$0x5] =	wrdreg $0x9  }
0xb2: {  	_ =	task.clear_ibuf [dreg:s7], $0x6FFFF;
	_ =	strace $0x90000046  }
0xb3: {  	s29 =	simm.s32 $0x9;
	_ =	strace $0x80000048  }
0xb4: {  	_ =	swait.ge [sflag:s29], $0x1  }
0xb5: {  	[sflag:s29] =	ssyncadd.s32 $0xFFFFFFFF  }
0xb6: {  	_ =	strace $0x90000048  }
0xb7: {  	_ =	sfence  }
0xb8: {  	s30 =	sld [smem:$0x0];
	_ =	sdelay $0x2  }
0xb9: {  	s31 =	sshll.u32 s1, $0xD;
	s1 =	sshrl.u32 s1, $0x2  }
0xba: {  	s3 =	sand.u32 $0x4000, s31;
	s1 =	sadd.s32 s1, s30  }
0xbb: {  	s0 =	sor.u32 s3, s0;
	s1 =	sshll.u32 s1, $0x11  }
0xbc: {  	s0 =	sor.u32 s1, s0  }
0xbd: {  	s0 =	sadd.s32 $0x8F2B, s0  }
0xbe: {  	[sflag:s0] =	ssyncadd.remote.s32 $0x1  }
0xbf: {  	_ =	sfence.sel $0xFFFF  }
0xc0: {  	[dreg:$0x0] =	wrdreg $0xFFFFFFFF;
	(pc) =	sbr.abs _section_cstart, $3  }
0xc1: {  	[dreg:$0x1] =	wrdreg $0xFFFFFFFF  }
0xc2: {  	_ =	task.clear_ibuf [dreg:s7], $0x2FFFF;
	_ =	strace $0x9FFFFFFF  }
0xc3: {  	(tm) =	ssettm $0x7FFFFFFF  }
tec
execute0_lowered:
.L_overlay_start_1:
0x0: {  	(tag) =	ssettag $0x1  }
0x1: {  	s1 =	rddreg [dreg:$0x0]  }
0x2: {  	s0 =	rddreg [dreg:$0x1]  }
0x3: {  	s4 =	srdreg.scid;
	s28 =	stileid.u32  }
0x4: {  	s2 =	rddreg [dreg:$0x2];
	s5 =	sand.u32 $0x1, s4;
	s9 =	smul.u32 $0x2800, s28  }
0x5: {  	s3 =	simm.s32 $0x0;
	s8 =	sor.u32 $0x10, s28;
	s4 =	smul.u32 $0x138800, s5  }
0x6: {  	s29 =	simm.s32 $0x100;
	s10 =	sor.u32 $0x20, s28;
	s11 =	smul.u32 $0x2800, s8  }
0x7: {  	s30 =	simm.s32 $0x2;
	s19 =	sor.u32 $0x30, s28;
	s13 =	smul.u32 $0x2800, s10  }
0x8: {  	s31 =	simm.s32 $0x3;
	s21 =	sor.u32 $0x40, s28;
	s15 =	smul.u32 $0x2800, s19  }
0x9: {  	[smem:$0x7FF] =	sst s3;
	s22 =	sor.u32 $0x50, s28;
	s26 =	smul.u32 $0x2800, s21  }
0xa: {  	s6 =	sadd.s32 $0x500C00, s0;
	s23 =	sor.u32 $0x60, s28;
	s16 =	smul.u32 $0x2800, s22  }
0xb: {  	s7 =	sadd.s32 $0x4F6200, s0;
	s24 =	sor.u32 $0x70, s28;
	s17 =	smul.u32 $0x2800, s23  }
0xc: {  	_ =	strace $0x80000047;
	s12 =	ssub.s32 $0x2, s5;
	s18 =	smul.u32 $0x2800, s24  }
0xd: {  	s8 =	smul.u32 $0xA000, s8;
	p0 =	sgt.u32 s24, $0x7C;
	s14 =	sshrl.u32 s12, $0x1  }
0xe: {  	s12 =	ssub.s32 s12, s14;
	s9 =	sadd.s32 s4, s9;
	s11 =	sadd.s32 s4, s11  }
0xf: {  	s13 =	sadd.s32 s4, s13;
	s15 =	sadd.s32 s4, s15;
	s14 =	sadd.s32 s4, s26  }
0x10: {  	s16 =	sadd.s32 s4, s16;
	s17 =	sadd.s32 s4, s17;
	s4 =	sadd.s32 s4, s18  }
0x11: {  	s18 =	sadd.s32 $0x9E3400, s0;
	s8 =	sshrl.u32 s8, $0x2;
	s9 =	sshrl.u32 s9, $0x3  }
0x12: {  	s20 =	sshrl.u32 s11, $0x3;
	s25 =	sshrl.u32 s13, $0x3;
	s26 =	sshrl.u32 s15, $0x3  }
0x13: {  	s14 =	sshrl.u32 s14, $0x3;
	s15 =	sshrl.u32 s16, $0x3;
	s16 =	sshrl.u32 s17, $0x3  }
0x14: {  	s4 =	sshrl.u32 s4, $0x3;
	s9 =	sadd.s32 s18, s9;
	s13 =	sadd.s32 s18, s26  }
0x15: {  	s17 =	sadd.s32 s18, s16;
	s26 =	smul.u32 $0xA000, s19;
	[dreg:$0x4] =	wrdreg s9  }
0x16: {  	s9 =	sadd.s32 s18, s20;
	[dreg:$0x7] =	wrdreg s13;
	s20 =	smul.u32 $0xA000, s28  }
0x17: {  	s16 =	sadd.s32 $0x4EC400, s0;
	[dreg:$0xa] =	wrdreg s17;
	s13 =	smul.u32 $0xA000, s23  }
0x18: {  	[dreg:$0x5] =	wrdreg s9;
	s9 =	sadd.s32 s18, s25;
	s25 =	smul.u32 $0xA000, s10  }
0x19: {  	s17 =	sadd.s32 $0x9E2C00, s0;
	s28 =	sshll.u32 s28, $0x1;
	s10 =	smul.u32 $0xA000, s21  }
0x1a: {  	s11 =	sshrl.u32 s26, $0x2;
	[dreg:$0x6] =	wrdreg s9;
	s9 =	sadd.s32 s18, s14  }
0x1b: {  	s14 =	smul.u32 $0xA000, s24;
	[dreg:$0x8] =	wrdreg s9;
	s9 =	sadd.s32 s18, s15  }
0x1c: {  	s15 =	sadd.s32 s18, s4;
	s18 =	smax.u32 s12, $0x1;
	s4 =	sshrl.u32 s20, $0x2  }
0x1d: {  	s20 =	sadd.s32 s8, s2;
	s0 =	sshrl.u32 s25, $0x2;
	s12 =	smul.u32 $0xA000, s22  }
0x1e: {  	s22 =	sadd.s32 s11, s2;
	s8 =	simm.s32 $0x4100;
	[dreg:$0x9] =	wrdreg s9  }
.Ltmp0:
0x1f: {  	s19 =	sadd.s32 s4, s2;
	s21 =	sadd.s32 s0, s2;
	(pc) =	sbr.rel .LBB2_1-.Ltmp0, $4  }
0x20: {  	s4 =	sshrl.u32 s10, $0x2;
	s0 =	sshrl.u32 s13, $0x2;
	s26 =	sshrl.u32 s14, $0x2  }
0x21: {  	s9 =	simm.s32 $0x0;
	s14 =	simm.s32 $0x0;
	s23 =	sadd.s32 s4, s2  }
0x22: {  	s25 =	sshrl.u32 s12, $0x2;
	s26 =	sadd.s32 s26, s2;
	s4 =	simm.s32 $0x1  }
0x23: {  	s24 =	sadd.s32 s25, s2;
	s25 =	sadd.s32 s0, s2;
	s0 =	simm.s32 $0x80  }
.LBB2_7:
0x24: {  	[bflag:$0x0] =	sbarrier.arrive $0xFFFF  }
0x25: {  	[tilespmem:s29], [sflag:$0x3] =	stream.linear.gather [spmem:s19], $0x2800, $0x38;
	[tilespmem:$0x1B980] =	vst v63  }
0x26: {  	_ =	swait.ge [sflag:s31], $0x2800  }
0x27: {  	[sflag:s31] =	ssyncset.done $0x0  }
0x28: {  	s10 =	rddreg [dreg:$0x4];
	[sflag:s31] =	ssyncadd.s32 $0xFFFFD800  }
0x29: {  	[hbm4b:s10+s3] =	stream.linear.scatter [tilespmem:s29], [sflag:$0x2], $0x2800, $0x38;
	[tilespmem:$0x1B980] =	vst v63  }
0x2a: {  	_ =	swait.ge [sflag:s30], $0x2800  }
0x2b: {  	[sflag:s30] =	ssyncset.done $0x0  }
0x2c: {  	[sflag:s30] =	ssyncadd.s32 $0xFFFFD800  }
0x2d: {  	[tilespmem:s29], [sflag:$0x3] =	stream.linear.gather [spmem:s20], $0x2800, $0x38;
	[tilespmem:$0x1B980] =	vst v63  }
0x2e: {  	_ =	swait.ge [sflag:s31], $0x2800  }
0x2f: {  	[sflag:s31] =	ssyncset.done $0x0  }
0x30: {  	s11 =	rddreg [dreg:$0x5];
	[sflag:s31] =	ssyncadd.s32 $0xFFFFD800  }
0x31: {  	[hbm4b:s11+s3] =	stream.linear.scatter [tilespmem:s29], [sflag:$0x2], $0x2800, $0x38;
	[tilespmem:$0x1B980] =	vst v63  }
0x32: {  	_ =	swait.ge [sflag:s30], $0x2800  }
0x33: {  	[sflag:s30] =	ssyncset.done $0x0  }
0x34: {  	[sflag:s30] =	ssyncadd.s32 $0xFFFFD800  }
0x35: {  	[tilespmem:s29], [sflag:$0x3] =	stream.linear.gather [spmem:s21], $0x2800, $0x38;
	[tilespmem:$0x1B980] =	vst v63  }
0x36: {  	_ =	swait.ge [sflag:s31], $0x2800  }
0x37: {  	[sflag:s31] =	ssyncset.done $0x0  }
0x38: {  	s12 =	rddreg [dreg:$0x6];
	[sflag:s31] =	ssyncadd.s32 $0xFFFFD800  }
0x39: {  	[hbm4b:s12+s3] =	stream.linear.scatter [tilespmem:s29], [sflag:$0x2], $0x2800, $0x38;
	[tilespmem:$0x1B980] =	vst v63  }
0x3a: {  	_ =	swait.ge [sflag:s30], $0x2800  }
0x3b: {  	[sflag:s30] =	ssyncset.done $0x0  }
0x3c: {  	[sflag:s30] =	ssyncadd.s32 $0xFFFFD800  }
0x3d: {  	[tilespmem:s29], [sflag:$0x3] =	stream.linear.gather [spmem:s22], $0x2800, $0x38;
	[tilespmem:$0x1B980] =	vst v63  }
0x3e: {  	_ =	swait.ge [sflag:s31], $0x2800  }
0x3f: {  	[sflag:s31] =	ssyncset.done $0x0  }
0x40: {  	s13 =	rddreg [dreg:$0x7];
	[sflag:s31] =	ssyncadd.s32 $0xFFFFD800  }
0x41: {  	[hbm4b:s13+s3] =	stream.linear.scatter [tilespmem:s29], [sflag:$0x2], $0x2800, $0x38;
	[tilespmem:$0x1B980] =	vst v63  }
0x42: {  	_ =	swait.ge [sflag:s30], $0x2800  }
0x43: {  	[sflag:s30] =	ssyncset.done $0x0  }
0x44: {  	[sflag:s30] =	ssyncadd.s32 $0xFFFFD800  }
0x45: {  	[tilespmem:s29], [sflag:$0x3] =	stream.linear.gather [spmem:s23], $0x2800, $0x38;
	[tilespmem:$0x1B980] =	vst v63  }
0x46: {  	_ =	swait.ge [sflag:s31], $0x2800  }
0x47: {  	[sflag:s31] =	ssyncset.done $0x0  }
0x48: {  	s11 =	rddreg [dreg:$0x8];
	[sflag:s31] =	ssyncadd.s32 $0xFFFFD800  }
0x49: {  	[hbm4b:s11+s3] =	stream.linear.scatter [tilespmem:s29], [sflag:$0x2], $0x2800, $0x38;
	[tilespmem:$0x1B980] =	vst v63  }
0x4a: {  	_ =	swait.ge [sflag:s30], $0x2800  }
0x4b: {  	[sflag:s30] =	ssyncset.done $0x0  }
0x4c: {  	[sflag:s30] =	ssyncadd.s32 $0xFFFFD800  }
0x4d: {  	[tilespmem:s29], [sflag:$0x3] =	stream.linear.gather [spmem:s24], $0x2800, $0x38;
	[tilespmem:$0x1B980] =	vst v63  }
0x4e: {  	_ =	swait.ge [sflag:s31], $0x2800  }
0x4f: {  	[sflag:s31] =	ssyncset.done $0x0  }
0x50: {  	s12 =	rddreg [dreg:$0x9];
	[sflag:s31] =	ssyncadd.s32 $0xFFFFD800  }
0x51: {  	[hbm4b:s12+s3] =	stream.linear.scatter [tilespmem:s29], [sflag:$0x2], $0x2800, $0x38;
	[tilespmem:$0x1B980] =	vst v63  }
0x52: {  	_ =	swait.ge [sflag:s30], $0x2800  }
0x53: {  	[sflag:s30] =	ssyncset.done $0x0  }
0x54: {  	[sflag:s30] =	ssyncadd.s32 $0xFFFFD800  }
0x55: {  	[tilespmem:s29], [sflag:$0x3] =	stream.linear.gather [spmem:s25], $0x2800, $0x38;
	[tilespmem:$0x1B980] =	vst v63  }
0x56: {  	_ =	swait.ge [sflag:s31], $0x2800  }
0x57: {  	[sflag:s31] =	ssyncset.done $0x0  }
0x58: {  	s13 =	rddreg [dreg:$0xa];
	[sflag:s31] =	ssyncadd.s32 $0xFFFFD800  }
0x59: {  	[hbm4b:s13+s3] =	stream.linear.scatter [tilespmem:s29], [sflag:$0x2], $0x2800, $0x38;
	[tilespmem:$0x1B980] =	vst v63  }
0x5a: {  	_ =	swait.ge [sflag:s30], $0x2800  }
0x5b: {  	[sflag:s30] =	ssyncset.done $0x0  }
0x5c: {  	s10 =	simm.s32 @!p0 $0x100;
	s11 =	simm.s32 @!p0 $0x3;
	[sflag:s30] =	ssyncadd.s32 $0xFFFFD800  }
0x5d: {  	[tilespmem:s10], [sflag:$0x3] =	stream.linear.gather @!p0 [spmem:s26], $0x2800, $0x38;
	[tilespmem:$0x1B980] =	vst v63  }
0x5e: {  	_ =	swait.ge @!p0 [sflag:s11], $0x2800  }
0x5f: {  	s9 =	sadd.s32 $0x1, s9;
	[sflag:s11] =	ssyncset.done @!p0 $0x0  }
0x60: {  	p1 =	sne.s32 s9, s18;
	[sflag:s11] =	ssyncadd.s32 @!p0 $0xFFFFD800;
	s11 =	simm.s32 @!p0 $0x0  }
0x61: {  	[hbm4b:s15+s11] =	stream.linear.scatter @!p0 [tilespmem:s10], [sflag:$0x2], $0x2800, $0x38;
	[tilespmem:$0x1B980] =	vst v63  }
.Ltmp1:
0x62: {  	_ = 	snop;
	(pc) =	sbr.rel @!p1 .LBB2_8-.Ltmp1, $4  }
0x63: {  	s10 =	simm.s32 @!p0 $0x2  }
0x64: {  	_ =	swait.ge @!p0 [sflag:s10], $0x2800  }
0x65: {  	[sflag:s10] =	ssyncset.done @!p0 $0x0  }
0x66: {  	[sflag:s10] =	ssyncadd.s32 @!p0 $0xFFFFD800  }
.LBB2_1:
0x67: {  	[tilespmem:s29], [sflag:$0x2] =	stream.linear.gather [hbm4b:s17+s3], $0x4000, $0x38;
	[tilespmem:$0x1B980] =	vst v63  }
0x68: {  	_ =	swait.ge [sflag:s30], $0x4000  }
0x69: {  	[sflag:s30] =	ssyncset.done $0x0  }
0x6a: {  	[sflag:s30] =	ssyncadd.s32 $0xFFFFC000  }
0x6b: {  	[spmem:s19] =	stream.linear.scatter [tilespmem:s29], [sflag:$0x2], $0x2800, $0x38;
	[tilespmem:$0x1B980] =	vst v63  }
0x6c: {  	_ =	swait.ge [sflag:s30], $0x2800  }
0x6d: {  	[sflag:s30] =	ssyncset.done $0x0  }
0x6e: {  	[sflag:s30] =	ssyncadd.s32 $0xFFFFD800  }
0x6f: {  	[spmem:s20] =	stream.linear.scatter [tilespmem:s29], [sflag:$0x2], $0x2800, $0x38;
	[tilespmem:$0x1B980] =	vst v63  }
0x70: {  	_ =	swait.ge [sflag:s30], $0x2800  }
0x71: {  	[sflag:s30] =	ssyncset.done $0x0  }
0x72: {  	[sflag:s30] =	ssyncadd.s32 $0xFFFFD800  }
0x73: {  	[spmem:s21] =	stream.linear.scatter [tilespmem:s29], [sflag:$0x2], $0x2800, $0x38;
	[tilespmem:$0x1B980] =	vst v63  }
0x74: {  	_ =	swait.ge [sflag:s30], $0x2800  }
0x75: {  	[sflag:s30] =	ssyncset.done $0x0  }
0x76: {  	[sflag:s30] =	ssyncadd.s32 $0xFFFFD800  }
0x77: {  	[spmem:s22] =	stream.linear.scatter [tilespmem:s29], [sflag:$0x2], $0x2800, $0x38;
	[tilespmem:$0x1B980] =	vst v63  }
0x78: {  	_ =	swait.ge [sflag:s30], $0x2800  }
0x79: {  	[sflag:s30] =	ssyncset.done $0x0  }
0x7a: {  	[sflag:s30] =	ssyncadd.s32 $0xFFFFD800  }
0x7b: {  	[spmem:s23] =	stream.linear.scatter [tilespmem:s29], [sflag:$0x2], $0x2800, $0x38;
	[tilespmem:$0x1B980] =	vst v63  }
0x7c: {  	_ =	swait.ge [sflag:s30], $0x2800  }
0x7d: {  	[sflag:s30] =	ssyncset.done $0x0  }
0x7e: {  	[sflag:s30] =	ssyncadd.s32 $0xFFFFD800  }
0x7f: {  	[spmem:s24] =	stream.linear.scatter [tilespmem:s29], [sflag:$0x2], $0x2800, $0x38;
	[tilespmem:$0x1B980] =	vst v63  }
0x80: {  	_ =	swait.ge [sflag:s30], $0x2800  }
0x81: {  	[sflag:s30] =	ssyncset.done $0x0  }
0x82: {  	[sflag:s30] =	ssyncadd.s32 $0xFFFFD800  }
0x83: {  	[spmem:s25] =	stream.linear.scatter [tilespmem:s29], [sflag:$0x2], $0x2800, $0x38;
	[tilespmem:$0x1B980] =	vst v63  }
0x84: {  	_ =	swait.ge [sflag:s30], $0x2800  }
0x85: {  	[sflag:s30] =	ssyncset.done $0x0  }
0x86: {  	s10 =	simm.s32 @!p0 $0x100;
	[sflag:s30] =	ssyncadd.s32 $0xFFFFD800  }
0x87: {  	[spmem:s26] =	stream.linear.scatter @!p0 [tilespmem:s10], [sflag:$0x2], $0x2800, $0x38;
	[tilespmem:$0x1B980] =	vst v63  }
0x88: {  	s10 =	simm.s32 @!p0 $0x2  }
.Ltmp2:
0x89: {  	_ =	swait.ge @!p0 [sflag:s10], $0x2800;
	(pc) =	sbr.rel .LBB2_2-.Ltmp2, $4  }
0x8a: {  	[sflag:s10] =	ssyncset.done @!p0 $0x0  }
0x8b: {  	[sflag:s10] =	ssyncadd.s32 @!p0 $0xFFFFD800  }
0x8c: {  	[bflag:$0x0] =	sbarrier.arrive $0xFFFF  }
0x8d: {  	s10 =	simm.s32 $0x0  }
.LBB2_6:
0x8e: {  	s10 =	sadd.s32 $0x1, s10  }
0x8f: {  	p1 =	sne.s32 s10, $0x4F  }
.Ltmp3:
0x90: {  	_ = 	snop;
	(pc) =	sbr.rel @!p1 .LBB2_7-.Ltmp3, $1  }
0x91: {  	_ =	sdelay $0x3  }
.LBB2_2:
0x92: {  	s11 =	sshll.u32 s10, $0x5  }
0x93: {  	s11 =	sor.u32 s28, s11  }
0x94: {  	p1 =	sgt.u32 s11, $0x9C3  }
.Ltmp4:
0x95: {  	_ = 	snop;
	(pc) =	sbr.rel @p1 .LBB2_6-.Ltmp4, $1  }
0x96: {  	_ =	sdelay $0x3  }
0x97: {  	s11 =	sor.u32 s5, s11  }
0x98: {  	s12 =	sshll.u32 s11, $0x4  }
0x99: {  	s13 =	sadd.s32 s7, s12  }
0x9a: {  	[tilespmem:s14], [sflag:$0x3] =	stream.linear.gather [hbm4b:s13+s14], $0x80, $0x38;
	[tilespmem:$0x1B980] =	vst v63  }
0x9b: {  	_ =	swait.ge [sflag:s31], $0x80  }
0x9c: {  	[sflag:s31] =	ssyncset.done $0x0  }
0x9d: {  	s12 =	sadd.s32 s16, s12;
	[sflag:s31] =	ssyncadd.s32 $0xFFFFFF80  }
0x9e: {  	[tilespmem:s0], [sflag:$0x3] =	stream.linear.gather [hbm4b:s12+s14], $0x80, $0x38;
	[tilespmem:$0x1B980] =	vst v63  }
0x9f: {  	_ =	swait.ge [sflag:s31], $0x80  }
0xa0: {  	[sflag:s31] =	ssyncset.done $0x0  }
0xa1: {  	[sflag:s31] =	ssyncadd.s32 $0xFFFFFF80  }
0xa2: {  	[tilespmem:s29], [sflag:$0x1] =	stream.indirect.gather [hbm4b:s1+s0], $0x80, s14, s0, $0xb8;
	[tilespmem:$0x1B980] =	vst v63  }
0xa3: {  	_ =	swait.ge [sflag:s4], $0x4000  }
0xa4: {  	s11 =	sshll.u32 s11, $0xB;
	[sflag:s4] =	ssyncset.done $0x0  }
0xa5: {  	s11 =	sadd.s32 s6, s11;
	[sflag:s4] =	ssyncadd.s32 $0xFFFFC000  }
0xa6: {  	[tilespmem:s8], [sflag:$0x3] =	stream.linear.gather [hbm4b:s11+s14], $0x4000, $0x38;
	[tilespmem:$0x1B980] =	vst v63  }
0xa7: {  	_ =	swait.ge [sflag:s31], $0x4000  }
0xa8: {  	[sflag:s31] =	ssyncset.done $0x0  }
0xa9: {  	s11 =	simm.s32 $0x0;
	[sflag:s31] =	ssyncadd.s32 $0xFFFFC000  }
0xaa: {  	v7 =	vld [tilespmem:s11+$0x4100]  }
0xab: {  	v11 =	vld [tilespmem:s11+$0x4110]  }
0xac: {  	v5 =	vld [tilespmem:s11+$0x4120]  }
0xad: {  	v4 =	vld [tilespmem:s11+$0x4130]  }
0xae: {  	v3 =	vld [tilespmem:s11+$0x4140]  }
0xaf: {  	v2 =	vld [tilespmem:s11+$0x4150]  }
0xb0: {  	v1 =	vld [tilespmem:s11+$0x4160]  }
0xb1: {  	v0 =	vld [tilespmem:s11+$0x4170]  }
0xb2: {  	v12 =	vld [tilespmem:s11+$0x100]  }
0xb3: {  	v13 =	vld [tilespmem:s11+$0x110]  }
0xb4: {  	v10 =	vld [tilespmem:s11+$0x120]  }
0xb5: {  	v9 =	vld [tilespmem:s11+$0x130]  }
0xb6: {  	v8 =	vld [tilespmem:s11+$0x140]  }
0xb7: {  	v6 =	vld [tilespmem:s11+$0x150];
	v12 =	vadd.f32 v7, v12  }
0xb8: {  	s12 =	simm.s32 $0x200;
	v11 =	vadd.f32 v11, v13;
	v7 =	vld [tilespmem:s11+$0x160]  }
.LBB2_4:
0xb9: {  	s13 =	sshra.s32 s12, $0x2;
	p1 =	sne.s32 s12, $0xFE00;
	[tilespmem:s11+$0x100] =	vst v12;
	v5 =	vadd.f32 v5, v10;
	v10 =	vld [tilespmem:s11+$0x170]  }
0xba: {  	v12 =	vld [tilespmem:s13+$0x4100];
	[tilespmem:s11+$0x110] =	vst v11;
	v4 =	vadd.f32 v4, v9  }
0xbb: {  	v11 =	vld [tilespmem:s13+$0x4110];
	[tilespmem:s11+$0x120] =	vst v5;
	v3 =	vadd.f32 v3, v8  }
0xbc: {  	v5 =	vld [tilespmem:s13+$0x4120];
	[tilespmem:s11+$0x130] =	vst v4;
	v2 =	vadd.f32 v2, v6  }
0xbd: {  	v4 =	vld [tilespmem:s13+$0x4130];
	[tilespmem:s11+$0x140] =	vst v3;
	v1 =	vadd.f32 v1, v7  }
0xbe: {  	v3 =	vld [tilespmem:s13+$0x4140];
	[tilespmem:s11+$0x150] =	vst v2;
	v0 =	vadd.f32 v0, v10  }
0xbf: {  	v2 =	vld [tilespmem:s13+$0x4150];
	[tilespmem:s11+$0x160] =	vst v1  }
0xc0: {  	v1 =	vld [tilespmem:s13+$0x4160];
	[tilespmem:s11+$0x170] =	vst v0;
	s11 =	smov.u32 s13  }
0xc1: {  	v0 =	vld [tilespmem:s11+$0x4170]  }
0xc2: {  	v6 =	vld [tilespmem:s11+$0x100]  }
0xc3: {  	v7 =	vld [tilespmem:s11+$0x110]  }
.Ltmp5:
0xc4: {  	v10 =	vld [tilespmem:s11+$0x120];
	(pc) =	sbr.rel @p1 .LBB2_4-.Ltmp5, $4  }
0xc5: {  	v9 =	vld [tilespmem:s11+$0x130]  }
0xc6: {  	v8 =	vld [tilespmem:s11+$0x140]  }
0xc7: {  	v12 =	vadd.f32 v12, v6;
	v6 =	vld [tilespmem:s11+$0x150]  }
0xc8: {  	s12 =	sadd.s32 $0x200, s12;
	v11 =	vadd.f32 v11, v7;
	v7 =	vld [tilespmem:s11+$0x160]  }
0xc9: {  	[tilespmem:s11+$0x100] =	vst v12;
	v5 =	vadd.f32 v5, v10;
	v63 =	vld [tilespmem:s11+$0x170]  }
0xca: {  	[tilespmem:s11+$0x110] =	vst v11;
	v4 =	vadd.f32 v4, v9  }
0xcb: {  	[tilespmem:s11+$0x120] =	vst v5;
	v3 =	vadd.f32 v3, v8  }
0xcc: {  	[tilespmem:s11+$0x130] =	vst v4;
	v2 =	vadd.f32 v2, v6  }
0xcd: {  	[tilespmem:s11+$0x140] =	vst v3;
	v1 =	vadd.f32 v1, v7  }
0xce: {  	[tilespmem:s11+$0x150] =	vst v2;
	v0 =	vadd.f32 v0, v63  }
0xcf: {  	[tilespmem:s11+$0x160] =	vst v1  }
.Ltmp6:
0xd0: {  	[tilespmem:s11+$0x170] =	vst v0;
	(pc) =	sbr.rel .LBB2_6-.Ltmp6, $4  }
0xd1: {  	[spmem:s2] =	stream.indirect.scatter.add.f32 [tilespmem:s29], [sflag:$0x2], $0x80, s0, s0, $0xb8;
	[tilespmem:$0x1B980] =	vst v63  }
0xd2: {  	_ =	swait.ge [sflag:s30], $0x4000  }
0xd3: {  	[sflag:s30] =	ssyncset.done $0x0  }
0xd4: {  	[sflag:s30] =	ssyncadd.s32 $0xFFFFC000  }
.LBB2_8:
0xd5: {  	_ =	sfence.sel $0x180000  }
0xd6: {  	[bflag:$0x0] =	sbarrier.arrive $0xFFFF  }
0xd7: {  	_ =	strace $0x90000047  }
0xd8: {  	s0 =	stileid.u32;
	[bflag:$0x2] =	sbarrier.arrive $0xFFFF  }
0xd9: {  	p0 =	sne.s32 s0, $0x0;
	s0 =	rddreg [dreg:$0x3]  }
0xda: {  	s0 =	sadd.s32 @!p0 $0x100000, s0  }
0xdb: {  	[sflag:s0] =	ssyncadd.tile.s32 @!p0 $0x1;
	_ =	shalt  }
.Lfunc_end2:
_tile_overlayer_lowered:
.L_overlay_start_2:
0xdc: {  	(tag) =	ssettag $0x2  }
0xdd: {  	s0 =	rddreg [dreg:$0x0];
	s2 =	stileid.u32  }
0xde: {  	s1 =	rddreg [dreg:$0x1];
	p0 =	sne.s32 s2, $0x0  }
0xdf: {  	s3 =	rddreg [dreg:$0x2];
	[bflag:$0x3] =	sbarrier.arrive $0xFFFF;
	s2 =	simm.s32 @!p0 $0x1C02  }
0xe0: {  	[timem:s3], [sflag:s2] =	dma.local @!p0 [hbm:s0], s1  }
0xe1: {  	s0 =	simm.s32 @!p0 $0x2  }
0xe2: {  	_ =	swait.ge @!p0 [sflag:s0], s1  }
0xe3: {  	s1 =	ssub.s32 @!p0 $0x0, s1;
	[sflag:s0] =	ssyncset.done @!p0 $0x0  }
0xe4: {  	[sflag:s0] =	ssyncadd.s32 @!p0 s1  }
0xe5: {  	[bflag:$0x3] =	sbarrier.arrive $0xFFFF  }
0xe6: {  	_ =	shalt  }

// kernel: kernel.18.cloned.1.call-start
scs
__scs_entry_jumppad:
0x0: {  	(pc) =	sbr.rel $0x88, $3  }
0x1: {  	(tag) =	ssettag $0x0;
	lr =	simm.s32 $0x1  }
0x2: {  	[smem:$0x3F8F] =	sst lr;
	_ =	strace $0xD0000000  }
0x3: {  	_ = 	snop  }
0x4: {  	_ = 	snop  }
0x5: {  	_ = 	snop  }
0x6: {  	_ = 	snop  }
0x7: {  	_ = 	snop  }
__scs_overlays_trampoline_lowered:
0x8: {  	[smem:$0x3F9E] =	sst s0  }
0x9: {  	[smem:$0x3F9F] =	sst s1  }
0xa: {  	[smem:$0x3FA0] =	sst s2  }
0xb: {  	[smem:$0x3FA1] =	sst s3  }
0xc: {  	[smem:$0x3FA2] =	sst s4  }
0xd: {  	[smem:$0x3FA3] =	sst s5  }
0xe: {  	[smem:$0x3FA4] =	sst s6  }
0xf: {  	[smem:$0x3FA5] =	sst s7  }
0x10: {  	[smem:$0x3FA6] =	sst s8  }
0x11: {  	[smem:$0x3FA7] =	sst s9;
	s0 =	simm.s32 @!p0 $0x0  }
0x12: {  	s1 =	sld [smem:$0x3F8D];
	s0 =	simm.s32 @p0 $0x1  }
0x13: {  	[smem:$0x3FA8] =	sst s0;
	s0 =	simm.s32 @!p1 $0x0  }
0x14: {  	s2 =	sld [smem:$0x3F8C];
	s0 =	simm.s32 @p1 $0x1  }
0x15: {  	[smem:$0x3FA9] =	sst s0;
	s0 =	simm.s32 @!p2 $0x0  }
0x16: {  	s3 =	sld [smem:$0x3FDB];
	s0 =	simm.s32 @p2 $0x1  }
0x17: {  	s4 =	simm.s32 $0x1BF5;
	[smem:$0x3FAB] =	sst s0  }
0x18: {  	s0 =	sld [smem:$0x3F8E];
	_ =	swait.ge [sflag:s4], $0x0  }
0x19: {  	s7 =	sld [smem:$0x3F8F]  }
0x1a: {  	s8 =	sadd.s32 $0xFFFFE003, lr  }
0x1b: {  	s9 =	sadd.s32 $0xFFFFFEF7, lr;
	s5 =	simm.s32 $0xFFFFFFFF;
	p2 =	slt.u32 s8, $0xFFFFF086  }
0x1c: {  	p1 =	slt.u32 s9, $0xF7A;
	s5 =	simm.s32 @!p2 $0x0  }
0x1d: {  	s5 =	simm.s32 @p1 $0x1;
	p0 =	seq.s32 s7, s2  }
0x1e: {  	s7 =	smul.u32 @!p0 $0xF7A, s2;
	p2 =	seq.s32 @!p0 s5, $0x0  }
0x1f: {  	s9 =	smul.u32 $0xF7A, s1;
	s8 =	simm.s32 @!p0 $0x1BF5;
	p2 =	por !p2, p0  }
0x20: {  	[sflag:s8] =	ssyncset.s32 @!p0 $0xFFFFF086;
	s6 =	sadd.s32 @!p0 s3, s7;
	s7 =	simm.s32 @!p0 $0x108  }
0x21: {  	s3 =	sadd.s32 s3, s9;
	s6 =	sadd.s32 @!p0 $0x88, s6;
	s7 =	simm.s32 @p2 $0x1082  }
0x22: {  	[simem:s7], [sflag:s8] =	dma.local @!p0 [hbm:s6], $0xF7A  }
0x23: {  	s9 =	sor.u32 $0xD0000000, s2;
	s6 =	simm.s32 $0x108;
	_ =	swait.ge @!p0 [sflag:s8], $0x0  }
0x24: {  	s3 =	sadd.s32 $0x88, s3;
	s6 =	simm.s32 @!p1 $0x1082;
	[sflag:s4] =	ssyncset.s32 $0xFFFFF086  }
0x25: {  	[simem:s6], [sflag:s4] =	dma.local [hbm:s3], $0xF7A  }
0x26: {  	[smem:$0x3F8F] =	sst s1;
	(tag) =	ssettag s2;
	_ =	strace s9  }
0x27: {  	s1 =	sld [smem:$0x3F9F]  }
0x28: {  	s2 =	sld [smem:$0x3FA0]  }
0x29: {  	s4 =	sld [smem:$0x3FA2]  }
0x2a: {  	p0 =	seq.s32 s5, $0x0;
	s5 =	sld [smem:$0x3FA3]  }
0x2b: {  	s6 =	sld [smem:$0x3FA4]  }
0x2c: {  	s7 =	sld [smem:$0x3FA5]  }
0x2d: {  	s3 =	simm.s32 $0x108;
	s8 =	sld [smem:$0x3FA6]  }
0x2e: {  	s3 =	simm.s32 @!p0 $0x1082;
	s9 =	sld [smem:$0x3FA7]  }
0x2f: {  	lr =	sadd.s32 s0, s3;
	s0 =	sld [smem:$0x3F9E]  }
0x30: {  	s3 =	sld [smem:$0x3FA1]  }
0x31: {  	[smem:$0x3FAA] =	sst s10  }
0x32: {  	s10 =	sld [smem:$0x3FA8];
	_ =	sdelay $0x3  }
0x33: {  	p0 =	seq.s32 s10, $0x1;
	s10 =	sld [smem:$0x3FAA];
	_ =	sdelay $0x3  }
0x34: {  	[smem:$0x3FAA] =	sst s10  }
0x35: {  	s10 =	sld [smem:$0x3FA9];
	_ =	sdelay $0x3  }
0x36: {  	p1 =	seq.s32 s10, $0x1;
	s10 =	sld [smem:$0x3FAA];
	_ =	sdelay $0x3  }
0x37: {  	[smem:$0x3FAA] =	sst s10  }
0x38: {  	s10 =	sld [smem:$0x3FAB]  }
0x39: {  	_ = 	snop;
	(pc) =	sbr.ind lr, $3  }
0x3a: {  	_ = 	snop  }
0x3b: {  	_ = 	snop  }
0x3c: {  	p2 =	seq.s32 s10, $0x1;
	s10 =	sld [smem:$0x3FAA]  }
0x3d: {  	_ =	shalt  }
0x3e: {  	_ =	shalt  }
0x3f: {  	_ =	shalt  }
0x40: {  	_ =	shalt  }
0x41: {  	_ =	shalt  }
0x42: {  	_ =	shalt  }
0x43: {  	_ =	shalt  }
0x44: {  	_ =	shalt  }
0x45: {  	_ =	shalt  }
0x46: {  	_ =	shalt  }
0x47: {  	_ =	shalt  }
0x48: {  	_ =	shalt  }
0x49: {  	_ =	shalt  }
0x4a: {  	_ =	shalt  }
0x4b: {  	_ =	shalt  }
0x4c: {  	_ =	shalt  }
0x4d: {  	_ =	shalt  }
0x4e: {  	_ =	shalt  }
0x4f: {  	_ =	shalt  }
0x50: {  	_ =	shalt  }
0x51: {  	_ =	shalt  }
0x52: {  	_ =	shalt  }
0x53: {  	_ =	shalt  }
0x54: {  	_ =	shalt  }
0x55: {  	_ =	shalt  }
0x56: {  	_ =	shalt  }
0x57: {  	_ =	shalt  }
0x58: {  	_ =	shalt  }
0x59: {  	_ =	shalt  }
0x5a: {  	_ =	shalt  }
0x5b: {  	_ =	shalt  }
0x5c: {  	_ =	shalt  }
0x5d: {  	_ =	shalt  }
0x5e: {  	_ =	shalt  }
0x5f: {  	_ =	shalt  }
0x60: {  	_ =	shalt  }
0x61: {  	_ =	shalt  }
0x62: {  	_ =	shalt  }
0x63: {  	_ =	shalt  }
0x64: {  	_ =	shalt  }
0x65: {  	_ =	shalt  }
0x66: {  	_ =	shalt  }
0x67: {  	_ =	shalt  }
0x68: {  	_ =	shalt  }
0x69: {  	_ =	shalt  }
0x6a: {  	_ =	shalt  }
0x6b: {  	_ =	shalt  }
0x6c: {  	_ =	shalt  }
0x6d: {  	_ =	shalt  }
0x6e: {  	_ =	shalt  }
0x6f: {  	_ =	shalt  }
0x70: {  	_ =	shalt  }
0x71: {  	_ =	shalt  }
0x72: {  	_ =	shalt  }
0x73: {  	_ =	shalt  }
0x74: {  	_ =	shalt  }
0x75: {  	_ =	shalt  }
0x76: {  	_ =	shalt  }
0x77: {  	_ =	shalt  }
0x78: {  	_ =	shalt  }
0x79: {  	_ =	shalt  }
0x7a: {  	_ =	shalt  }
0x7b: {  	_ =	shalt  }
0x7c: {  	_ =	shalt  }
0x7d: {  	_ =	shalt  }
0x7e: {  	_ =	shalt  }
0x7f: {  	_ =	shalt  }
0x80: {  	_ =	shalt  }
0x81: {  	_ =	shalt  }
0x82: {  	_ =	shalt  }
0x83: {  	_ =	shalt  }
0x84: {  	_ =	shalt  }
0x85: {  	_ =	shalt  }
0x86: {  	_ =	shalt  }
0x87: {  	_ =	shalt  }
.Lfunc_end0:
.L_simem_size_0:
called_computation.1_lowered:
.L_overlay_start_0:
0x88: {  	s2 =	sld [smem:$0x3FD9]  }
0x89: {  	s3 =	sld [smem:$0x3FFE];
	_ =	sdelay $0x1  }
0x8a: {  	s1 =	srdreg.scid  }
0x8b: {  	s0 =	sand.u32 $0x1, s1  }
0x8c: {  	s17 =	sshll.u32 s0, $0xA;
	s2 =	sadd.s32 s3, s2  }
0x8d: {  	s2 =	sadd.s32 s2, s17  }
0x8e: {  	[smem:$0x3FB6] =	sst s2  }
0x8f: {  	_ = 	snop  }
0x90: {  	s2 =	sld [smem:$0x3FD0];
	(tm) =	ssettm $0x1  }
0x91: {  	s18 =	sld [smem:$0x3FFB];
	_ =	sdelay $0x3  }
0x92: {  	_ =	strace s18  }
0x93: {  	s3 =	sld [smem:$0x3FFC];
	_ =	sdelay $0x3  }
0x94: {  	_ =	strace s3  }
0x95: {  	s3 =	sld [smem:$0x3FFD];
	_ =	sdelay $0x3  }
0x96: {  	_ =	strace s3  }
0x97: {  	_ =	strace $0x8FFFFFFF  }
0x98: {  	s19 =	sld [smem:$0x3FDB];
	_ =	sdelay $0x1  }
0x99: {  	s4 =	simm.s32 $_scs_section_size  }
0x9a: {  	s5 =	simm.s32 $_size__tile_overlayer_lowered;
	s6 =	simm.s32 $_tile_overlayer_lowered  }
0x9b: {  	s22 =	simm.s32 $0x1BFF;
	s21 =	sshll.u32 s6, $0x1;
	s3 =	sadd.s32 s4, s19  }
0x9c: {  	s7 =	simm.s32 $0x0;
	s20 =	sshll.u32 s5, $0x1;
	s5 =	sadd.s32 s21, s3  }
0x9d: {  	[timem:s7], [sflag:s22] =	dma.local [hbm:s5], s20  }
0x9e: {  	_ =	swait.ge [sflag:s22], s20  }
0x9f: {  	s4 =	ssub.s32 $0x0, s20;
	[sflag:s22] =	ssyncset.done $0x0  }
0xa0: {  	[sflag:s22] =	ssyncadd.s32 s4;
	_ =	sdelay $0x1  }
0xa1: {  	s23 =	simm.s32 $0x1B8B  }
0xa2: {  	_ =	swait.ge [sflag:s23], $0x1  }
0xa3: {  	[sflag:s23] =	ssyncset.done $0x0  }
0xa4: {  	s25 =	simm.s32 $0x1B8E;
	s24 =	sld [smem:$0x3FFE];
	[sflag:s23] =	ssyncadd.s32 $0xFFFFFFFF  }
0xa5: {  	s26 =	simm.s32 $execute0_lowered;
	[smem:$0x3FD2] =	sst s25  }
0xa6: {  	s5 =	sshll.u32 s26, $0x1;
	_ =	strace $0x80000049;
	[dreg:$0x1] =	wrdreg $0xFFFFFFFF  }
0xa7: {  	s28 =	simm.s32 $_size_execute0_lowered;
	s3 =	sadd.s32 s3, s5;
	[dreg:$0x0] =	wrdreg $0x0  }
0xa8: {  	s5 =	sshll.u32 s28, $0x1;
	[dreg:$0x2] =	wrdreg s3  }
0xa9: {  	[dreg:$0x3] =	wrdreg s5  }
0xaa: {  	[dreg:$0x4] =	wrdreg $0xC0  }
0xab: {  	_ =	task [dreg:s7], $0x5FFFF  }
0xac: {  	[dreg:$0x1] =	wrdreg $0xFFFFFFFF  }
0xad: {  	[dreg:$0x0] =	wrdreg $0x60  }
0xae: {  	[dreg:$0x2] =	wrdreg s2  }
0xaf: {  	[dreg:$0x3] =	wrdreg s24  }
0xb0: {  	[dreg:$0x4] =	wrdreg $0x81000  }
0xb1: {  	[dreg:$0x5] =	wrdreg $0x9  }
0xb2: {  	_ =	task.clear_ibuf [dreg:s7], $0x6FFFF;
	_ =	strace $0x90000049  }
0xb3: {  	s29 =	simm.s32 $0x9;
	_ =	strace $0x8000004B  }
0xb4: {  	_ =	swait.ge [sflag:s29], $0x1  }
0xb5: {  	[sflag:s29] =	ssyncadd.s32 $0xFFFFFFFF  }
0xb6: {  	_ =	strace $0x9000004B  }
0xb7: {  	_ =	sfence  }
0xb8: {  	s30 =	sld [smem:$0x0];
	_ =	sdelay $0x2  }
0xb9: {  	s31 =	sshll.u32 s1, $0xD;
	s1 =	sshrl.u32 s1, $0x2  }
0xba: {  	s3 =	sand.u32 $0x4000, s31;
	s1 =	sadd.s32 s1, s30  }
0xbb: {  	s0 =	sor.u32 s3, s0;
	s1 =	sshll.u32 s1, $0x11  }
0xbc: {  	s0 =	sor.u32 s1, s0  }
0xbd: {  	s0 =	sadd.s32 $0x8F2B, s0  }
0xbe: {  	[sflag:s0] =	ssyncadd.remote.s32 $0x1  }
0xbf: {  	_ =	sfence.sel $0xFFFF  }
0xc0: {  	[dreg:$0x0] =	wrdreg $0xFFFFFFFF;
	(pc) =	sbr.abs _section_cstart, $3  }
0xc1: {  	[dreg:$0x1] =	wrdreg $0xFFFFFFFF  }
0xc2: {  	_ =	task.clear_ibuf [dreg:s7], $0x2FFFF;
	_ =	strace $0x9FFFFFFF  }
0xc3: {  	(tm) =	ssettm $0x7FFFFFFF  }
tec
execute0_lowered:
.L_overlay_start_1:
0x0: {  	(tag) =	ssettag $0x1  }
0x1: {  	s1 =	rddreg [dreg:$0x0]  }
0x2: {  	s0 =	rddreg [dreg:$0x1]  }
0x3: {  	s4 =	srdreg.scid;
	s28 =	stileid.u32  }
0x4: {  	s2 =	rddreg [dreg:$0x2];
	s5 =	sand.u32 $0x1, s4;
	s9 =	smul.u32 $0x2800, s28  }
0x5: {  	s3 =	simm.s32 $0x0;
	s8 =	sor.u32 $0x10, s28;
	s4 =	smul.u32 $0x138800, s5  }
0x6: {  	s29 =	simm.s32 $0x100;
	s10 =	sor.u32 $0x20, s28;
	s11 =	smul.u32 $0x2800, s8  }
0x7: {  	s30 =	simm.s32 $0x2;
	s19 =	sor.u32 $0x30, s28;
	s13 =	smul.u32 $0x2800, s10  }
0x8: {  	s31 =	simm.s32 $0x3;
	s21 =	sor.u32 $0x40, s28;
	s15 =	smul.u32 $0x2800, s19  }
0x9: {  	[smem:$0x7FF] =	sst s3;
	s22 =	sor.u32 $0x50, s28;
	s26 =	smul.u32 $0x2800, s21  }
0xa: {  	s6 =	sadd.s32 $0xA31A00, s0;
	s23 =	sor.u32 $0x60, s28;
	s16 =	smul.u32 $0x2800, s22  }
0xb: {  	s7 =	sadd.s32 $0x4F6200, s0;
	s24 =	sor.u32 $0x70, s28;
	s17 =	smul.u32 $0x2800, s23  }
0xc: {  	_ =	strace $0x8000004A;
	s12 =	ssub.s32 $0x2, s5;
	s18 =	smul.u32 $0x2800, s24  }
0xd: {  	s8 =	smul.u32 $0xA000, s8;
	p0 =	sgt.u32 s24, $0x7C;
	s14 =	sshrl.u32 s12, $0x1  }
0xe: {  	s12 =	ssub.s32 s12, s14;
	s9 =	sadd.s32 s4, s9;
	s11 =	sadd.s32 s4, s11  }
0xf: {  	s13 =	sadd.s32 s4, s13;
	s15 =	sadd.s32 s4, s15;
	s14 =	sadd.s32 s4, s26  }
0x10: {  	s16 =	sadd.s32 s4, s16;
	s17 =	sadd.s32 s4, s17;
	s4 =	sadd.s32 s4, s18  }
0x11: {  	s18 =	sadd.s32 $0x9E3400, s0;
	s8 =	sshrl.u32 s8, $0x2;
	s9 =	sshrl.u32 s9, $0x3  }
0x12: {  	s20 =	sshrl.u32 s11, $0x3;
	s25 =	sshrl.u32 s13, $0x3;
	s26 =	sshrl.u32 s15, $0x3  }
0x13: {  	s14 =	sshrl.u32 s14, $0x3;
	s15 =	sshrl.u32 s16, $0x3;
	s16 =	sshrl.u32 s17, $0x3  }
0x14: {  	s4 =	sshrl.u32 s4, $0x3;
	s9 =	sadd.s32 s18, s9;
	s13 =	sadd.s32 s18, s26  }
0x15: {  	s17 =	sadd.s32 s18, s16;
	s26 =	smul.u32 $0xA000, s19;
	[dreg:$0x4] =	wrdreg s9  }
0x16: {  	s9 =	sadd.s32 s18, s20;
	[dreg:$0x7] =	wrdreg s13;
	s20 =	smul.u32 $0xA000, s28  }
0x17: {  	s16 =	sadd.s32 $0x4EC400, s0;
	[dreg:$0xa] =	wrdreg s17;
	s13 =	smul.u32 $0xA000, s23  }
0x18: {  	[dreg:$0x5] =	wrdreg s9;
	s9 =	sadd.s32 s18, s25;
	s25 =	smul.u32 $0xA000, s10  }
0x19: {  	s17 =	sadd.s32 $0x9E2C00, s0;
	s28 =	sshll.u32 s28, $0x1;
	s10 =	smul.u32 $0xA000, s21  }
0x1a: {  	s11 =	sshrl.u32 s26, $0x2;
	[dreg:$0x6] =	wrdreg s9;
	s9 =	sadd.s32 s18, s14  }
0x1b: {  	s14 =	smul.u32 $0xA000, s24;
	[dreg:$0x8] =	wrdreg s9;
	s9 =	sadd.s32 s18, s15  }
0x1c: {  	s15 =	sadd.s32 s18, s4;
	s18 =	smax.u32 s12, $0x1;
	s4 =	sshrl.u32 s20, $0x2  }
0x1d: {  	s20 =	sadd.s32 s8, s2;
	s0 =	sshrl.u32 s25, $0x2;
	s12 =	smul.u32 $0xA000, s22  }
0x1e: {  	s22 =	sadd.s32 s11, s2;
	s8 =	simm.s32 $0x4100;
	[dreg:$0x9] =	wrdreg s9  }
.Ltmp0:
0x1f: {  	s19 =	sadd.s32 s4, s2;
	s21 =	sadd.s32 s0, s2;
	(pc) =	sbr.rel .LBB2_1-.Ltmp0, $4  }
0x20: {  	s4 =	sshrl.u32 s10, $0x2;
	s0 =	sshrl.u32 s13, $0x2;
	s26 =	sshrl.u32 s14, $0x2  }
0x21: {  	s9 =	simm.s32 $0x0;
	s14 =	simm.s32 $0x0;
	s23 =	sadd.s32 s4, s2  }
0x22: {  	s25 =	sshrl.u32 s12, $0x2;
	s26 =	sadd.s32 s26, s2;
	s4 =	simm.s32 $0x1  }
0x23: {  	s24 =	sadd.s32 s25, s2;
	s25 =	sadd.s32 s0, s2;
	s0 =	simm.s32 $0x80  }
.LBB2_7:
0x24: {  	[bflag:$0x0] =	sbarrier.arrive $0xFFFF  }
0x25: {  	[tilespmem:s29], [sflag:$0x3] =	stream.linear.gather [spmem:s19], $0x2800, $0x38;
	[tilespmem:$0x1B980] =	vst v63  }
0x26: {  	_ =	swait.ge [sflag:s31], $0x2800  }
0x27: {  	[sflag:s31] =	ssyncset.done $0x0  }
0x28: {  	s10 =	rddreg [dreg:$0x4];
	[sflag:s31] =	ssyncadd.s32 $0xFFFFD800  }
0x29: {  	[hbm4b:s10+s3] =	stream.linear.scatter [tilespmem:s29], [sflag:$0x2], $0x2800, $0x38;
	[tilespmem:$0x1B980] =	vst v63  }
0x2a: {  	_ =	swait.ge [sflag:s30], $0x2800  }
0x2b: {  	[sflag:s30] =	ssyncset.done $0x0  }
0x2c: {  	[sflag:s30] =	ssyncadd.s32 $0xFFFFD800  }
0x2d: {  	[tilespmem:s29], [sflag:$0x3] =	stream.linear.gather [spmem:s20], $0x2800, $0x38;
	[tilespmem:$0x1B980] =	vst v63  }
0x2e: {  	_ =	swait.ge [sflag:s31], $0x2800  }
0x2f: {  	[sflag:s31] =	ssyncset.done $0x0  }
0x30: {  	s11 =	rddreg [dreg:$0x5];
	[sflag:s31] =	ssyncadd.s32 $0xFFFFD800  }
0x31: {  	[hbm4b:s11+s3] =	stream.linear.scatter [tilespmem:s29], [sflag:$0x2], $0x2800, $0x38;
	[tilespmem:$0x1B980] =	vst v63  }
0x32: {  	_ =	swait.ge [sflag:s30], $0x2800  }
0x33: {  	[sflag:s30] =	ssyncset.done $0x0  }
0x34: {  	[sflag:s30] =	ssyncadd.s32 $0xFFFFD800  }
0x35: {  	[tilespmem:s29], [sflag:$0x3] =	stream.linear.gather [spmem:s21], $0x2800, $0x38;
	[tilespmem:$0x1B980] =	vst v63  }
0x36: {  	_ =	swait.ge [sflag:s31], $0x2800  }
0x37: {  	[sflag:s31] =	ssyncset.done $0x0  }
0x38: {  	s12 =	rddreg [dreg:$0x6];
	[sflag:s31] =	ssyncadd.s32 $0xFFFFD800  }
0x39: {  	[hbm4b:s12+s3] =	stream.linear.scatter [tilespmem:s29], [sflag:$0x2], $0x2800, $0x38;
	[tilespmem:$0x1B980] =	vst v63  }
0x3a: {  	_ =	swait.ge [sflag:s30], $0x2800  }
0x3b: {  	[sflag:s30] =	ssyncset.done $0x0  }
0x3c: {  	[sflag:s30] =	ssyncadd.s32 $0xFFFFD800  }
0x3d: {  	[tilespmem:s29], [sflag:$0x3] =	stream.linear.gather [spmem:s22], $0x2800, $0x38;
	[tilespmem:$0x1B980] =	vst v63  }
0x3e: {  	_ =	swait.ge [sflag:s31], $0x2800  }
0x3f: {  	[sflag:s31] =	ssyncset.done $0x0  }
0x40: {  	s13 =	rddreg [dreg:$0x7];
	[sflag:s31] =	ssyncadd.s32 $0xFFFFD800  }
0x41: {  	[hbm4b:s13+s3] =	stream.linear.scatter [tilespmem:s29], [sflag:$0x2], $0x2800, $0x38;
	[tilespmem:$0x1B980] =	vst v63  }
0x42: {  	_ =	swait.ge [sflag:s30], $0x2800  }
0x43: {  	[sflag:s30] =	ssyncset.done $0x0  }
0x44: {  	[sflag:s30] =	ssyncadd.s32 $0xFFFFD800  }
0x45: {  	[tilespmem:s29], [sflag:$0x3] =	stream.linear.gather [spmem:s23], $0x2800, $0x38;
	[tilespmem:$0x1B980] =	vst v63  }
0x46: {  	_ =	swait.ge [sflag:s31], $0x2800  }
0x47: {  	[sflag:s31] =	ssyncset.done $0x0  }
0x48: {  	s11 =	rddreg [dreg:$0x8];
	[sflag:s31] =	ssyncadd.s32 $0xFFFFD800  }
0x49: {  	[hbm4b:s11+s3] =	stream.linear.scatter [tilespmem:s29], [sflag:$0x2], $0x2800, $0x38;
	[tilespmem:$0x1B980] =	vst v63  }
0x4a: {  	_ =	swait.ge [sflag:s30], $0x2800  }
0x4b: {  	[sflag:s30] =	ssyncset.done $0x0  }
0x4c: {  	[sflag:s30] =	ssyncadd.s32 $0xFFFFD800  }
0x4d: {  	[tilespmem:s29], [sflag:$0x3] =	stream.linear.gather [spmem:s24], $0x2800, $0x38;
	[tilespmem:$0x1B980] =	vst v63  }
0x4e: {  	_ =	swait.ge [sflag:s31], $0x2800  }
0x4f: {  	[sflag:s31] =	ssyncset.done $0x0  }
0x50: {  	s12 =	rddreg [dreg:$0x9];
	[sflag:s31] =	ssyncadd.s32 $0xFFFFD800  }
0x51: {  	[hbm4b:s12+s3] =	stream.linear.scatter [tilespmem:s29], [sflag:$0x2], $0x2800, $0x38;
	[tilespmem:$0x1B980] =	vst v63  }
0x52: {  	_ =	swait.ge [sflag:s30], $0x2800  }
0x53: {  	[sflag:s30] =	ssyncset.done $0x0  }
0x54: {  	[sflag:s30] =	ssyncadd.s32 $0xFFFFD800  }
0x55: {  	[tilespmem:s29], [sflag:$0x3] =	stream.linear.gather [spmem:s25], $0x2800, $0x38;
	[tilespmem:$0x1B980] =	vst v63  }
0x56: {  	_ =	swait.ge [sflag:s31], $0x2800  }
0x57: {  	[sflag:s31] =	ssyncset.done $0x0  }
0x58: {  	s13 =	rddreg [dreg:$0xa];
	[sflag:s31] =	ssyncadd.s32 $0xFFFFD800  }
0x59: {  	[hbm4b:s13+s3] =	stream.linear.scatter [tilespmem:s29], [sflag:$0x2], $0x2800, $0x38;
	[tilespmem:$0x1B980] =	vst v63  }
0x5a: {  	_ =	swait.ge [sflag:s30], $0x2800  }
0x5b: {  	[sflag:s30] =	ssyncset.done $0x0  }
0x5c: {  	s10 =	simm.s32 @!p0 $0x100;
	s11 =	simm.s32 @!p0 $0x3;
	[sflag:s30] =	ssyncadd.s32 $0xFFFFD800  }
0x5d: {  	[tilespmem:s10], [sflag:$0x3] =	stream.linear.gather @!p0 [spmem:s26], $0x2800, $0x38;
	[tilespmem:$0x1B980] =	vst v63  }
0x5e: {  	_ =	swait.ge @!p0 [sflag:s11], $0x2800  }
0x5f: {  	s9 =	sadd.s32 $0x1, s9;
	[sflag:s11] =	ssyncset.done @!p0 $0x0  }
0x60: {  	p1 =	sne.s32 s9, s18;
	[sflag:s11] =	ssyncadd.s32 @!p0 $0xFFFFD800;
	s11 =	simm.s32 @!p0 $0x0  }
0x61: {  	[hbm4b:s15+s11] =	stream.linear.scatter @!p0 [tilespmem:s10], [sflag:$0x2], $0x2800, $0x38;
	[tilespmem:$0x1B980] =	vst v63  }
.Ltmp1:
0x62: {  	_ = 	snop;
	(pc) =	sbr.rel @!p1 .LBB2_8-.Ltmp1, $4  }
0x63: {  	s10 =	simm.s32 @!p0 $0x2  }
0x64: {  	_ =	swait.ge @!p0 [sflag:s10], $0x2800  }
0x65: {  	[sflag:s10] =	ssyncset.done @!p0 $0x0  }
0x66: {  	[sflag:s10] =	ssyncadd.s32 @!p0 $0xFFFFD800  }
.LBB2_1:
0x67: {  	[tilespmem:s29], [sflag:$0x2] =	stream.linear.gather [hbm4b:s17+s3], $0x4000, $0x38;
	[tilespmem:$0x1B980] =	vst v63  }
0x68: {  	_ =	swait.ge [sflag:s30], $0x4000  }
0x69: {  	[sflag:s30] =	ssyncset.done $0x0  }
0x6a: {  	[sflag:s30] =	ssyncadd.s32 $0xFFFFC000  }
0x6b: {  	[spmem:s19] =	stream.linear.scatter [tilespmem:s29], [sflag:$0x2], $0x2800, $0x38;
	[tilespmem:$0x1B980] =	vst v63  }
0x6c: {  	_ =	swait.ge [sflag:s30], $0x2800  }
0x6d: {  	[sflag:s30] =	ssyncset.done $0x0  }
0x6e: {  	[sflag:s30] =	ssyncadd.s32 $0xFFFFD800  }
0x6f: {  	[spmem:s20] =	stream.linear.scatter [tilespmem:s29], [sflag:$0x2], $0x2800, $0x38;
	[tilespmem:$0x1B980] =	vst v63  }
0x70: {  	_ =	swait.ge [sflag:s30], $0x2800  }
0x71: {  	[sflag:s30] =	ssyncset.done $0x0  }
0x72: {  	[sflag:s30] =	ssyncadd.s32 $0xFFFFD800  }
0x73: {  	[spmem:s21] =	stream.linear.scatter [tilespmem:s29], [sflag:$0x2], $0x2800, $0x38;
	[tilespmem:$0x1B980] =	vst v63  }
0x74: {  	_ =	swait.ge [sflag:s30], $0x2800  }
0x75: {  	[sflag:s30] =	ssyncset.done $0x0  }
0x76: {  	[sflag:s30] =	ssyncadd.s32 $0xFFFFD800  }
0x77: {  	[spmem:s22] =	stream.linear.scatter [tilespmem:s29], [sflag:$0x2], $0x2800, $0x38;
	[tilespmem:$0x1B980] =	vst v63  }
0x78: {  	_ =	swait.ge [sflag:s30], $0x2800  }
0x79: {  	[sflag:s30] =	ssyncset.done $0x0  }
0x7a: {  	[sflag:s30] =	ssyncadd.s32 $0xFFFFD800  }
0x7b: {  	[spmem:s23] =	stream.linear.scatter [tilespmem:s29], [sflag:$0x2], $0x2800, $0x38;
	[tilespmem:$0x1B980] =	vst v63  }
0x7c: {  	_ =	swait.ge [sflag:s30], $0x2800  }
0x7d: {  	[sflag:s30] =	ssyncset.done $0x0  }
0x7e: {  	[sflag:s30] =	ssyncadd.s32 $0xFFFFD800  }
0x7f: {  	[spmem:s24] =	stream.linear.scatter [tilespmem:s29], [sflag:$0x2], $0x2800, $0x38;
	[tilespmem:$0x1B980] =	vst v63  }
0x80: {  	_ =	swait.ge [sflag:s30], $0x2800  }
0x81: {  	[sflag:s30] =	ssyncset.done $0x0  }
0x82: {  	[sflag:s30] =	ssyncadd.s32 $0xFFFFD800  }
0x83: {  	[spmem:s25] =	stream.linear.scatter [tilespmem:s29], [sflag:$0x2], $0x2800, $0x38;
	[tilespmem:$0x1B980] =	vst v63  }
0x84: {  	_ =	swait.ge [sflag:s30], $0x2800  }
0x85: {  	[sflag:s30] =	ssyncset.done $0x0  }
0x86: {  	s10 =	simm.s32 @!p0 $0x100;
	[sflag:s30] =	ssyncadd.s32 $0xFFFFD800  }
0x87: {  	[spmem:s26] =	stream.linear.scatter @!p0 [tilespmem:s10], [sflag:$0x2], $0x2800, $0x38;
	[tilespmem:$0x1B980] =	vst v63  }
0x88: {  	s10 =	simm.s32 @!p0 $0x2  }
.Ltmp2:
0x89: {  	_ =	swait.ge @!p0 [sflag:s10], $0x2800;
	(pc) =	sbr.rel .LBB2_2-.Ltmp2, $4  }
0x8a: {  	[sflag:s10] =	ssyncset.done @!p0 $0x0  }
0x8b: {  	[sflag:s10] =	ssyncadd.s32 @!p0 $0xFFFFD800  }
0x8c: {  	[bflag:$0x0] =	sbarrier.arrive $0xFFFF  }
0x8d: {  	s10 =	simm.s32 $0x0  }
.LBB2_6:
0x8e: {  	s10 =	sadd.s32 $0x1, s10  }
0x8f: {  	p1 =	sne.s32 s10, $0x4F  }
.Ltmp3:
0x90: {  	_ = 	snop;
	(pc) =	sbr.rel @!p1 .LBB2_7-.Ltmp3, $1  }
0x91: {  	_ =	sdelay $0x3  }
.LBB2_2:
0x92: {  	s11 =	sshll.u32 s10, $0x5  }
0x93: {  	s11 =	sor.u32 s28, s11  }
0x94: {  	p1 =	sgt.u32 s11, $0x9C3  }
.Ltmp4:
0x95: {  	_ = 	snop;
	(pc) =	sbr.rel @p1 .LBB2_6-.Ltmp4, $1  }
0x96: {  	_ =	sdelay $0x3  }
0x97: {  	s11 =	sor.u32 s5, s11  }
0x98: {  	s12 =	sshll.u32 s11, $0x4  }
0x99: {  	s13 =	sadd.s32 s7, s12  }
0x9a: {  	[tilespmem:s14], [sflag:$0x3] =	stream.linear.gather [hbm4b:s13+s14], $0x80, $0x38;
	[tilespmem:$0x1B980] =	vst v63  }
0x9b: {  	_ =	swait.ge [sflag:s31], $0x80  }
0x9c: {  	[sflag:s31] =	ssyncset.done $0x0  }
0x9d: {  	s12 =	sadd.s32 s16, s12;
	[sflag:s31] =	ssyncadd.s32 $0xFFFFFF80  }
0x9e: {  	[tilespmem:s0], [sflag:$0x3] =	stream.linear.gather [hbm4b:s12+s14], $0x80, $0x38;
	[tilespmem:$0x1B980] =	vst v63  }
0x9f: {  	_ =	swait.ge [sflag:s31], $0x80  }
0xa0: {  	[sflag:s31] =	ssyncset.done $0x0  }
0xa1: {  	[sflag:s31] =	ssyncadd.s32 $0xFFFFFF80  }
0xa2: {  	[tilespmem:s29], [sflag:$0x1] =	stream.indirect.gather [hbm4b:s1+s0], $0x80, s14, s0, $0xb8;
	[tilespmem:$0x1B980] =	vst v63  }
0xa3: {  	_ =	swait.ge [sflag:s4], $0x4000  }
0xa4: {  	s11 =	sshll.u32 s11, $0xB;
	[sflag:s4] =	ssyncset.done $0x0  }
0xa5: {  	s11 =	sadd.s32 s6, s11;
	[sflag:s4] =	ssyncadd.s32 $0xFFFFC000  }
0xa6: {  	[tilespmem:s8], [sflag:$0x3] =	stream.linear.gather [hbm4b:s11+s14], $0x4000, $0x38;
	[tilespmem:$0x1B980] =	vst v63  }
0xa7: {  	_ =	swait.ge [sflag:s31], $0x4000  }
0xa8: {  	[sflag:s31] =	ssyncset.done $0x0  }
0xa9: {  	s11 =	simm.s32 $0x0;
	[sflag:s31] =	ssyncadd.s32 $0xFFFFC000  }
0xaa: {  	v7 =	vld [tilespmem:s11+$0x4100]  }
0xab: {  	v11 =	vld [tilespmem:s11+$0x4110]  }
0xac: {  	v5 =	vld [tilespmem:s11+$0x4120]  }
0xad: {  	v4 =	vld [tilespmem:s11+$0x4130]  }
0xae: {  	v3 =	vld [tilespmem:s11+$0x4140]  }
0xaf: {  	v2 =	vld [tilespmem:s11+$0x4150]  }
0xb0: {  	v1 =	vld [tilespmem:s11+$0x4160]  }
0xb1: {  	v0 =	vld [tilespmem:s11+$0x4170]  }
0xb2: {  	v12 =	vld [tilespmem:s11+$0x100]  }
0xb3: {  	v13 =	vld [tilespmem:s11+$0x110]  }
0xb4: {  	v10 =	vld [tilespmem:s11+$0x120]  }
0xb5: {  	v9 =	vld [tilespmem:s11+$0x130]  }
0xb6: {  	v8 =	vld [tilespmem:s11+$0x140]  }
0xb7: {  	v6 =	vld [tilespmem:s11+$0x150];
	v12 =	vadd.f32 v7, v12  }
0xb8: {  	s12 =	simm.s32 $0x200;
	v11 =	vadd.f32 v11, v13;
	v7 =	vld [tilespmem:s11+$0x160]  }
.LBB2_4:
0xb9: {  	s13 =	sshra.s32 s12, $0x2;
	p1 =	sne.s32 s12, $0xFE00;
	[tilespmem:s11+$0x100] =	vst v12;
	v5 =	vadd.f32 v5, v10;
	v10 =	vld [tilespmem:s11+$0x170]  }
0xba: {  	v12 =	vld [tilespmem:s13+$0x4100];
	[tilespmem:s11+$0x110] =	vst v11;
	v4 =	vadd.f32 v4, v9  }
0xbb: {  	v11 =	vld [tilespmem:s13+$0x4110];
	[tilespmem:s11+$0x120] =	vst v5;
	v3 =	vadd.f32 v3, v8  }
0xbc: {  	v5 =	vld [tilespmem:s13+$0x4120];
	[tilespmem:s11+$0x130] =	vst v4;
	v2 =	vadd.f32 v2, v6  }
0xbd: {  	v4 =	vld [tilespmem:s13+$0x4130];
	[tilespmem:s11+$0x140] =	vst v3;
	v1 =	vadd.f32 v1, v7  }
0xbe: {  	v3 =	vld [tilespmem:s13+$0x4140];
	[tilespmem:s11+$0x150] =	vst v2;
	v0 =	vadd.f32 v0, v10  }
0xbf: {  	v2 =	vld [tilespmem:s13+$0x4150];
	[tilespmem:s11+$0x160] =	vst v1  }
0xc0: {  	v1 =	vld [tilespmem:s13+$0x4160];
	[tilespmem:s11+$0x170] =	vst v0;
	s11 =	smov.u32 s13  }
0xc1: {  	v0 =	vld [tilespmem:s11+$0x4170]  }
0xc2: {  	v6 =	vld [tilespmem:s11+$0x100]  }
0xc3: {  	v7 =	vld [tilespmem:s11+$0x110]  }
.Ltmp5:
0xc4: {  	v10 =	vld [tilespmem:s11+$0x120];
	(pc) =	sbr.rel @p1 .LBB2_4-.Ltmp5, $4  }
0xc5: {  	v9 =	vld [tilespmem:s11+$0x130]  }
0xc6: {  	v8 =	vld [tilespmem:s11+$0x140]  }
0xc7: {  	v12 =	vadd.f32 v12, v6;
	v6 =	vld [tilespmem:s11+$0x150]  }
0xc8: {  	s12 =	sadd.s32 $0x200, s12;
	v11 =	vadd.f32 v11, v7;
	v7 =	vld [tilespmem:s11+$0x160]  }
0xc9: {  	[tilespmem:s11+$0x100] =	vst v12;
	v5 =	vadd.f32 v5, v10;
	v63 =	vld [tilespmem:s11+$0x170]  }
0xca: {  	[tilespmem:s11+$0x110] =	vst v11;
	v4 =	vadd.f32 v4, v9  }
0xcb: {  	[tilespmem:s11+$0x120] =	vst v5;
	v3 =	vadd.f32 v3, v8  }
0xcc: {  	[tilespmem:s11+$0x130] =	vst v4;
	v2 =	vadd.f32 v2, v6  }
0xcd: {  	[tilespmem:s11+$0x140] =	vst v3;
	v1 =	vadd.f32 v1, v7  }
0xce: {  	[tilespmem:s11+$0x150] =	vst v2;
	v0 =	vadd.f32 v0, v63  }
0xcf: {  	[tilespmem:s11+$0x160] =	vst v1  }
.Ltmp6:
0xd0: {  	[tilespmem:s11+$0x170] =	vst v0;
	(pc) =	sbr.rel .LBB2_6-.Ltmp6, $4  }
0xd1: {  	[spmem:s2] =	stream.indirect.scatter.add.f32 [tilespmem:s29], [sflag:$0x2], $0x80, s0, s0, $0xb8;
	[tilespmem:$0x1B980] =	vst v63  }
0xd2: {  	_ =	swait.ge [sflag:s30], $0x4000  }
0xd3: {  	[sflag:s30] =	ssyncset.done $0x0  }
0xd4: {  	[sflag:s30] =	ssyncadd.s32 $0xFFFFC000  }
.LBB2_8:
0xd5: {  	_ =	sfence.sel $0x180000  }
0xd6: {  	[bflag:$0x0] =	sbarrier.arrive $0xFFFF  }
0xd7: {  	_ =	strace $0x9000004A  }
0xd8: {  	s0 =	stileid.u32;
	[bflag:$0x2] =	sbarrier.arrive $0xFFFF  }
0xd9: {  	p0 =	sne.s32 s0, $0x0;
	s0 =	rddreg [dreg:$0x3]  }
0xda: {  	s0 =	sadd.s32 @!p0 $0x100000, s0  }
0xdb: {  	[sflag:s0] =	ssyncadd.tile.s32 @!p0 $0x1;
	_ =	shalt  }
.Lfunc_end2:
_tile_overlayer_lowered:
.L_overlay_start_2:
0xdc: {  	(tag) =	ssettag $0x2  }
0xdd: {  	s0 =	rddreg [dreg:$0x0];
	s2 =	stileid.u32  }
0xde: {  	s1 =	rddreg [dreg:$0x1];
	p0 =	sne.s32 s2, $0x0  }
0xdf: {  	s3 =	rddreg [dreg:$0x2];
	[bflag:$0x3] =	sbarrier.arrive $0xFFFF;
	s2 =	simm.s32 @!p0 $0x1C02  }
0xe0: {  	[timem:s3], [sflag:s2] =	dma.local @!p0 [hbm:s0], s1  }
0xe1: {  	s0 =	simm.s32 @!p0 $0x2  }
0xe2: {  	_ =	swait.ge @!p0 [sflag:s0], s1  }
0xe3: {  	s1 =	ssub.s32 @!p0 $0x0, s1;
	[sflag:s0] =	ssyncset.done @!p0 $0x0  }
0xe4: {  	[sflag:s0] =	ssyncadd.s32 @!p0 s1  }
0xe5: {  	[bflag:$0x3] =	sbarrier.arrive $0xFFFF  }
0xe6: {  	_ =	shalt  }

// kernel: kernel.21.cloned.1.call-start
scs
__scs_entry_jumppad:
0x0: {  	(pc) =	sbr.rel $0x88, $3  }
0x1: {  	(tag) =	ssettag $0x0;
	lr =	simm.s32 $0x1  }
0x2: {  	[smem:$0x3F8F] =	sst lr;
	_ =	strace $0xD0000000  }
0x3: {  	_ = 	snop  }
0x4: {  	_ = 	snop  }
0x5: {  	_ = 	snop  }
0x6: {  	_ = 	snop  }
0x7: {  	_ = 	snop  }
__scs_overlays_trampoline_lowered:
0x8: {  	[smem:$0x3F9E] =	sst s0  }
0x9: {  	[smem:$0x3F9F] =	sst s1  }
0xa: {  	[smem:$0x3FA0] =	sst s2  }
0xb: {  	[smem:$0x3FA1] =	sst s3  }
0xc: {  	[smem:$0x3FA2] =	sst s4  }
0xd: {  	[smem:$0x3FA3] =	sst s5  }
0xe: {  	[smem:$0x3FA4] =	sst s6  }
0xf: {  	[smem:$0x3FA5] =	sst s7  }
0x10: {  	[smem:$0x3FA6] =	sst s8  }
0x11: {  	[smem:$0x3FA7] =	sst s9;
	s0 =	simm.s32 @!p0 $0x0  }
0x12: {  	s1 =	sld [smem:$0x3F8D];
	s0 =	simm.s32 @p0 $0x1  }
0x13: {  	[smem:$0x3FA8] =	sst s0;
	s0 =	simm.s32 @!p1 $0x0  }
0x14: {  	s2 =	sld [smem:$0x3F8C];
	s0 =	simm.s32 @p1 $0x1  }
0x15: {  	[smem:$0x3FA9] =	sst s0;
	s0 =	simm.s32 @!p2 $0x0  }
0x16: {  	s3 =	sld [smem:$0x3FDB];
	s0 =	simm.s32 @p2 $0x1  }
0x17: {  	s4 =	simm.s32 $0x1BF5;
	[smem:$0x3FAB] =	sst s0  }
0x18: {  	s0 =	sld [smem:$0x3F8E];
	_ =	swait.ge [sflag:s4], $0x0  }
0x19: {  	s7 =	sld [smem:$0x3F8F]  }
0x1a: {  	s8 =	sadd.s32 $0xFFFFE003, lr  }
0x1b: {  	s9 =	sadd.s32 $0xFFFFFEF7, lr;
	s5 =	simm.s32 $0xFFFFFFFF;
	p2 =	slt.u32 s8, $0xFFFFF086  }
0x1c: {  	p1 =	slt.u32 s9, $0xF7A;
	s5 =	simm.s32 @!p2 $0x0  }
0x1d: {  	s5 =	simm.s32 @p1 $0x1;
	p0 =	seq.s32 s7, s2  }
0x1e: {  	s7 =	smul.u32 @!p0 $0xF7A, s2;
	p2 =	seq.s32 @!p0 s5, $0x0  }
0x1f: {  	s9 =	smul.u32 $0xF7A, s1;
	s8 =	simm.s32 @!p0 $0x1BF5;
	p2 =	por !p2, p0  }
0x20: {  	[sflag:s8] =	ssyncset.s32 @!p0 $0xFFFFF086;
	s6 =	sadd.s32 @!p0 s3, s7;
	s7 =	simm.s32 @!p0 $0x108  }
0x21: {  	s3 =	sadd.s32 s3, s9;
	s6 =	sadd.s32 @!p0 $0x88, s6;
	s7 =	simm.s32 @p2 $0x1082  }
0x22: {  	[simem:s7], [sflag:s8] =	dma.local @!p0 [hbm:s6], $0xF7A  }
0x23: {  	s9 =	sor.u32 $0xD0000000, s2;
	s6 =	simm.s32 $0x108;
	_ =	swait.ge @!p0 [sflag:s8], $0x0  }
0x24: {  	s3 =	sadd.s32 $0x88, s3;
	s6 =	simm.s32 @!p1 $0x1082;
	[sflag:s4] =	ssyncset.s32 $0xFFFFF086  }
0x25: {  	[simem:s6], [sflag:s4] =	dma.local [hbm:s3], $0xF7A  }
0x26: {  	[smem:$0x3F8F] =	sst s1;
	(tag) =	ssettag s2;
	_ =	strace s9  }
0x27: {  	s1 =	sld [smem:$0x3F9F]  }
0x28: {  	s2 =	sld [smem:$0x3FA0]  }
0x29: {  	s4 =	sld [smem:$0x3FA2]  }
0x2a: {  	p0 =	seq.s32 s5, $0x0;
	s5 =	sld [smem:$0x3FA3]  }
0x2b: {  	s6 =	sld [smem:$0x3FA4]  }
0x2c: {  	s7 =	sld [smem:$0x3FA5]  }
0x2d: {  	s3 =	simm.s32 $0x108;
	s8 =	sld [smem:$0x3FA6]  }
0x2e: {  	s3 =	simm.s32 @!p0 $0x1082;
	s9 =	sld [smem:$0x3FA7]  }
0x2f: {  	lr =	sadd.s32 s0, s3;
	s0 =	sld [smem:$0x3F9E]  }
0x30: {  	s3 =	sld [smem:$0x3FA1]  }
0x31: {  	[smem:$0x3FAA] =	sst s10  }
0x32: {  	s10 =	sld [smem:$0x3FA8];
	_ =	sdelay $0x3  }
0x33: {  	p0 =	seq.s32 s10, $0x1;
	s10 =	sld [smem:$0x3FAA];
	_ =	sdelay $0x3  }
0x34: {  	[smem:$0x3FAA] =	sst s10  }
0x35: {  	s10 =	sld [smem:$0x3FA9];
	_ =	sdelay $0x3  }
0x36: {  	p1 =	seq.s32 s10, $0x1;
	s10 =	sld [smem:$0x3FAA];
	_ =	sdelay $0x3  }
0x37: {  	[smem:$0x3FAA] =	sst s10  }
0x38: {  	s10 =	sld [smem:$0x3FAB]  }
0x39: {  	_ = 	snop;
	(pc) =	sbr.ind lr, $3  }
0x3a: {  	_ = 	snop  }
0x3b: {  	_ = 	snop  }
0x3c: {  	p2 =	seq.s32 s10, $0x1;
	s10 =	sld [smem:$0x3FAA]  }
0x3d: {  	_ =	shalt  }
0x3e: {  	_ =	shalt  }
0x3f: {  	_ =	shalt  }
0x40: {  	_ =	shalt  }
0x41: {  	_ =	shalt  }
0x42: {  	_ =	shalt  }
0x43: {  	_ =	shalt  }
0x44: {  	_ =	shalt  }
0x45: {  	_ =	shalt  }
0x46: {  	_ =	shalt  }
0x47: {  	_ =	shalt  }
0x48: {  	_ =	shalt  }
0x49: {  	_ =	shalt  }
0x4a: {  	_ =	shalt  }
0x4b: {  	_ =	shalt  }
0x4c: {  	_ =	shalt  }
0x4d: {  	_ =	shalt  }
0x4e: {  	_ =	shalt  }
0x4f: {  	_ =	shalt  }
0x50: {  	_ =	shalt  }
0x51: {  	_ =	shalt  }
0x52: {  	_ =	shalt  }
0x53: {  	_ =	shalt  }
0x54: {  	_ =	shalt  }
0x55: {  	_ =	shalt  }
0x56: {  	_ =	shalt  }
0x57: {  	_ =	shalt  }
0x58: {  	_ =	shalt  }
0x59: {  	_ =	shalt  }
0x5a: {  	_ =	shalt  }
0x5b: {  	_ =	shalt  }
0x5c: {  	_ =	shalt  }
0x5d: {  	_ =	shalt  }
0x5e: {  	_ =	shalt  }
0x5f: {  	_ =	shalt  }
0x60: {  	_ =	shalt  }
0x61: {  	_ =	shalt  }
0x62: {  	_ =	shalt  }
0x63: {  	_ =	shalt  }
0x64: {  	_ =	shalt  }
0x65: {  	_ =	shalt  }
0x66: {  	_ =	shalt  }
0x67: {  	_ =	shalt  }
0x68: {  	_ =	shalt  }
0x69: {  	_ =	shalt  }
0x6a: {  	_ =	shalt  }
0x6b: {  	_ =	shalt  }
0x6c: {  	_ =	shalt  }
0x6d: {  	_ =	shalt  }
0x6e: {  	_ =	shalt  }
0x6f: {  	_ =	shalt  }
0x70: {  	_ =	shalt  }
0x71: {  	_ =	shalt  }
0x72: {  	_ =	shalt  }
0x73: {  	_ =	shalt  }
0x74: {  	_ =	shalt  }
0x75: {  	_ =	shalt  }
0x76: {  	_ =	shalt  }
0x77: {  	_ =	shalt  }
0x78: {  	_ =	shalt  }
0x79: {  	_ =	shalt  }
0x7a: {  	_ =	shalt  }
0x7b: {  	_ =	shalt  }
0x7c: {  	_ =	shalt  }
0x7d: {  	_ =	shalt  }
0x7e: {  	_ =	shalt  }
0x7f: {  	_ =	shalt  }
0x80: {  	_ =	shalt  }
0x81: {  	_ =	shalt  }
0x82: {  	_ =	shalt  }
0x83: {  	_ =	shalt  }
0x84: {  	_ =	shalt  }
0x85: {  	_ =	shalt  }
0x86: {  	_ =	shalt  }
0x87: {  	_ =	shalt  }
.Lfunc_end0:
.L_simem_size_0:
called_computation.2_lowered:
.L_overlay_start_0:
0x88: {  	s2 =	sld [smem:$0x3FD9]  }
0x89: {  	s3 =	sld [smem:$0x3FFE];
	_ =	sdelay $0x1  }
0x8a: {  	s1 =	srdreg.scid  }
0x8b: {  	s0 =	sand.u32 $0x1, s1  }
0x8c: {  	s17 =	sshll.u32 s0, $0xA;
	s2 =	sadd.s32 s3, s2  }
0x8d: {  	s2 =	sadd.s32 s2, s17  }
0x8e: {  	[smem:$0x3FB6] =	sst s2  }
0x8f: {  	_ = 	snop  }
0x90: {  	s2 =	sld [smem:$0x3FD0];
	(tm) =	ssettm $0x1  }
0x91: {  	s18 =	sld [smem:$0x3FFB];
	_ =	sdelay $0x3  }
0x92: {  	_ =	strace s18  }
0x93: {  	s3 =	sld [smem:$0x3FFC];
	_ =	sdelay $0x3  }
0x94: {  	_ =	strace s3  }
0x95: {  	s3 =	sld [smem:$0x3FFD];
	_ =	sdelay $0x3  }
0x96: {  	_ =	strace s3  }
0x97: {  	_ =	strace $0x8FFFFFFF  }
0x98: {  	s19 =	sld [smem:$0x3FDB];
	_ =	sdelay $0x1  }
0x99: {  	s4 =	simm.s32 $_scs_section_size  }
0x9a: {  	s5 =	simm.s32 $_size__tile_overlayer_lowered;
	s6 =	simm.s32 $_tile_overlayer_lowered  }
0x9b: {  	s22 =	simm.s32 $0x1BFF;
	s21 =	sshll.u32 s6, $0x1;
	s3 =	sadd.s32 s4, s19  }
0x9c: {  	s7 =	simm.s32 $0x0;
	s20 =	sshll.u32 s5, $0x1;
	s5 =	sadd.s32 s21, s3  }
0x9d: {  	[timem:s7], [sflag:s22] =	dma.local [hbm:s5], s20  }
0x9e: {  	_ =	swait.ge [sflag:s22], s20  }
0x9f: {  	s4 =	ssub.s32 $0x0, s20;
	[sflag:s22] =	ssyncset.done $0x0  }
0xa0: {  	[sflag:s22] =	ssyncadd.s32 s4;
	_ =	sdelay $0x1  }
0xa1: {  	s23 =	simm.s32 $0x1B8B  }
0xa2: {  	_ =	swait.ge [sflag:s23], $0x1  }
0xa3: {  	[sflag:s23] =	ssyncset.done $0x0  }
0xa4: {  	s25 =	simm.s32 $0x1B8E;
	s24 =	sld [smem:$0x3FFE];
	[sflag:s23] =	ssyncadd.s32 $0xFFFFFFFF  }
0xa5: {  	s26 =	simm.s32 $execute0_lowered;
	[smem:$0x3FD2] =	sst s25  }
0xa6: {  	s5 =	sshll.u32 s26, $0x1;
	_ =	strace $0x8000004C;
	[dreg:$0x1] =	wrdreg $0xFFFFFFFF  }
0xa7: {  	s28 =	simm.s32 $_size_execute0_lowered;
	s3 =	sadd.s32 s3, s5;
	[dreg:$0x0] =	wrdreg $0x0  }
0xa8: {  	s5 =	sshll.u32 s28, $0x1;
	[dreg:$0x2] =	wrdreg s3  }
0xa9: {  	[dreg:$0x3] =	wrdreg s5  }
0xaa: {  	[dreg:$0x4] =	wrdreg $0xC0  }
0xab: {  	_ =	task [dreg:s7], $0x5FFFF  }
0xac: {  	[dreg:$0x1] =	wrdreg $0xFFFFFFFF  }
0xad: {  	[dreg:$0x0] =	wrdreg $0x60  }
0xae: {  	[dreg:$0x2] =	wrdreg s2  }
0xaf: {  	[dreg:$0x3] =	wrdreg s24  }
0xb0: {  	[dreg:$0x4] =	wrdreg $0x81000  }
0xb1: {  	[dreg:$0x5] =	wrdreg $0x9  }
0xb2: {  	_ =	task.clear_ibuf [dreg:s7], $0x6FFFF;
	_ =	strace $0x9000004C  }
0xb3: {  	s29 =	simm.s32 $0x9;
	_ =	strace $0x8000004E  }
0xb4: {  	_ =	swait.ge [sflag:s29], $0x1  }
0xb5: {  	[sflag:s29] =	ssyncadd.s32 $0xFFFFFFFF  }
0xb6: {  	_ =	strace $0x9000004E  }
0xb7: {  	_ =	sfence  }
0xb8: {  	s30 =	sld [smem:$0x0];
	_ =	sdelay $0x2  }
0xb9: {  	s31 =	sshll.u32 s1, $0xD;
	s1 =	sshrl.u32 s1, $0x2  }
0xba: {  	s3 =	sand.u32 $0x4000, s31;
	s1 =	sadd.s32 s1, s30  }
0xbb: {  	s0 =	sor.u32 s3, s0;
	s1 =	sshll.u32 s1, $0x11  }
0xbc: {  	s0 =	sor.u32 s1, s0  }
0xbd: {  	s0 =	sadd.s32 $0x8F2B, s0  }
0xbe: {  	[sflag:s0] =	ssyncadd.remote.s32 $0x1  }
0xbf: {  	_ =	sfence.sel $0xFFFF  }
0xc0: {  	[dreg:$0x0] =	wrdreg $0xFFFFFFFF;
	(pc) =	sbr.abs _section_cstart, $3  }
0xc1: {  	[dreg:$0x1] =	wrdreg $0xFFFFFFFF  }
0xc2: {  	_ =	task.clear_ibuf [dreg:s7], $0x2FFFF;
	_ =	strace $0x9FFFFFFF  }
0xc3: {  	(tm) =	ssettm $0x7FFFFFFF  }
tec
execute0_lowered:
.L_overlay_start_1:
0x0: {  	(tag) =	ssettag $0x1  }
0x1: {  	s1 =	rddreg [dreg:$0x0]  }
0x2: {  	s0 =	rddreg [dreg:$0x1]  }
0x3: {  	s4 =	srdreg.scid;
	s28 =	stileid.u32  }
0x4: {  	s2 =	rddreg [dreg:$0x2];
	s5 =	sand.u32 $0x1, s4;
	s9 =	smul.u32 $0x2800, s28  }
0x5: {  	s3 =	simm.s32 $0x0;
	s8 =	sor.u32 $0x10, s28;
	s4 =	smul.u32 $0x138800, s5  }
0x6: {  	s29 =	simm.s32 $0x100;
	s10 =	sor.u32 $0x20, s28;
	s11 =	smul.u32 $0x2800, s8  }
0x7: {  	s30 =	simm.s32 $0x2;
	s19 =	sor.u32 $0x30, s28;
	s13 =	smul.u32 $0x2800, s10  }
0x8: {  	s31 =	simm.s32 $0x3;
	s21 =	sor.u32 $0x40, s28;
	s15 =	smul.u32 $0x2800, s19  }
0x9: {  	[smem:$0x7FF] =	sst s3;
	s22 =	sor.u32 $0x50, s28;
	s26 =	smul.u32 $0x2800, s21  }
0xa: {  	s6 =	sadd.s32 $0x500C00, s0;
	s23 =	sor.u32 $0x60, s28;
	s16 =	smul.u32 $0x2800, s22  }
0xb: {  	s7 =	sadd.s32 $0x4F6200, s0;
	s24 =	sor.u32 $0x70, s28;
	s17 =	smul.u32 $0x2800, s23  }
0xc: {  	_ =	strace $0x8000004D;
	s12 =	ssub.s32 $0x2, s5;
	s18 =	smul.u32 $0x2800, s24  }
0xd: {  	s8 =	smul.u32 $0xA000, s8;
	p0 =	sgt.u32 s24, $0x7C;
	s14 =	sshrl.u32 s12, $0x1  }
0xe: {  	s12 =	ssub.s32 s12, s14;
	s9 =	sadd.s32 s4, s9;
	s11 =	sadd.s32 s4, s11  }
0xf: {  	s13 =	sadd.s32 s4, s13;
	s15 =	sadd.s32 s4, s15;
	s14 =	sadd.s32 s4, s26  }
0x10: {  	s16 =	sadd.s32 s4, s16;
	s17 =	sadd.s32 s4, s17;
	s4 =	sadd.s32 s4, s18  }
0x11: {  	s18 =	sadd.s32 $0x9E3400, s0;
	s8 =	sshrl.u32 s8, $0x2;
	s9 =	sshrl.u32 s9, $0x3  }
0x12: {  	s20 =	sshrl.u32 s11, $0x3;
	s25 =	sshrl.u32 s13, $0x3;
	s26 =	sshrl.u32 s15, $0x3  }
0x13: {  	s14 =	sshrl.u32 s14, $0x3;
	s15 =	sshrl.u32 s16, $0x3;
	s16 =	sshrl.u32 s17, $0x3  }
0x14: {  	s4 =	sshrl.u32 s4, $0x3;
	s9 =	sadd.s32 s18, s9;
	s13 =	sadd.s32 s18, s26  }
0x15: {  	s17 =	sadd.s32 s18, s16;
	s26 =	smul.u32 $0xA000, s19;
	[dreg:$0x4] =	wrdreg s9  }
0x16: {  	s9 =	sadd.s32 s18, s20;
	[dreg:$0x7] =	wrdreg s13;
	s20 =	smul.u32 $0xA000, s28  }
0x17: {  	s16 =	sadd.s32 $0x4EC400, s0;
	[dreg:$0xa] =	wrdreg s17;
	s13 =	smul.u32 $0xA000, s23  }
0x18: {  	[dreg:$0x5] =	wrdreg s9;
	s9 =	sadd.s32 s18, s25;
	s25 =	smul.u32 $0xA000, s10  }
0x19: {  	s17 =	sadd.s32 $0x9E2C00, s0;
	s28 =	sshll.u32 s28, $0x1;
	s10 =	smul.u32 $0xA000, s21  }
0x1a: {  	s11 =	sshrl.u32 s26, $0x2;
	[dreg:$0x6] =	wrdreg s9;
	s9 =	sadd.s32 s18, s14  }
0x1b: {  	s14 =	smul.u32 $0xA000, s24;
	[dreg:$0x8] =	wrdreg s9;
	s9 =	sadd.s32 s18, s15  }
0x1c: {  	s15 =	sadd.s32 s18, s4;
	s18 =	smax.u32 s12, $0x1;
	s4 =	sshrl.u32 s20, $0x2  }
0x1d: {  	s20 =	sadd.s32 s8, s2;
	s0 =	sshrl.u32 s25, $0x2;
	s12 =	smul.u32 $0xA000, s22  }
0x1e: {  	s22 =	sadd.s32 s11, s2;
	s8 =	simm.s32 $0x4100;
	[dreg:$0x9] =	wrdreg s9  }
.Ltmp0:
0x1f: {  	s19 =	sadd.s32 s4, s2;
	s21 =	sadd.s32 s0, s2;
	(pc) =	sbr.rel .LBB2_1-.Ltmp0, $4  }
0x20: {  	s4 =	sshrl.u32 s10, $0x2;
	s0 =	sshrl.u32 s13, $0x2;
	s26 =	sshrl.u32 s14, $0x2  }
0x21: {  	s9 =	simm.s32 $0x0;
	s14 =	simm.s32 $0x0;
	s23 =	sadd.s32 s4, s2  }
0x22: {  	s25 =	sshrl.u32 s12, $0x2;
	s26 =	sadd.s32 s26, s2;
	s4 =	simm.s32 $0x1  }
0x23: {  	s24 =	sadd.s32 s25, s2;
	s25 =	sadd.s32 s0, s2;
	s0 =	simm.s32 $0x80  }
.LBB2_7:
0x24: {  	[bflag:$0x0] =	sbarrier.arrive $0xFFFF  }
0x25: {  	[tilespmem:s29], [sflag:$0x3] =	stream.linear.gather [spmem:s19], $0x2800, $0x38;
	[tilespmem:$0x1B980] =	vst v63  }
0x26: {  	_ =	swait.ge [sflag:s31], $0x2800  }
0x27: {  	[sflag:s31] =	ssyncset.done $0x0  }
0x28: {  	s10 =	rddreg [dreg:$0x4];
	[sflag:s31] =	ssyncadd.s32 $0xFFFFD800  }
0x29: {  	[hbm4b:s10+s3] =	stream.linear.scatter [tilespmem:s29], [sflag:$0x2], $0x2800, $0x38;
	[tilespmem:$0x1B980] =	vst v63  }
0x2a: {  	_ =	swait.ge [sflag:s30], $0x2800  }
0x2b: {  	[sflag:s30] =	ssyncset.done $0x0  }
0x2c: {  	[sflag:s30] =	ssyncadd.s32 $0xFFFFD800  }
0x2d: {  	[tilespmem:s29], [sflag:$0x3] =	stream.linear.gather [spmem:s20], $0x2800, $0x38;
	[tilespmem:$0x1B980] =	vst v63  }
0x2e: {  	_ =	swait.ge [sflag:s31], $0x2800  }
0x2f: {  	[sflag:s31] =	ssyncset.done $0x0  }
0x30: {  	s11 =	rddreg [dreg:$0x5];
	[sflag:s31] =	ssyncadd.s32 $0xFFFFD800  }
0x31: {  	[hbm4b:s11+s3] =	stream.linear.scatter [tilespmem:s29], [sflag:$0x2], $0x2800, $0x38;
	[tilespmem:$0x1B980] =	vst v63  }
0x32: {  	_ =	swait.ge [sflag:s30], $0x2800  }
0x33: {  	[sflag:s30] =	ssyncset.done $0x0  }
0x34: {  	[sflag:s30] =	ssyncadd.s32 $0xFFFFD800  }
0x35: {  	[tilespmem:s29], [sflag:$0x3] =	stream.linear.gather [spmem:s21], $0x2800, $0x38;
	[tilespmem:$0x1B980] =	vst v63  }
0x36: {  	_ =	swait.ge [sflag:s31], $0x2800  }
0x37: {  	[sflag:s31] =	ssyncset.done $0x0  }
0x38: {  	s12 =	rddreg [dreg:$0x6];
	[sflag:s31] =	ssyncadd.s32 $0xFFFFD800  }
0x39: {  	[hbm4b:s12+s3] =	stream.linear.scatter [tilespmem:s29], [sflag:$0x2], $0x2800, $0x38;
	[tilespmem:$0x1B980] =	vst v63  }
0x3a: {  	_ =	swait.ge [sflag:s30], $0x2800  }
0x3b: {  	[sflag:s30] =	ssyncset.done $0x0  }
0x3c: {  	[sflag:s30] =	ssyncadd.s32 $0xFFFFD800  }
0x3d: {  	[tilespmem:s29], [sflag:$0x3] =	stream.linear.gather [spmem:s22], $0x2800, $0x38;
	[tilespmem:$0x1B980] =	vst v63  }
0x3e: {  	_ =	swait.ge [sflag:s31], $0x2800  }
0x3f: {  	[sflag:s31] =	ssyncset.done $0x0  }
0x40: {  	s13 =	rddreg [dreg:$0x7];
	[sflag:s31] =	ssyncadd.s32 $0xFFFFD800  }
0x41: {  	[hbm4b:s13+s3] =	stream.linear.scatter [tilespmem:s29], [sflag:$0x2], $0x2800, $0x38;
	[tilespmem:$0x1B980] =	vst v63  }
0x42: {  	_ =	swait.ge [sflag:s30], $0x2800  }
0x43: {  	[sflag:s30] =	ssyncset.done $0x0  }
0x44: {  	[sflag:s30] =	ssyncadd.s32 $0xFFFFD800  }
0x45: {  	[tilespmem:s29], [sflag:$0x3] =	stream.linear.gather [spmem:s23], $0x2800, $0x38;
	[tilespmem:$0x1B980] =	vst v63  }
0x46: {  	_ =	swait.ge [sflag:s31], $0x2800  }
0x47: {  	[sflag:s31] =	ssyncset.done $0x0  }
0x48: {  	s11 =	rddreg [dreg:$0x8];
	[sflag:s31] =	ssyncadd.s32 $0xFFFFD800  }
0x49: {  	[hbm4b:s11+s3] =	stream.linear.scatter [tilespmem:s29], [sflag:$0x2], $0x2800, $0x38;
	[tilespmem:$0x1B980] =	vst v63  }
0x4a: {  	_ =	swait.ge [sflag:s30], $0x2800  }
0x4b: {  	[sflag:s30] =	ssyncset.done $0x0  }
0x4c: {  	[sflag:s30] =	ssyncadd.s32 $0xFFFFD800  }
0x4d: {  	[tilespmem:s29], [sflag:$0x3] =	stream.linear.gather [spmem:s24], $0x2800, $0x38;
	[tilespmem:$0x1B980] =	vst v63  }
0x4e: {  	_ =	swait.ge [sflag:s31], $0x2800  }
0x4f: {  	[sflag:s31] =	ssyncset.done $0x0  }
0x50: {  	s12 =	rddreg [dreg:$0x9];
	[sflag:s31] =	ssyncadd.s32 $0xFFFFD800  }
0x51: {  	[hbm4b:s12+s3] =	stream.linear.scatter [tilespmem:s29], [sflag:$0x2], $0x2800, $0x38;
	[tilespmem:$0x1B980] =	vst v63  }
0x52: {  	_ =	swait.ge [sflag:s30], $0x2800  }
0x53: {  	[sflag:s30] =	ssyncset.done $0x0  }
0x54: {  	[sflag:s30] =	ssyncadd.s32 $0xFFFFD800  }
0x55: {  	[tilespmem:s29], [sflag:$0x3] =	stream.linear.gather [spmem:s25], $0x2800, $0x38;
	[tilespmem:$0x1B980] =	vst v63  }
0x56: {  	_ =	swait.ge [sflag:s31], $0x2800  }
0x57: {  	[sflag:s31] =	ssyncset.done $0x0  }
0x58: {  	s13 =	rddreg [dreg:$0xa];
	[sflag:s31] =	ssyncadd.s32 $0xFFFFD800  }
0x59: {  	[hbm4b:s13+s3] =	stream.linear.scatter [tilespmem:s29], [sflag:$0x2], $0x2800, $0x38;
	[tilespmem:$0x1B980] =	vst v63  }
0x5a: {  	_ =	swait.ge [sflag:s30], $0x2800  }
0x5b: {  	[sflag:s30] =	ssyncset.done $0x0  }
0x5c: {  	s10 =	simm.s32 @!p0 $0x100;
	s11 =	simm.s32 @!p0 $0x3;
	[sflag:s30] =	ssyncadd.s32 $0xFFFFD800  }
0x5d: {  	[tilespmem:s10], [sflag:$0x3] =	stream.linear.gather @!p0 [spmem:s26], $0x2800, $0x38;
	[tilespmem:$0x1B980] =	vst v63  }
0x5e: {  	_ =	swait.ge @!p0 [sflag:s11], $0x2800  }
0x5f: {  	s9 =	sadd.s32 $0x1, s9;
	[sflag:s11] =	ssyncset.done @!p0 $0x0  }
0x60: {  	p1 =	sne.s32 s9, s18;
	[sflag:s11] =	ssyncadd.s32 @!p0 $0xFFFFD800;
	s11 =	simm.s32 @!p0 $0x0  }
0x61: {  	[hbm4b:s15+s11] =	stream.linear.scatter @!p0 [tilespmem:s10], [sflag:$0x2], $0x2800, $0x38;
	[tilespmem:$0x1B980] =	vst v63  }
.Ltmp1:
0x62: {  	_ = 	snop;
	(pc) =	sbr.rel @!p1 .LBB2_8-.Ltmp1, $4  }
0x63: {  	s10 =	simm.s32 @!p0 $0x2  }
0x64: {  	_ =	swait.ge @!p0 [sflag:s10], $0x2800  }
0x65: {  	[sflag:s10] =	ssyncset.done @!p0 $0x0  }
0x66: {  	[sflag:s10] =	ssyncadd.s32 @!p0 $0xFFFFD800  }
.LBB2_1:
0x67: {  	[tilespmem:s29], [sflag:$0x2] =	stream.linear.gather [hbm4b:s17+s3], $0x4000, $0x38;
	[tilespmem:$0x1B980] =	vst v63  }
0x68: {  	_ =	swait.ge [sflag:s30], $0x4000  }
0x69: {  	[sflag:s30] =	ssyncset.done $0x0  }
0x6a: {  	[sflag:s30] =	ssyncadd.s32 $0xFFFFC000  }
0x6b: {  	[spmem:s19] =	stream.linear.scatter [tilespmem:s29], [sflag:$0x2], $0x2800, $0x38;
	[tilespmem:$0x1B980] =	vst v63  }
0x6c: {  	_ =	swait.ge [sflag:s30], $0x2800  }
0x6d: {  	[sflag:s30] =	ssyncset.done $0x0  }
0x6e: {  	[sflag:s30] =	ssyncadd.s32 $0xFFFFD800  }
0x6f: {  	[spmem:s20] =	stream.linear.scatter [tilespmem:s29], [sflag:$0x2], $0x2800, $0x38;
	[tilespmem:$0x1B980] =	vst v63  }
0x70: {  	_ =	swait.ge [sflag:s30], $0x2800  }
0x71: {  	[sflag:s30] =	ssyncset.done $0x0  }
0x72: {  	[sflag:s30] =	ssyncadd.s32 $0xFFFFD800  }
0x73: {  	[spmem:s21] =	stream.linear.scatter [tilespmem:s29], [sflag:$0x2], $0x2800, $0x38;
	[tilespmem:$0x1B980] =	vst v63  }
0x74: {  	_ =	swait.ge [sflag:s30], $0x2800  }
0x75: {  	[sflag:s30] =	ssyncset.done $0x0  }
0x76: {  	[sflag:s30] =	ssyncadd.s32 $0xFFFFD800  }
0x77: {  	[spmem:s22] =	stream.linear.scatter [tilespmem:s29], [sflag:$0x2], $0x2800, $0x38;
	[tilespmem:$0x1B980] =	vst v63  }
0x78: {  	_ =	swait.ge [sflag:s30], $0x2800  }
0x79: {  	[sflag:s30] =	ssyncset.done $0x0  }
0x7a: {  	[sflag:s30] =	ssyncadd.s32 $0xFFFFD800  }
0x7b: {  	[spmem:s23] =	stream.linear.scatter [tilespmem:s29], [sflag:$0x2], $0x2800, $0x38;
	[tilespmem:$0x1B980] =	vst v63  }
0x7c: {  	_ =	swait.ge [sflag:s30], $0x2800  }
0x7d: {  	[sflag:s30] =	ssyncset.done $0x0  }
0x7e: {  	[sflag:s30] =	ssyncadd.s32 $0xFFFFD800  }
0x7f: {  	[spmem:s24] =	stream.linear.scatter [tilespmem:s29], [sflag:$0x2], $0x2800, $0x38;
	[tilespmem:$0x1B980] =	vst v63  }
0x80: {  	_ =	swait.ge [sflag:s30], $0x2800  }
0x81: {  	[sflag:s30] =	ssyncset.done $0x0  }
0x82: {  	[sflag:s30] =	ssyncadd.s32 $0xFFFFD800  }
0x83: {  	[spmem:s25] =	stream.linear.scatter [tilespmem:s29], [sflag:$0x2], $0x2800, $0x38;
	[tilespmem:$0x1B980] =	vst v63  }
0x84: {  	_ =	swait.ge [sflag:s30], $0x2800  }
0x85: {  	[sflag:s30] =	ssyncset.done $0x0  }
0x86: {  	s10 =	simm.s32 @!p0 $0x100;
	[sflag:s30] =	ssyncadd.s32 $0xFFFFD800  }
0x87: {  	[spmem:s26] =	stream.linear.scatter @!p0 [tilespmem:s10], [sflag:$0x2], $0x2800, $0x38;
	[tilespmem:$0x1B980] =	vst v63  }
0x88: {  	s10 =	simm.s32 @!p0 $0x2  }
.Ltmp2:
0x89: {  	_ =	swait.ge @!p0 [sflag:s10], $0x2800;
	(pc) =	sbr.rel .LBB2_2-.Ltmp2, $4  }
0x8a: {  	[sflag:s10] =	ssyncset.done @!p0 $0x0  }
0x8b: {  	[sflag:s10] =	ssyncadd.s32 @!p0 $0xFFFFD800  }
0x8c: {  	[bflag:$0x0] =	sbarrier.arrive $0xFFFF  }
0x8d: {  	s10 =	simm.s32 $0x0  }
.LBB2_6:
0x8e: {  	s10 =	sadd.s32 $0x1, s10  }
0x8f: {  	p1 =	sne.s32 s10, $0x4F  }
.Ltmp3:
0x90: {  	_ = 	snop;
	(pc) =	sbr.rel @!p1 .LBB2_7-.Ltmp3, $1  }
0x91: {  	_ =	sdelay $0x3  }
.LBB2_2:
0x92: {  	s11 =	sshll.u32 s10, $0x5  }
0x93: {  	s11 =	sor.u32 s28, s11  }
0x94: {  	p1 =	sgt.u32 s11, $0x9C3  }
.Ltmp4:
0x95: {  	_ = 	snop;
	(pc) =	sbr.rel @p1 .LBB2_6-.Ltmp4, $1  }
0x96: {  	_ =	sdelay $0x3  }
0x97: {  	s11 =	sor.u32 s5, s11  }
0x98: {  	s12 =	sshll.u32 s11, $0x4  }
0x99: {  	s13 =	sadd.s32 s7, s12  }
0x9a: {  	[tilespmem:s14], [sflag:$0x3] =	stream.linear.gather [hbm4b:s13+s14], $0x80, $0x38;
	[tilespmem:$0x1B980] =	vst v63  }
0x9b: {  	_ =	swait.ge [sflag:s31], $0x80  }
0x9c: {  	[sflag:s31] =	ssyncset.done $0x0  }
0x9d: {  	s12 =	sadd.s32 s16, s12;
	[sflag:s31] =	ssyncadd.s32 $0xFFFFFF80  }
0x9e: {  	[tilespmem:s0], [sflag:$0x3] =	stream.linear.gather [hbm4b:s12+s14], $0x80, $0x38;
	[tilespmem:$0x1B980] =	vst v63  }
0x9f: {  	_ =	swait.ge [sflag:s31], $0x80  }
0xa0: {  	[sflag:s31] =	ssyncset.done $0x0  }
0xa1: {  	[sflag:s31] =	ssyncadd.s32 $0xFFFFFF80  }
0xa2: {  	[tilespmem:s29], [sflag:$0x1] =	stream.indirect.gather [hbm4b:s1+s0], $0x80, s14, s0, $0xb8;
	[tilespmem:$0x1B980] =	vst v63  }
0xa3: {  	_ =	swait.ge [sflag:s4], $0x4000  }
0xa4: {  	s11 =	sshll.u32 s11, $0xB;
	[sflag:s4] =	ssyncset.done $0x0  }
0xa5: {  	s11 =	sadd.s32 s6, s11;
	[sflag:s4] =	ssyncadd.s32 $0xFFFFC000  }
0xa6: {  	[tilespmem:s8], [sflag:$0x3] =	stream.linear.gather [hbm4b:s11+s14], $0x4000, $0x38;
	[tilespmem:$0x1B980] =	vst v63  }
0xa7: {  	_ =	swait.ge [sflag:s31], $0x4000  }
0xa8: {  	[sflag:s31] =	ssyncset.done $0x0  }
0xa9: {  	s11 =	simm.s32 $0x0;
	[sflag:s31] =	ssyncadd.s32 $0xFFFFC000  }
0xaa: {  	v7 =	vld [tilespmem:s11+$0x4100]  }
0xab: {  	v11 =	vld [tilespmem:s11+$0x4110]  }
0xac: {  	v5 =	vld [tilespmem:s11+$0x4120]  }
0xad: {  	v4 =	vld [tilespmem:s11+$0x4130]  }
0xae: {  	v3 =	vld [tilespmem:s11+$0x4140]  }
0xaf: {  	v2 =	vld [tilespmem:s11+$0x4150]  }
0xb0: {  	v1 =	vld [tilespmem:s11+$0x4160]  }
0xb1: {  	v0 =	vld [tilespmem:s11+$0x4170]  }
0xb2: {  	v12 =	vld [tilespmem:s11+$0x100]  }
0xb3: {  	v13 =	vld [tilespmem:s11+$0x110]  }
0xb4: {  	v10 =	vld [tilespmem:s11+$0x120]  }
0xb5: {  	v9 =	vld [tilespmem:s11+$0x130]  }
0xb6: {  	v8 =	vld [tilespmem:s11+$0x140]  }
0xb7: {  	v6 =	vld [tilespmem:s11+$0x150];
	v12 =	vadd.f32 v7, v12  }
0xb8: {  	s12 =	simm.s32 $0x200;
	v11 =	vadd.f32 v11, v13;
	v7 =	vld [tilespmem:s11+$0x160]  }
.LBB2_4:
0xb9: {  	s13 =	sshra.s32 s12, $0x2;
	p1 =	sne.s32 s12, $0xFE00;
	[tilespmem:s11+$0x100] =	vst v12;
	v5 =	vadd.f32 v5, v10;
	v10 =	vld [tilespmem:s11+$0x170]  }
0xba: {  	v12 =	vld [tilespmem:s13+$0x4100];
	[tilespmem:s11+$0x110] =	vst v11;
	v4 =	vadd.f32 v4, v9  }
0xbb: {  	v11 =	vld [tilespmem:s13+$0x4110];
	[tilespmem:s11+$0x120] =	vst v5;
	v3 =	vadd.f32 v3, v8  }
0xbc: {  	v5 =	vld [tilespmem:s13+$0x4120];
	[tilespmem:s11+$0x130] =	vst v4;
	v2 =	vadd.f32 v2, v6  }
0xbd: {  	v4 =	vld [tilespmem:s13+$0x4130];
	[tilespmem:s11+$0x140] =	vst v3;
	v1 =	vadd.f32 v1, v7  }
0xbe: {  	v3 =	vld [tilespmem:s13+$0x4140];
	[tilespmem:s11+$0x150] =	vst v2;
	v0 =	vadd.f32 v0, v10  }
0xbf: {  	v2 =	vld [tilespmem:s13+$0x4150];
	[tilespmem:s11+$0x160] =	vst v1  }
0xc0: {  	v1 =	vld [tilespmem:s13+$0x4160];
	[tilespmem:s11+$0x170] =	vst v0;
	s11 =	smov.u32 s13  }
0xc1: {  	v0 =	vld [tilespmem:s11+$0x4170]  }
0xc2: {  	v6 =	vld [tilespmem:s11+$0x100]  }
0xc3: {  	v7 =	vld [tilespmem:s11+$0x110]  }
.Ltmp5:
0xc4: {  	v10 =	vld [tilespmem:s11+$0x120];
	(pc) =	sbr.rel @p1 .LBB2_4-.Ltmp5, $4  }
0xc5: {  	v9 =	vld [tilespmem:s11+$0x130]  }
0xc6: {  	v8 =	vld [tilespmem:s11+$0x140]  }
0xc7: {  	v12 =	vadd.f32 v12, v6;
	v6 =	vld [tilespmem:s11+$0x150]  }
0xc8: {  	s12 =	sadd.s32 $0x200, s12;
	v11 =	vadd.f32 v11, v7;
	v7 =	vld [tilespmem:s11+$0x160]  }
0xc9: {  	[tilespmem:s11+$0x100] =	vst v12;
	v5 =	vadd.f32 v5, v10;
	v63 =	vld [tilespmem:s11+$0x170]  }
0xca: {  	[tilespmem:s11+$0x110] =	vst v11;
	v4 =	vadd.f32 v4, v9  }
0xcb: {  	[tilespmem:s11+$0x120] =	vst v5;
	v3 =	vadd.f32 v3, v8  }
0xcc: {  	[tilespmem:s11+$0x130] =	vst v4;
	v2 =	vadd.f32 v2, v6  }
0xcd: {  	[tilespmem:s11+$0x140] =	vst v3;
	v1 =	vadd.f32 v1, v7  }
0xce: {  	[tilespmem:s11+$0x150] =	vst v2;
	v0 =	vadd.f32 v0, v63  }
0xcf: {  	[tilespmem:s11+$0x160] =	vst v1  }
.Ltmp6:
0xd0: {  	[tilespmem:s11+$0x170] =	vst v0;
	(pc) =	sbr.rel .LBB2_6-.Ltmp6, $4  }
0xd1: {  	[spmem:s2] =	stream.indirect.scatter.add.f32 [tilespmem:s29], [sflag:$0x2], $0x80, s0, s0, $0xb8;
	[tilespmem:$0x1B980] =	vst v63  }
0xd2: {  	_ =	swait.ge [sflag:s30], $0x4000  }
0xd3: {  	[sflag:s30] =	ssyncset.done $0x0  }
0xd4: {  	[sflag:s30] =	ssyncadd.s32 $0xFFFFC000  }
.LBB2_8:
0xd5: {  	_ =	sfence.sel $0x180000  }
0xd6: {  	[bflag:$0x0] =	sbarrier.arrive $0xFFFF  }
0xd7: {  	_ =	strace $0x9000004D  }
0xd8: {  	s0 =	stileid.u32;
	[bflag:$0x2] =	sbarrier.arrive $0xFFFF  }
0xd9: {  	p0 =	sne.s32 s0, $0x0;
	s0 =	rddreg [dreg:$0x3]  }
0xda: {  	s0 =	sadd.s32 @!p0 $0x100000, s0  }
0xdb: {  	[sflag:s0] =	ssyncadd.tile.s32 @!p0 $0x1;
	_ =	shalt  }
.Lfunc_end2:
_tile_overlayer_lowered:
.L_overlay_start_2:
0xdc: {  	(tag) =	ssettag $0x2  }
0xdd: {  	s0 =	rddreg [dreg:$0x0];
	s2 =	stileid.u32  }
0xde: {  	s1 =	rddreg [dreg:$0x1];
	p0 =	sne.s32 s2, $0x0  }
0xdf: {  	s3 =	rddreg [dreg:$0x2];
	[bflag:$0x3] =	sbarrier.arrive $0xFFFF;
	s2 =	simm.s32 @!p0 $0x1C02  }
0xe0: {  	[timem:s3], [sflag:s2] =	dma.local @!p0 [hbm:s0], s1  }
0xe1: {  	s0 =	simm.s32 @!p0 $0x2  }
0xe2: {  	_ =	swait.ge @!p0 [sflag:s0], s1  }
0xe3: {  	s1 =	ssub.s32 @!p0 $0x0, s1;
	[sflag:s0] =	ssyncset.done @!p0 $0x0  }
0xe4: {  	[sflag:s0] =	ssyncadd.s32 @!p0 s1  }
0xe5: {  	[bflag:$0x3] =	sbarrier.arrive $0xFFFF  }
0xe6: {  	_ =	shalt  }

</sc_bundles>
